<compile_context>
chip_gen: v7x
topology: tpu7x:2x2x1
jax: 0.10.2.dev20260603
libtpu: 0.0.44.dev20260713+nightly
codegen_flags: <defaults>
</compile_context>

<pallas_src>
import functools

import jax
import jax.numpy as jnp
from jax.experimental import pallas as pl
from jax.experimental.pallas import tpu as pltpu
from jax.experimental.pallas import tpu_sc as plsc

N = 10000
D_IN = 128
D_H = 128
N_CLS = 64
NC = 2
NS = 16
NW = NC * NS



def _tc_lin_relu(x, wt, b):
    def body(x_ref, w_ref, b_ref, o_ref):
        o_ref[...] = jnp.maximum(
            jnp.dot(x_ref[...], w_ref[...], preferred_element_type=jnp.float32)
            + b_ref[...], 0.0)
    return pl.pallas_call(
        body,
        out_shape=jax.ShapeDtypeStruct((x.shape[0], wt.shape[1]), jnp.float32),
    )(x, wt, b)


def _tc_add3_lin(y, p0, p1, wt, b, relu_out):
    def body(y_ref, p0_ref, p1_ref, w_ref, b_ref, o_ref):
        h = jnp.maximum(y_ref[...] + p0_ref[...] + p1_ref[...], 0.0)
        o = jnp.dot(h, w_ref[...], preferred_element_type=jnp.float32) + b_ref[...]
        o_ref[...] = jnp.maximum(o, 0.0) if relu_out else o
    return pl.pallas_call(
        body,
        out_shape=jax.ShapeDtypeStruct((y.shape[0], wt.shape[1]), jnp.float32),
    )(y, p0, p1, wt, b)


def _tc_pool_log_softmax(r0, r1, n_cls):
    def body(a_ref, b_ref, o_ref):
        z = a_ref[...][:, :n_cls] + b_ref[...][:, :n_cls]
        z = z - jnp.max(z, axis=1, keepdims=True)
        o_ref[...] = z - jnp.log(jnp.sum(jnp.exp(z), axis=1, keepdims=True))
    return pl.pallas_call(
        body,
        out_shape=jax.ShapeDtypeStruct((r0.shape[0], n_cls), jnp.float32),
    )(r0, r1)



def _sc_edge_scatter(y, src, dst):
    e_tot = src.shape[0]
    d_feat = y.shape[1]
    ew = e_tot // NW
    k = 80
    ch = ew // k
    assert ew * NW == e_tot and ch * k == ew
    nchunks = N // k
    zmax = (nchunks + NS - 1) // NS

    mesh = plsc.VectorSubcoreMesh(core_axis_name="c", subcore_axis_name="s")

    @functools.partial(
        pl.kernel,
        out_type=jax.ShapeDtypeStruct((NC, N, d_feat), jnp.float32),
        mesh=mesh,
        scratch_types=[
            pltpu.VMEM((k,), jnp.int32),
            pltpu.VMEM((k,), jnp.int32),
            pltpu.VMEM((k, d_feat), jnp.float32),
            pltpu.VMEM_SHARED((N, d_feat), jnp.float32),
            pltpu.SemaphoreType.DMA,
        ],
    )
    def kern(y_hbm, src_hbm, dst_hbm, out_hbm, srcv, dstv, rows, acc, sem):
        cid = jax.lax.axis_index("c")
        sid = jax.lax.axis_index("s")
        wid = cid * NS + sid

        lanes = d_feat // 16

        def zbody(t, carry):
            rows[t // lanes, pl.ds((t % lanes) * 16, 16)] = jnp.zeros(
                (16,), jnp.float32)
            return carry
        jax.lax.fori_loop(0, k * lanes, zbody, None)

        for j in range(zmax):
            c = sid * zmax + j

            @pl.when(c < nchunks)
            def _():
                pltpu.sync_copy(rows, acc.at[pl.ds(c * k, k)])

        plsc.subcore_barrier()

        def ebody(i, carry):
            ebase = wid * ew + i * k
            pltpu.sync_copy(src_hbm.at[pl.ds(ebase, k)], srcv)
            pltpu.sync_copy(dst_hbm.at[pl.ds(ebase, k)], dstv)
            pltpu.async_copy(y_hbm.at[srcv], rows, sem).wait()
            pltpu.sync_copy(rows, acc.at[dstv], add=True)
            return carry
        jax.lax.fori_loop(0, ch, ebody, None)
        plsc.subcore_barrier()

        for j in range(zmax):
            c = sid * zmax + j

            @pl.when(c < nchunks)
            def _():
                pltpu.sync_copy(acc.at[pl.ds(c * k, k)],
                                out_hbm.at[cid, pl.ds(c * k, k)])

    return kern(y, src, dst)


def _sc_pv_scatter(logits, pv):
    d_feat = logits.shape[1]
    k = 80
    ch_tot = N // k
    jmax = (ch_tot + NW - 1) // NW
    zmax = (ch_tot + NS - 1) // NS

    mesh = plsc.VectorSubcoreMesh(core_axis_name="c", subcore_axis_name="s")

    @functools.partial(
        pl.kernel,
        out_type=jax.ShapeDtypeStruct((NC, N, d_feat), jnp.float32),
        mesh=mesh,
        scratch_types=[
            pltpu.VMEM((k,), jnp.int32),
            pltpu.VMEM((k, d_feat), jnp.float32),
            pltpu.VMEM_SHARED((N, d_feat), jnp.float32),
        ],
    )
    def kern(l_hbm, pv_hbm, out_hbm, idxv, rows, acc):
        cid = jax.lax.axis_index("c")
        sid = jax.lax.axis_index("s")
        wid = cid * NS + sid

        lanes = d_feat // 16

        def zbody(t, carry):
            rows[t // lanes, pl.ds((t % lanes) * 16, 16)] = jnp.zeros(
                (16,), jnp.float32)
            return carry
        jax.lax.fori_loop(0, k * lanes, zbody, None)

        for j in range(zmax):
            c = sid * zmax + j

            @pl.when(c < ch_tot)
            def _():
                pltpu.sync_copy(rows, acc.at[pl.ds(c * k, k)])

        plsc.subcore_barrier()

        for j in range(jmax):
            c = wid * jmax + j

            @pl.when(c < ch_tot)
            def _():
                rbase = c * k
                pltpu.sync_copy(pv_hbm.at[pl.ds(rbase, k)], idxv)
                pltpu.sync_copy(l_hbm.at[pl.ds(rbase, k)], rows)
                pltpu.sync_copy(rows, acc.at[idxv], add=True)

        plsc.subcore_barrier()

        for j in range(zmax):
            c = sid * zmax + j

            @pl.when(c < ch_tot)
            def _():
                pltpu.sync_copy(acc.at[pl.ds(c * k, k)],
                                out_hbm.at[cid, pl.ds(c * k, k)])

    return kern(logits, pv)



def kernel(x, edge_index, pv_idx, W1, b1, W2, b2, Wf, bf):
    src = edge_index[0].astype(jnp.int32)
    dst = edge_index[1].astype(jnp.int32)
    pv = pv_idx.astype(jnp.int32)
    w1t = W1.T
    w2t = W2.T
    b1r = b1.reshape(1, -1)
    b2r = b2.reshape(1, -1)
    n_cls = Wf.shape[0]
    wft = jnp.pad(Wf.T, ((0, 0), (0, D_H - n_cls)))
    bfr = jnp.pad(bf, (0, D_H - n_cls)).reshape(1, -1)

    y1 = _tc_lin_relu(x, w1t, b1r)
    p = _sc_edge_scatter(y1, src, dst)
    y2 = _tc_add3_lin(y1, p[0], p[1], w2t, b2r, relu_out=True)
    q = _sc_edge_scatter(y2, src, dst)
    logits = _tc_add3_lin(y2, q[0], q[1], wft, bfr, relu_out=False)
    r = _sc_pv_scatter(logits, pv)
    return _tc_pool_log_softmax(r[0], r[1], n_cls)

# --- scband reference (transcript-rebuilt; emitter-appended) ---
"""Pipeline reference for scband-mpnnnode-classifier-60344290509247 (READ-ONLY COPY).

The authoritative reference and input builder live on the scoring server;
editing this copy changes nothing except your own understanding.
"""

import jax, jax.numpy as jnp
import numpy as np

N = 10000
E = 320000
D_IN = 128
D_H = 128
N_CLS = 64


def setup_inputs(seed: int = 0) -> dict:
    key = jax.random.key(seed)
    ks = jax.random.split(key, 10)
    x = jax.random.normal(ks[0], (N, D_IN), dtype=jnp.float32)
    edge_index = jax.random.randint(ks[1], (2, E), 0, N, dtype=jnp.int64)
    pv_idx = jax.random.randint(ks[2], (N,), 0, N, dtype=jnp.int64)
    W1 = jax.random.normal(ks[3], (D_H, D_IN), dtype=jnp.float32) * 0.02
    b1 = jnp.zeros((D_H,), dtype=jnp.float32)
    W2 = jax.random.normal(ks[4], (D_H, D_H), dtype=jnp.float32) * 0.02
    b2 = jnp.zeros((D_H,), dtype=jnp.float32)
    Wf = jax.random.normal(ks[5], (N_CLS, D_H), dtype=jnp.float32) * 0.02
    bf = jnp.zeros((N_CLS,), dtype=jnp.float32)
    return {"x": x, "edge_index": edge_index, "pv_idx": pv_idx,
            "W1": W1, "b1": b1, "W2": W2, "b2": b2, "Wf": Wf, "bf": bf}


def _add_self_loops(edge_index, num_nodes):
    loop = jnp.arange(num_nodes, dtype=edge_index.dtype)
    loops = jnp.stack([loop, loop], axis=0)
    return jnp.concatenate([edge_index, loops], axis=1)


def _mpnn_conv(x, edge_index, W, b):
    # message: relu(lin(x_j)) gathered from source nodes, aggr='add' at dst
    src = edge_index[0]
    dst = edge_index[1]
    x_j = jnp.take(x, src, axis=0)
    msg = jax.nn.relu(x_j @ W.T + b)
    out = jnp.zeros((x.shape[0], W.shape[0]), dtype=x.dtype).at[dst].add(msg)
    return out


def reference(x, edge_index, pv_idx, W1, b1, W2, b2, Wf, bf):
    ei = _add_self_loops(edge_index, x.shape[0])
    h = _mpnn_conv(x, ei, W1, b1)
    h = jax.nn.relu(h)
    # dropout p=0.5 is identity in eval mode
    h = _mpnn_conv(h, ei, W2, b2)
    h = jax.nn.relu(h)
    logits = h @ Wf.T + bf
    # torch.spmm(PvT, logits) with PvT having a single 1.0 per column at row pv_idx[n]
    pooled = jnp.zeros((N, N_CLS), dtype=logits.dtype).at[pv_idx].add(logits)
    return jax.nn.log_softmax(pooled, axis=1)

if __name__ == "__main__":
    import jax
    _d = setup_inputs()
    print(jax.jit(kernel)(*tuple(_d.values())))

</pallas_src>

<mosaic_0001>
#map = affine_map<(d0, d1) -> (0, 0)>
#map1 = affine_map<(d0, d1) -> (0)>
#map2 = affine_map<(d0, d1) -> (0, 0, 0)>
module attributes {stable_mosaic.version = 14 : i64} {
  func.func @kern(%arg0: i32, %arg1: i32, %arg2: memref<10000x128xf32, #tpu.memory_space<hbm>>, %arg3: memref<320000xi32, #tpu.memory_space<hbm>>, %arg4: memref<320000xi32, #tpu.memory_space<hbm>>, %arg5: memref<2x10000x128xf32, #tpu.memory_space<hbm>>, %arg6: memref<80xi32, #tpu.memory_space<vmem>>, %arg7: memref<80xi32, #tpu.memory_space<vmem>>, %arg8: memref<80x128xf32, #tpu.memory_space<vmem>>, %arg9: memref<10000x128xf32, #tpu.memory_space<vmem_shared>>, %arg10: memref<!tpu.dma_semaphore, #tpu.memory_space<semaphore_mem>>) attributes {dimension_semantics = [#tpu.dimension_semantics<core_parallel>, #tpu.dimension_semantics<subcore_parallel>], iteration_bounds = array<i64: 2, 16>, scalar_prefetch = 0 : i64, scratch_operands = 5 : i64, tpu.core_type = #tpu.core_type<sc_vector_subcore>, window_params = [{transform_indices = #map}, {transform_indices = #map1}, {transform_indices = #map1}, {transform_indices = #map2}]} {
    %mul3A = arith.constant 16 : i32
    %mul3A_0 = arith.muli %arg0, %mul3A : i32
    %add3A = arith.addi %mul3A_0, %arg1 : i32
    %scan3A = arith.constant 0 : i32
    %scan3A_1 = arith.constant 640 : i32
    %scan3A_2 = arith.addi %scan3A, %scan3A_1 : i32
    %scan3A_3 = arith.constant 1 : i32
    scf.for %scan3A_152 = %scan3A to %scan3A_2 step %scan3A_3  : i32 {
      %broadcast_in_dim3A = arith.constant 0.000000e+00 : f32
      %broadcast_in_dim3A_153 = vector.broadcast %broadcast_in_dim3A : f32 to vector<16xf32>
      %jit3A = arith.constant 8 : i32
      %div3A = arith.divsi %scan3A_152, %jit3A : i32
      %sign3A = arith.constant 0 : i32
      %sign3A_154 = arith.cmpi sgt, %scan3A_152, %sign3A : i32
      %sign3A_155 = arith.extui %sign3A_154 : i1 to i32
      %sign3A_156 = arith.constant 0 : i32
      %sign3A_157 = arith.cmpi slt, %scan3A_152, %sign3A_156 : i32
      %sign3A_158 = arith.extui %sign3A_157 : i1 to i32
      %sign3A_159 = arith.subi %sign3A_155, %sign3A_158 : i32
      %sign3A_160 = arith.constant 0 : i32
      %sign3A_161 = arith.cmpi sgt, %jit3A, %sign3A_160 : i32
      %sign3A_162 = arith.extui %sign3A_161 : i1 to i32
      %sign3A_163 = arith.constant 0 : i32
      %sign3A_164 = arith.cmpi slt, %jit3A, %sign3A_163 : i32
      %sign3A_165 = arith.extui %sign3A_164 : i1 to i32
      %sign3A_166 = arith.subi %sign3A_162, %sign3A_165 : i32
      %ne3A = arith.cmpi ne, %sign3A_159, %sign3A_166 : i32
      %rem3A = arith.remsi %scan3A_152, %jit3A : i32
      %ne3A_167 = arith.constant 0 : i32
      %ne3A_168 = arith.cmpi ne, %rem3A, %ne3A_167 : i32
      %and3A = arith.andi %ne3A, %ne3A_168 : i1
      %sub3A = arith.constant 1 : i32
      %sub3A_169 = arith.subi %div3A, %sub3A : i32
      %select_n3A = arith.select %and3A, %sub3A_169, %div3A : i32
      %jit3A_170 = arith.constant 8 : i32
      %eq3A = arith.constant 0 : i32
      %eq3A_171 = arith.cmpi eq, %jit3A_170, %eq3A : i32
      %jit3A_172 = arith.constant 1 : i32
      %select_n3A_173 = arith.select %eq3A_171, %jit3A_172, %jit3A_170 : i32
      %rem3A_174 = arith.remsi %scan3A_152, %select_n3A_173 : i32
      %ne3A_175 = arith.constant 0 : i32
      %ne3A_176 = arith.cmpi ne, %rem3A_174, %ne3A_175 : i32
      %lt3A_177 = arith.constant 0 : i32
      %lt3A_178 = arith.cmpi slt, %rem3A_174, %lt3A_177 : i32
      %lt3A_179 = arith.constant 0 : i32
      %lt3A_180 = arith.cmpi slt, %select_n3A_173, %lt3A_179 : i32
      %ne3A_181 = arith.xori %lt3A_178, %lt3A_180 : i1
      %and3A_182 = arith.andi %ne3A_181, %ne3A_176 : i1
      %add3A_183 = arith.addi %rem3A_174, %select_n3A_173 : i32
      %select_n3A_184 = arith.select %and3A_182, %add3A_183, %rem3A_174 : i32
      %mul3A_185 = arith.constant 16 : i32
      %mul3A_186 = arith.muli %select_n3A_184, %mul3A_185 : i32
      %swap3A = arith.index_cast %select_n3A : i32 to index
      %swap3A_187 = arith.index_cast %mul3A_186 : i32 to index
      %swap3A_188 = tpu.vector_load %arg8[%swap3A, %swap3A_187] {strides = array<i32>} : memref<80x128xf32, #tpu.memory_space<vmem>>, vector<1x16xf32>,
      %swap3A_189 = vector.shape_cast %swap3A_188 : vector<1x16xf32> to vector<16xf32>
      %swap3A_190 = vector.shape_cast %broadcast_in_dim3A_153 : vector<16xf32> to vector<1x16xf32>
      tpu.vector_store %arg8[%swap3A, %swap3A_187], %swap3A_190 {strides = array<i32>} : memref<80x128xf32, #tpu.memory_space<vmem>>, vector<1x16xf32>,
    }
    %scan3A_4 = arith.constant 640 : i32
    %mul3A_5 = arith.constant 8 : i32
    %mul3A_6 = arith.muli %arg1, %mul3A_5 : i32
    %add3A_7 = arith.constant 0 : i32
    %add3A_8 = arith.addi %mul3A_6, %add3A_7 : i32
    %lt3A = arith.constant 125 : i32
    %lt3A_9 = arith.cmpi slt, %add3A_8, %lt3A : i32
    %convert_element_type3A = arith.extui %lt3A_9 : i1 to i32
    %cond3A = arith.constant 0 : i32
    %cond3A_10 = arith.cmpi ne, %convert_element_type3A, %cond3A : i32
    scf.if %cond3A_10 {
      %mul3A_152 = arith.constant 80 : i32
      %mul3A_153 = arith.muli %add3A_8, %mul3A_152 : i32
      "tpu.region"() ({
        %run_scoped3A = tpu.sem_alloc : memref<!tpu.dma_semaphore, #tpu.memory_space<semaphore_mem>>
        %dma_start3A = arith.constant 0 : i32
        %dma_start3A_154 = tpu.memref_slice %arg9[%mul3A_153, %dma_start3A] : memref<10000x128xf32, #tpu.memory_space<vmem_shared>> -> memref<80x128xf32, #tpu.memory_space<vmem_shared>>
        %dma_start3A_155 = arith.constant 0 : i32
        %dma_start3A_156 = tpu.memref_slice %arg9[%mul3A_153, %dma_start3A_155] : memref<10000x128xf32, #tpu.memory_space<vmem_shared>> -> memref<80x128xf32, #tpu.memory_space<vmem_shared>>
        tpu.enqueue_dma source(%arg8 : memref<80x128xf32, #tpu.memory_space<vmem>>) target(%dma_start3A_156 : memref<80x128xf32, #tpu.memory_space<vmem_shared>>) target_semaphore(%run_scoped3A : memref<!tpu.dma_semaphore, #tpu.memory_space<semaphore_mem>>)
        %dma_wait3A = arith.constant 0 : i32
        %dma_wait3A_157 = tpu.memref_slice %arg9[%mul3A_153, %dma_wait3A] : memref<10000x128xf32, #tpu.memory_space<vmem_shared>> -> memref<80x128xf32, #tpu.memory_space<vmem_shared>>
        %dma_wait3A_158 = arith.constant 0 : i32
        %dma_wait3A_159 = tpu.memref_slice %arg9[%mul3A_153, %dma_wait3A_158] : memref<10000x128xf32, #tpu.memory_space<vmem_shared>> -> memref<80x128xf32, #tpu.memory_space<vmem_shared>>
        tpu.wait_dma2 semaphore(%run_scoped3A : memref<!tpu.dma_semaphore, #tpu.memory_space<semaphore_mem>>) src(%arg8 : memref<80x128xf32, #tpu.memory_space<vmem>>) dst(%dma_wait3A_159 : memref<80x128xf32, #tpu.memory_space<vmem_shared>>)
        tpu.yield
      }) : () -> ()
    } else {
    }
    %mul3A_11 = arith.constant 8 : i32
    %mul3A_12 = arith.muli %arg1, %mul3A_11 : i32
    %add3A_13 = arith.constant 1 : i32
    %add3A_14 = arith.addi %mul3A_12, %add3A_13 : i32
    %lt3A_15 = arith.constant 125 : i32
    %lt3A_16 = arith.cmpi slt, %add3A_14, %lt3A_15 : i32
    %convert_element_type3A_17 = arith.extui %lt3A_16 : i1 to i32
    %cond3A_18 = arith.constant 0 : i32
    %cond3A_19 = arith.cmpi ne, %convert_element_type3A_17, %cond3A_18 : i32
    scf.if %cond3A_19 {
      %mul3A_152 = arith.constant 80 : i32
      %mul3A_153 = arith.muli %add3A_14, %mul3A_152 : i32
      "tpu.region"() ({
        %run_scoped3A = tpu.sem_alloc : memref<!tpu.dma_semaphore, #tpu.memory_space<semaphore_mem>>
        %dma_start3A = arith.constant 0 : i32
        %dma_start3A_154 = tpu.memref_slice %arg9[%mul3A_153, %dma_start3A] : memref<10000x128xf32, #tpu.memory_space<vmem_shared>> -> memref<80x128xf32, #tpu.memory_space<vmem_shared>>
        %dma_start3A_155 = arith.constant 0 : i32
        %dma_start3A_156 = tpu.memref_slice %arg9[%mul3A_153, %dma_start3A_155] : memref<10000x128xf32, #tpu.memory_space<vmem_shared>> -> memref<80x128xf32, #tpu.memory_space<vmem_shared>>
        tpu.enqueue_dma source(%arg8 : memref<80x128xf32, #tpu.memory_space<vmem>>) target(%dma_start3A_156 : memref<80x128xf32, #tpu.memory_space<vmem_shared>>) target_semaphore(%run_scoped3A : memref<!tpu.dma_semaphore, #tpu.memory_space<semaphore_mem>>)
        %dma_wait3A = arith.constant 0 : i32
        %dma_wait3A_157 = tpu.memref_slice %arg9[%mul3A_153, %dma_wait3A] : memref<10000x128xf32, #tpu.memory_space<vmem_shared>> -> memref<80x128xf32, #tpu.memory_space<vmem_shared>>
        %dma_wait3A_158 = arith.constant 0 : i32
        %dma_wait3A_159 = tpu.memref_slice %arg9[%mul3A_153, %dma_wait3A_158] : memref<10000x128xf32, #tpu.memory_space<vmem_shared>> -> memref<80x128xf32, #tpu.memory_space<vmem_shared>>
        tpu.wait_dma2 semaphore(%run_scoped3A : memref<!tpu.dma_semaphore, #tpu.memory_space<semaphore_mem>>) src(%arg8 : memref<80x128xf32, #tpu.memory_space<vmem>>) dst(%dma_wait3A_159 : memref<80x128xf32, #tpu.memory_space<vmem_shared>>)
        tpu.yield
      }) : () -> ()
    } else {
    }
    %mul3A_20 = arith.constant 8 : i32
    %mul3A_21 = arith.muli %arg1, %mul3A_20 : i32
    %add3A_22 = arith.constant 2 : i32
    %add3A_23 = arith.addi %mul3A_21, %add3A_22 : i32
    %lt3A_24 = arith.constant 125 : i32
    %lt3A_25 = arith.cmpi slt, %add3A_23, %lt3A_24 : i32
    %convert_element_type3A_26 = arith.extui %lt3A_25 : i1 to i32
    %cond3A_27 = arith.constant 0 : i32
    %cond3A_28 = arith.cmpi ne, %convert_element_type3A_26, %cond3A_27 : i32
    scf.if %cond3A_28 {
      %mul3A_152 = arith.constant 80 : i32
      %mul3A_153 = arith.muli %add3A_23, %mul3A_152 : i32
      "tpu.region"() ({
        %run_scoped3A = tpu.sem_alloc : memref<!tpu.dma_semaphore, #tpu.memory_space<semaphore_mem>>
        %dma_start3A = arith.constant 0 : i32
        %dma_start3A_154 = tpu.memref_slice %arg9[%mul3A_153, %dma_start3A] : memref<10000x128xf32, #tpu.memory_space<vmem_shared>> -> memref<80x128xf32, #tpu.memory_space<vmem_shared>>
        %dma_start3A_155 = arith.constant 0 : i32
        %dma_start3A_156 = tpu.memref_slice %arg9[%mul3A_153, %dma_start3A_155] : memref<10000x128xf32, #tpu.memory_space<vmem_shared>> -> memref<80x128xf32, #tpu.memory_space<vmem_shared>>
        tpu.enqueue_dma source(%arg8 : memref<80x128xf32, #tpu.memory_space<vmem>>) target(%dma_start3A_156 : memref<80x128xf32, #tpu.memory_space<vmem_shared>>) target_semaphore(%run_scoped3A : memref<!tpu.dma_semaphore, #tpu.memory_space<semaphore_mem>>)
        %dma_wait3A = arith.constant 0 : i32
        %dma_wait3A_157 = tpu.memref_slice %arg9[%mul3A_153, %dma_wait3A] : memref<10000x128xf32, #tpu.memory_space<vmem_shared>> -> memref<80x128xf32, #tpu.memory_space<vmem_shared>>
        %dma_wait3A_158 = arith.constant 0 : i32
        %dma_wait3A_159 = tpu.memref_slice %arg9[%mul3A_153, %dma_wait3A_158] : memref<10000x128xf32, #tpu.memory_space<vmem_shared>> -> memref<80x128xf32, #tpu.memory_space<vmem_shared>>
        tpu.wait_dma2 semaphore(%run_scoped3A : memref<!tpu.dma_semaphore, #tpu.memory_space<semaphore_mem>>) src(%arg8 : memref<80x128xf32, #tpu.memory_space<vmem>>) dst(%dma_wait3A_159 : memref<80x128xf32, #tpu.memory_space<vmem_shared>>)
        tpu.yield
      }) : () -> ()
    } else {
    }
    %mul3A_29 = arith.constant 8 : i32
    %mul3A_30 = arith.muli %arg1, %mul3A_29 : i32
    %add3A_31 = arith.constant 3 : i32
    %add3A_32 = arith.addi %mul3A_30, %add3A_31 : i32
    %lt3A_33 = arith.constant 125 : i32
    %lt3A_34 = arith.cmpi slt, %add3A_32, %lt3A_33 : i32
    %convert_element_type3A_35 = arith.extui %lt3A_34 : i1 to i32
    %cond3A_36 = arith.constant 0 : i32
    %cond3A_37 = arith.cmpi ne, %convert_element_type3A_35, %cond3A_36 : i32
    scf.if %cond3A_37 {
      %mul3A_152 = arith.constant 80 : i32
      %mul3A_153 = arith.muli %add3A_32, %mul3A_152 : i32
      "tpu.region"() ({
        %run_scoped3A = tpu.sem_alloc : memref<!tpu.dma_semaphore, #tpu.memory_space<semaphore_mem>>
        %dma_start3A = arith.constant 0 : i32
        %dma_start3A_154 = tpu.memref_slice %arg9[%mul3A_153, %dma_start3A] : memref<10000x128xf32, #tpu.memory_space<vmem_shared>> -> memref<80x128xf32, #tpu.memory_space<vmem_shared>>
        %dma_start3A_155 = arith.constant 0 : i32
        %dma_start3A_156 = tpu.memref_slice %arg9[%mul3A_153, %dma_start3A_155] : memref<10000x128xf32, #tpu.memory_space<vmem_shared>> -> memref<80x128xf32, #tpu.memory_space<vmem_shared>>
        tpu.enqueue_dma source(%arg8 : memref<80x128xf32, #tpu.memory_space<vmem>>) target(%dma_start3A_156 : memref<80x128xf32, #tpu.memory_space<vmem_shared>>) target_semaphore(%run_scoped3A : memref<!tpu.dma_semaphore, #tpu.memory_space<semaphore_mem>>)
        %dma_wait3A = arith.constant 0 : i32
        %dma_wait3A_157 = tpu.memref_slice %arg9[%mul3A_153, %dma_wait3A] : memref<10000x128xf32, #tpu.memory_space<vmem_shared>> -> memref<80x128xf32, #tpu.memory_space<vmem_shared>>
        %dma_wait3A_158 = arith.constant 0 : i32
        %dma_wait3A_159 = tpu.memref_slice %arg9[%mul3A_153, %dma_wait3A_158] : memref<10000x128xf32, #tpu.memory_space<vmem_shared>> -> memref<80x128xf32, #tpu.memory_space<vmem_shared>>
        tpu.wait_dma2 semaphore(%run_scoped3A : memref<!tpu.dma_semaphore, #tpu.memory_space<semaphore_mem>>) src(%arg8 : memref<80x128xf32, #tpu.memory_space<vmem>>) dst(%dma_wait3A_159 : memref<80x128xf32, #tpu.memory_space<vmem_shared>>)
        tpu.yield
      }) : () -> ()
    } else {
    }
    %mul3A_38 = arith.constant 8 : i32
    %mul3A_39 = arith.muli %arg1, %mul3A_38 : i32
    %add3A_40 = arith.constant 4 : i32
    %add3A_41 = arith.addi %mul3A_39, %add3A_40 : i32
    %lt3A_42 = arith.constant 125 : i32
    %lt3A_43 = arith.cmpi slt, %add3A_41, %lt3A_42 : i32
    %convert_element_type3A_44 = arith.extui %lt3A_43 : i1 to i32
    %cond3A_45 = arith.constant 0 : i32
    %cond3A_46 = arith.cmpi ne, %convert_element_type3A_44, %cond3A_45 : i32
    scf.if %cond3A_46 {
      %mul3A_152 = arith.constant 80 : i32
      %mul3A_153 = arith.muli %add3A_41, %mul3A_152 : i32
      "tpu.region"() ({
        %run_scoped3A = tpu.sem_alloc : memref<!tpu.dma_semaphore, #tpu.memory_space<semaphore_mem>>
        %dma_start3A = arith.constant 0 : i32
        %dma_start3A_154 = tpu.memref_slice %arg9[%mul3A_153, %dma_start3A] : memref<10000x128xf32, #tpu.memory_space<vmem_shared>> -> memref<80x128xf32, #tpu.memory_space<vmem_shared>>
        %dma_start3A_155 = arith.constant 0 : i32
        %dma_start3A_156 = tpu.memref_slice %arg9[%mul3A_153, %dma_start3A_155] : memref<10000x128xf32, #tpu.memory_space<vmem_shared>> -> memref<80x128xf32, #tpu.memory_space<vmem_shared>>
        tpu.enqueue_dma source(%arg8 : memref<80x128xf32, #tpu.memory_space<vmem>>) target(%dma_start3A_156 : memref<80x128xf32, #tpu.memory_space<vmem_shared>>) target_semaphore(%run_scoped3A : memref<!tpu.dma_semaphore, #tpu.memory_space<semaphore_mem>>)
        %dma_wait3A = arith.constant 0 : i32
        %dma_wait3A_157 = tpu.memref_slice %arg9[%mul3A_153, %dma_wait3A] : memref<10000x128xf32, #tpu.memory_space<vmem_shared>> -> memref<80x128xf32, #tpu.memory_space<vmem_shared>>
        %dma_wait3A_158 = arith.constant 0 : i32
        %dma_wait3A_159 = tpu.memref_slice %arg9[%mul3A_153, %dma_wait3A_158] : memref<10000x128xf32, #tpu.memory_space<vmem_shared>> -> memref<80x128xf32, #tpu.memory_space<vmem_shared>>
        tpu.wait_dma2 semaphore(%run_scoped3A : memref<!tpu.dma_semaphore, #tpu.memory_space<semaphore_mem>>) src(%arg8 : memref<80x128xf32, #tpu.memory_space<vmem>>) dst(%dma_wait3A_159 : memref<80x128xf32, #tpu.memory_space<vmem_shared>>)
        tpu.yield
      }) : () -> ()
    } else {
    }
    %mul3A_47 = arith.constant 8 : i32
    %mul3A_48 = arith.muli %arg1, %mul3A_47 : i32
    %add3A_49 = arith.constant 5 : i32
    %add3A_50 = arith.addi %mul3A_48, %add3A_49 : i32
    %lt3A_51 = arith.constant 125 : i32
    %lt3A_52 = arith.cmpi slt, %add3A_50, %lt3A_51 : i32
    %convert_element_type3A_53 = arith.extui %lt3A_52 : i1 to i32
    %cond3A_54 = arith.constant 0 : i32
    %cond3A_55 = arith.cmpi ne, %convert_element_type3A_53, %cond3A_54 : i32
    scf.if %cond3A_55 {
      %mul3A_152 = arith.constant 80 : i32
      %mul3A_153 = arith.muli %add3A_50, %mul3A_152 : i32
      "tpu.region"() ({
        %run_scoped3A = tpu.sem_alloc : memref<!tpu.dma_semaphore, #tpu.memory_space<semaphore_mem>>
        %dma_start3A = arith.constant 0 : i32
        %dma_start3A_154 = tpu.memref_slice %arg9[%mul3A_153, %dma_start3A] : memref<10000x128xf32, #tpu.memory_space<vmem_shared>> -> memref<80x128xf32, #tpu.memory_space<vmem_shared>>
        %dma_start3A_155 = arith.constant 0 : i32
        %dma_start3A_156 = tpu.memref_slice %arg9[%mul3A_153, %dma_start3A_155] : memref<10000x128xf32, #tpu.memory_space<vmem_shared>> -> memref<80x128xf32, #tpu.memory_space<vmem_shared>>
        tpu.enqueue_dma source(%arg8 : memref<80x128xf32, #tpu.memory_space<vmem>>) target(%dma_start3A_156 : memref<80x128xf32, #tpu.memory_space<vmem_shared>>) target_semaphore(%run_scoped3A : memref<!tpu.dma_semaphore, #tpu.memory_space<semaphore_mem>>)
        %dma_wait3A = arith.constant 0 : i32
        %dma_wait3A_157 = tpu.memref_slice %arg9[%mul3A_153, %dma_wait3A] : memref<10000x128xf32, #tpu.memory_space<vmem_shared>> -> memref<80x128xf32, #tpu.memory_space<vmem_shared>>
        %dma_wait3A_158 = arith.constant 0 : i32
        %dma_wait3A_159 = tpu.memref_slice %arg9[%mul3A_153, %dma_wait3A_158] : memref<10000x128xf32, #tpu.memory_space<vmem_shared>> -> memref<80x128xf32, #tpu.memory_space<vmem_shared>>
        tpu.wait_dma2 semaphore(%run_scoped3A : memref<!tpu.dma_semaphore, #tpu.memory_space<semaphore_mem>>) src(%arg8 : memref<80x128xf32, #tpu.memory_space<vmem>>) dst(%dma_wait3A_159 : memref<80x128xf32, #tpu.memory_space<vmem_shared>>)
        tpu.yield
      }) : () -> ()
    } else {
    }
    %mul3A_56 = arith.constant 8 : i32
    %mul3A_57 = arith.muli %arg1, %mul3A_56 : i32
    %add3A_58 = arith.constant 6 : i32
    %add3A_59 = arith.addi %mul3A_57, %add3A_58 : i32
    %lt3A_60 = arith.constant 125 : i32
    %lt3A_61 = arith.cmpi slt, %add3A_59, %lt3A_60 : i32
    %convert_element_type3A_62 = arith.extui %lt3A_61 : i1 to i32
    %cond3A_63 = arith.constant 0 : i32
    %cond3A_64 = arith.cmpi ne, %convert_element_type3A_62, %cond3A_63 : i32
    scf.if %cond3A_64 {
      %mul3A_152 = arith.constant 80 : i32
      %mul3A_153 = arith.muli %add3A_59, %mul3A_152 : i32
      "tpu.region"() ({
        %run_scoped3A = tpu.sem_alloc : memref<!tpu.dma_semaphore, #tpu.memory_space<semaphore_mem>>
        %dma_start3A = arith.constant 0 : i32
        %dma_start3A_154 = tpu.memref_slice %arg9[%mul3A_153, %dma_start3A] : memref<10000x128xf32, #tpu.memory_space<vmem_shared>> -> memref<80x128xf32, #tpu.memory_space<vmem_shared>>
        %dma_start3A_155 = arith.constant 0 : i32
        %dma_start3A_156 = tpu.memref_slice %arg9[%mul3A_153, %dma_start3A_155] : memref<10000x128xf32, #tpu.memory_space<vmem_shared>> -> memref<80x128xf32, #tpu.memory_space<vmem_shared>>
        tpu.enqueue_dma source(%arg8 : memref<80x128xf32, #tpu.memory_space<vmem>>) target(%dma_start3A_156 : memref<80x128xf32, #tpu.memory_space<vmem_shared>>) target_semaphore(%run_scoped3A : memref<!tpu.dma_semaphore, #tpu.memory_space<semaphore_mem>>)
        %dma_wait3A = arith.constant 0 : i32
        %dma_wait3A_157 = tpu.memref_slice %arg9[%mul3A_153, %dma_wait3A] : memref<10000x128xf32, #tpu.memory_space<vmem_shared>> -> memref<80x128xf32, #tpu.memory_space<vmem_shared>>
        %dma_wait3A_158 = arith.constant 0 : i32
        %dma_wait3A_159 = tpu.memref_slice %arg9[%mul3A_153, %dma_wait3A_158] : memref<10000x128xf32, #tpu.memory_space<vmem_shared>> -> memref<80x128xf32, #tpu.memory_space<vmem_shared>>
        tpu.wait_dma2 semaphore(%run_scoped3A : memref<!tpu.dma_semaphore, #tpu.memory_space<semaphore_mem>>) src(%arg8 : memref<80x128xf32, #tpu.memory_space<vmem>>) dst(%dma_wait3A_159 : memref<80x128xf32, #tpu.memory_space<vmem_shared>>)
        tpu.yield
      }) : () -> ()
    } else {
    }
    %mul3A_65 = arith.constant 8 : i32
    %mul3A_66 = arith.muli %arg1, %mul3A_65 : i32
    %add3A_67 = arith.constant 7 : i32
    %add3A_68 = arith.addi %mul3A_66, %add3A_67 : i32
    %lt3A_69 = arith.constant 125 : i32
    %lt3A_70 = arith.cmpi slt, %add3A_68, %lt3A_69 : i32
    %convert_element_type3A_71 = arith.extui %lt3A_70 : i1 to i32
    %cond3A_72 = arith.constant 0 : i32
    %cond3A_73 = arith.cmpi ne, %convert_element_type3A_71, %cond3A_72 : i32
    scf.if %cond3A_73 {
      %mul3A_152 = arith.constant 80 : i32
      %mul3A_153 = arith.muli %add3A_68, %mul3A_152 : i32
      "tpu.region"() ({
        %run_scoped3A = tpu.sem_alloc : memref<!tpu.dma_semaphore, #tpu.memory_space<semaphore_mem>>
        %dma_start3A = arith.constant 0 : i32
        %dma_start3A_154 = tpu.memref_slice %arg9[%mul3A_153, %dma_start3A] : memref<10000x128xf32, #tpu.memory_space<vmem_shared>> -> memref<80x128xf32, #tpu.memory_space<vmem_shared>>
        %dma_start3A_155 = arith.constant 0 : i32
        %dma_start3A_156 = tpu.memref_slice %arg9[%mul3A_153, %dma_start3A_155] : memref<10000x128xf32, #tpu.memory_space<vmem_shared>> -> memref<80x128xf32, #tpu.memory_space<vmem_shared>>
        tpu.enqueue_dma source(%arg8 : memref<80x128xf32, #tpu.memory_space<vmem>>) target(%dma_start3A_156 : memref<80x128xf32, #tpu.memory_space<vmem_shared>>) target_semaphore(%run_scoped3A : memref<!tpu.dma_semaphore, #tpu.memory_space<semaphore_mem>>)
        %dma_wait3A = arith.constant 0 : i32
        %dma_wait3A_157 = tpu.memref_slice %arg9[%mul3A_153, %dma_wait3A] : memref<10000x128xf32, #tpu.memory_space<vmem_shared>> -> memref<80x128xf32, #tpu.memory_space<vmem_shared>>
        %dma_wait3A_158 = arith.constant 0 : i32
        %dma_wait3A_159 = tpu.memref_slice %arg9[%mul3A_153, %dma_wait3A_158] : memref<10000x128xf32, #tpu.memory_space<vmem_shared>> -> memref<80x128xf32, #tpu.memory_space<vmem_shared>>
        tpu.wait_dma2 semaphore(%run_scoped3A : memref<!tpu.dma_semaphore, #tpu.memory_space<semaphore_mem>>) src(%arg8 : memref<80x128xf32, #tpu.memory_space<vmem>>) dst(%dma_wait3A_159 : memref<80x128xf32, #tpu.memory_space<vmem_shared>>)
        tpu.yield
      }) : () -> ()
    } else {
    }
    %barrier3A = arith.constant 0 : index
    tpu.barrier barrier_id(%barrier3A)
    %scan3A_74 = arith.constant 0 : i32
    %scan3A_75 = arith.constant 125 : i32
    %scan3A_76 = arith.addi %scan3A_74, %scan3A_75 : i32
    %scan3A_77 = arith.constant 1 : i32
    scf.for %scan3A_152 = %scan3A_74 to %scan3A_76 step %scan3A_77  : i32 {
      %mul3A_153 = arith.constant 10000 : i32
      %mul3A_154 = arith.muli %add3A, %mul3A_153 : i32
      %mul3A_155 = arith.constant 80 : i32
      %mul3A_156 = arith.muli %scan3A_152, %mul3A_155 : i32
      %add3A_157 = arith.addi %mul3A_154, %mul3A_156 : i32
      "tpu.region"() ({
        %run_scoped3A = tpu.sem_alloc : memref<!tpu.dma_semaphore, #tpu.memory_space<semaphore_mem>>
        %dma_start3A_162 = tpu.memref_slice %arg3[%add3A_157] : memref<320000xi32, #tpu.memory_space<hbm>> -> memref<80xi32, #tpu.memory_space<hbm>>
        %dma_start3A_163 = tpu.memref_slice %arg3[%add3A_157] : memref<320000xi32, #tpu.memory_space<hbm>> -> memref<80xi32, #tpu.memory_space<hbm>>
        tpu.enqueue_dma source(%dma_start3A_163 : memref<80xi32, #tpu.memory_space<hbm>>) target(%arg6 : memref<80xi32, #tpu.memory_space<vmem>>) target_semaphore(%run_scoped3A : memref<!tpu.dma_semaphore, #tpu.memory_space<semaphore_mem>>)
        %dma_wait3A_164 = tpu.memref_slice %arg3[%add3A_157] : memref<320000xi32, #tpu.memory_space<hbm>> -> memref<80xi32, #tpu.memory_space<hbm>>
        %dma_wait3A_165 = tpu.memref_slice %arg3[%add3A_157] : memref<320000xi32, #tpu.memory_space<hbm>> -> memref<80xi32, #tpu.memory_space<hbm>>
        tpu.wait_dma2 semaphore(%run_scoped3A : memref<!tpu.dma_semaphore, #tpu.memory_space<semaphore_mem>>) src(%dma_wait3A_165 : memref<80xi32, #tpu.memory_space<hbm>>) dst(%arg6 : memref<80xi32, #tpu.memory_space<vmem>>)
        tpu.yield
      }) : () -> ()
      "tpu.region"() ({
        %run_scoped3A = tpu.sem_alloc : memref<!tpu.dma_semaphore, #tpu.memory_space<semaphore_mem>>
        %dma_start3A_162 = tpu.memref_slice %arg4[%add3A_157] : memref<320000xi32, #tpu.memory_space<hbm>> -> memref<80xi32, #tpu.memory_space<hbm>>
        %dma_start3A_163 = tpu.memref_slice %arg4[%add3A_157] : memref<320000xi32, #tpu.memory_space<hbm>> -> memref<80xi32, #tpu.memory_space<hbm>>
        tpu.enqueue_dma source(%dma_start3A_163 : memref<80xi32, #tpu.memory_space<hbm>>) target(%arg7 : memref<80xi32, #tpu.memory_space<vmem>>) target_semaphore(%run_scoped3A : memref<!tpu.dma_semaphore, #tpu.memory_space<semaphore_mem>>)
        %dma_wait3A_164 = tpu.memref_slice %arg4[%add3A_157] : memref<320000xi32, #tpu.memory_space<hbm>> -> memref<80xi32, #tpu.memory_space<hbm>>
        %dma_wait3A_165 = tpu.memref_slice %arg4[%add3A_157] : memref<320000xi32, #tpu.memory_space<hbm>> -> memref<80xi32, #tpu.memory_space<hbm>>
        tpu.wait_dma2 semaphore(%run_scoped3A : memref<!tpu.dma_semaphore, #tpu.memory_space<semaphore_mem>>) src(%dma_wait3A_165 : memref<80xi32, #tpu.memory_space<hbm>>) dst(%arg7 : memref<80xi32, #tpu.memory_space<vmem>>)
        tpu.yield
      }) : () -> ()
      %dma_start3A = arith.constant 0 : i32
      %dma_start3A_158 = arith.constant 0 : i32
      %dma_start3A_159 = tpu.memref_slice %arg2[%dma_start3A, %dma_start3A_158] : memref<10000x128xf32, #tpu.memory_space<hbm>> -> memref<10000x128xf32, #tpu.memory_space<hbm>>
      tpu.enqueue_indirect_dma source(%dma_start3A_159 : memref<10000x128xf32, #tpu.memory_space<hbm>>) target(%arg8 : memref<80x128xf32, #tpu.memory_space<vmem>>) offsets(%arg6 : memref<80xi32, #tpu.memory_space<vmem>>) semaphore(%arg10 : memref<!tpu.dma_semaphore, #tpu.memory_space<semaphore_mem>>)
      %dma_wait3A = arith.constant 0 : i32
      %dma_wait3A_160 = arith.constant 0 : i32
      %dma_wait3A_161 = tpu.memref_slice %arg2[%dma_wait3A, %dma_wait3A_160] : memref<10000x128xf32, #tpu.memory_space<hbm>> -> memref<10000x128xf32, #tpu.memory_space<hbm>>
      tpu.wait_indirect_dma semaphore(%arg10 : memref<!tpu.dma_semaphore, #tpu.memory_space<semaphore_mem>>) src(%dma_wait3A_161 : memref<10000x128xf32, #tpu.memory_space<hbm>>) dst(%arg8 : memref<80x128xf32, #tpu.memory_space<vmem>>)
      "tpu.region"() ({
        %run_scoped3A = tpu.sem_alloc : memref<!tpu.dma_semaphore, #tpu.memory_space<semaphore_mem>>
        %dma_start3A_162 = arith.constant 0 : i32
        %dma_start3A_163 = arith.constant 0 : i32
        %dma_start3A_164 = tpu.memref_slice %arg9[%dma_start3A_162, %dma_start3A_163] : memref<10000x128xf32, #tpu.memory_space<vmem_shared>> -> memref<10000x128xf32, #tpu.memory_space<vmem_shared>>
        tpu.enqueue_indirect_dma source(%arg8 : memref<80x128xf32, #tpu.memory_space<vmem>>) target(%dma_start3A_164 : memref<10000x128xf32, #tpu.memory_space<vmem_shared>>) offsets(%arg7 : memref<80xi32, #tpu.memory_space<vmem>>) semaphore(%run_scoped3A : memref<!tpu.dma_semaphore, #tpu.memory_space<semaphore_mem>>) {add = true}
        %dma_wait3A_165 = arith.constant 0 : i32
        %dma_wait3A_166 = arith.constant 0 : i32
        %dma_wait3A_167 = tpu.memref_slice %arg9[%dma_wait3A_165, %dma_wait3A_166] : memref<10000x128xf32, #tpu.memory_space<vmem_shared>> -> memref<10000x128xf32, #tpu.memory_space<vmem_shared>>
        tpu.wait_indirect_dma semaphore(%run_scoped3A : memref<!tpu.dma_semaphore, #tpu.memory_space<semaphore_mem>>) src(%arg8 : memref<80x128xf32, #tpu.memory_space<vmem>>) dst(%dma_wait3A_167 : memref<10000x128xf32, #tpu.memory_space<vmem_shared>>)
        tpu.yield
      }) : () -> ()
    }
    %scan3A_78 = arith.constant 125 : i32
    %barrier3A_79 = arith.constant 0 : index
    tpu.barrier barrier_id(%barrier3A_79)
    %mul3A_80 = arith.constant 8 : i32
    %mul3A_81 = arith.muli %arg1, %mul3A_80 : i32
    %add3A_82 = arith.constant 0 : i32
    %add3A_83 = arith.addi %mul3A_81, %add3A_82 : i32
    %lt3A_84 = arith.constant 125 : i32
    %lt3A_85 = arith.cmpi slt, %add3A_83, %lt3A_84 : i32
    %convert_element_type3A_86 = arith.extui %lt3A_85 : i1 to i32
    %cond3A_87 = arith.constant 0 : i32
    %cond3A_88 = arith.cmpi ne, %convert_element_type3A_86, %cond3A_87 : i32
    scf.if %cond3A_88 {
      %mul3A_152 = arith.constant 80 : i32
      %mul3A_153 = arith.muli %add3A_83, %mul3A_152 : i32
      %mul3A_154 = arith.constant 80 : i32
      %mul3A_155 = arith.muli %add3A_83, %mul3A_154 : i32
      "tpu.region"() ({
        %run_scoped3A = tpu.sem_alloc : memref<!tpu.dma_semaphore, #tpu.memory_space<semaphore_mem>>
        %dma_start3A = arith.constant 0 : i32
        %dma_start3A_156 = tpu.memref_slice %arg5[%arg0, %mul3A_155, %dma_start3A] : memref<2x10000x128xf32, #tpu.memory_space<hbm>> -> memref<1x80x128xf32, #tpu.memory_space<hbm>>
        %dma_start3A_157 = tpu.memref_squeeze %dma_start3A_156 : memref<1x80x128xf32, #tpu.memory_space<hbm>> -> memref<80x128xf32, #tpu.memory_space<hbm>>
        %dma_start3A_158 = arith.constant 0 : i32
        %dma_start3A_159 = tpu.memref_slice %arg9[%mul3A_153, %dma_start3A_158] : memref<10000x128xf32, #tpu.memory_space<vmem_shared>> -> memref<80x128xf32, #tpu.memory_space<vmem_shared>>
        tpu.enqueue_dma source(%dma_start3A_159 : memref<80x128xf32, #tpu.memory_space<vmem_shared>>) target(%dma_start3A_157 : memref<80x128xf32, #tpu.memory_space<hbm>>) target_semaphore(%run_scoped3A : memref<!tpu.dma_semaphore, #tpu.memory_space<semaphore_mem>>)
        %dma_wait3A = arith.constant 0 : i32
        %dma_wait3A_160 = tpu.memref_slice %arg5[%arg0, %mul3A_155, %dma_wait3A] : memref<2x10000x128xf32, #tpu.memory_space<hbm>> -> memref<1x80x128xf32, #tpu.memory_space<hbm>>
        %dma_wait3A_161 = tpu.memref_squeeze %dma_wait3A_160 : memref<1x80x128xf32, #tpu.memory_space<hbm>> -> memref<80x128xf32, #tpu.memory_space<hbm>>
        %dma_wait3A_162 = arith.constant 0 : i32
        %dma_wait3A_163 = tpu.memref_slice %arg9[%mul3A_153, %dma_wait3A_162] : memref<10000x128xf32, #tpu.memory_space<vmem_shared>> -> memref<80x128xf32, #tpu.memory_space<vmem_shared>>
        tpu.wait_dma2 semaphore(%run_scoped3A : memref<!tpu.dma_semaphore, #tpu.memory_space<semaphore_mem>>) src(%dma_wait3A_163 : memref<80x128xf32, #tpu.memory_space<vmem_shared>>) dst(%dma_wait3A_161 : memref<80x128xf32, #tpu.memory_space<hbm>>)
        tpu.yield
      }) : () -> ()
    } else {
    }
    %mul3A_89 = arith.constant 8 : i32
    %mul3A_90 = arith.muli %arg1, %mul3A_89 : i32
    %add3A_91 = arith.constant 1 : i32
    %add3A_92 = arith.addi %mul3A_90, %add3A_91 : i32
    %lt3A_93 = arith.constant 125 : i32
    %lt3A_94 = arith.cmpi slt, %add3A_92, %lt3A_93 : i32
    %convert_element_type3A_95 = arith.extui %lt3A_94 : i1 to i32
    %cond3A_96 = arith.constant 0 : i32
    %cond3A_97 = arith.cmpi ne, %convert_element_type3A_95, %cond3A_96 : i32
    scf.if %cond3A_97 {
      %mul3A_152 = arith.constant 80 : i32
      %mul3A_153 = arith.muli %add3A_92, %mul3A_152 : i32
      %mul3A_154 = arith.constant 80 : i32
      %mul3A_155 = arith.muli %add3A_92, %mul3A_154 : i32
      "tpu.region"() ({
        %run_scoped3A = tpu.sem_alloc : memref<!tpu.dma_semaphore, #tpu.memory_space<semaphore_mem>>
        %dma_start3A = arith.constant 0 : i32
        %dma_start3A_156 = tpu.memref_slice %arg5[%arg0, %mul3A_155, %dma_start3A] : memref<2x10000x128xf32, #tpu.memory_space<hbm>> -> memref<1x80x128xf32, #tpu.memory_space<hbm>>
        %dma_start3A_157 = tpu.memref_squeeze %dma_start3A_156 : memref<1x80x128xf32, #tpu.memory_space<hbm>> -> memref<80x128xf32, #tpu.memory_space<hbm>>
        %dma_start3A_158 = arith.constant 0 : i32
        %dma_start3A_159 = tpu.memref_slice %arg9[%mul3A_153, %dma_start3A_158] : memref<10000x128xf32, #tpu.memory_space<vmem_shared>> -> memref<80x128xf32, #tpu.memory_space<vmem_shared>>
        tpu.enqueue_dma source(%dma_start3A_159 : memref<80x128xf32, #tpu.memory_space<vmem_shared>>) target(%dma_start3A_157 : memref<80x128xf32, #tpu.memory_space<hbm>>) target_semaphore(%run_scoped3A : memref<!tpu.dma_semaphore, #tpu.memory_space<semaphore_mem>>)
        %dma_wait3A = arith.constant 0 : i32
        %dma_wait3A_160 = tpu.memref_slice %arg5[%arg0, %mul3A_155, %dma_wait3A] : memref<2x10000x128xf32, #tpu.memory_space<hbm>> -> memref<1x80x128xf32, #tpu.memory_space<hbm>>
        %dma_wait3A_161 = tpu.memref_squeeze %dma_wait3A_160 : memref<1x80x128xf32, #tpu.memory_space<hbm>> -> memref<80x128xf32, #tpu.memory_space<hbm>>
        %dma_wait3A_162 = arith.constant 0 : i32
        %dma_wait3A_163 = tpu.memref_slice %arg9[%mul3A_153, %dma_wait3A_162] : memref<10000x128xf32, #tpu.memory_space<vmem_shared>> -> memref<80x128xf32, #tpu.memory_space<vmem_shared>>
        tpu.wait_dma2 semaphore(%run_scoped3A : memref<!tpu.dma_semaphore, #tpu.memory_space<semaphore_mem>>) src(%dma_wait3A_163 : memref<80x128xf32, #tpu.memory_space<vmem_shared>>) dst(%dma_wait3A_161 : memref<80x128xf32, #tpu.memory_space<hbm>>)
        tpu.yield
      }) : () -> ()
    } else {
    }
    %mul3A_98 = arith.constant 8 : i32
    %mul3A_99 = arith.muli %arg1, %mul3A_98 : i32
    %add3A_100 = arith.constant 2 : i32
    %add3A_101 = arith.addi %mul3A_99, %add3A_100 : i32
    %lt3A_102 = arith.constant 125 : i32
    %lt3A_103 = arith.cmpi slt, %add3A_101, %lt3A_102 : i32
    %convert_element_type3A_104 = arith.extui %lt3A_103 : i1 to i32
    %cond3A_105 = arith.constant 0 : i32
    %cond3A_106 = arith.cmpi ne, %convert_element_type3A_104, %cond3A_105 : i32
    scf.if %cond3A_106 {
      %mul3A_152 = arith.constant 80 : i32
      %mul3A_153 = arith.muli %add3A_101, %mul3A_152 : i32
      %mul3A_154 = arith.constant 80 : i32
      %mul3A_155 = arith.muli %add3A_101, %mul3A_154 : i32
      "tpu.region"() ({
        %run_scoped3A = tpu.sem_alloc : memref<!tpu.dma_semaphore, #tpu.memory_space<semaphore_mem>>
        %dma_start3A = arith.constant 0 : i32
        %dma_start3A_156 = tpu.memref_slice %arg5[%arg0, %mul3A_155, %dma_start3A] : memref<2x10000x128xf32, #tpu.memory_space<hbm>> -> memref<1x80x128xf32, #tpu.memory_space<hbm>>
        %dma_start3A_157 = tpu.memref_squeeze %dma_start3A_156 : memref<1x80x128xf32, #tpu.memory_space<hbm>> -> memref<80x128xf32, #tpu.memory_space<hbm>>
        %dma_start3A_158 = arith.constant 0 : i32
        %dma_start3A_159 = tpu.memref_slice %arg9[%mul3A_153, %dma_start3A_158] : memref<10000x128xf32, #tpu.memory_space<vmem_shared>> -> memref<80x128xf32, #tpu.memory_space<vmem_shared>>
        tpu.enqueue_dma source(%dma_start3A_159 : memref<80x128xf32, #tpu.memory_space<vmem_shared>>) target(%dma_start3A_157 : memref<80x128xf32, #tpu.memory_space<hbm>>) target_semaphore(%run_scoped3A : memref<!tpu.dma_semaphore, #tpu.memory_space<semaphore_mem>>)
        %dma_wait3A = arith.constant 0 : i32
        %dma_wait3A_160 = tpu.memref_slice %arg5[%arg0, %mul3A_155, %dma_wait3A] : memref<2x10000x128xf32, #tpu.memory_space<hbm>> -> memref<1x80x128xf32, #tpu.memory_space<hbm>>
        %dma_wait3A_161 = tpu.memref_squeeze %dma_wait3A_160 : memref<1x80x128xf32, #tpu.memory_space<hbm>> -> memref<80x128xf32, #tpu.memory_space<hbm>>
        %dma_wait3A_162 = arith.constant 0 : i32
        %dma_wait3A_163 = tpu.memref_slice %arg9[%mul3A_153, %dma_wait3A_162] : memref<10000x128xf32, #tpu.memory_space<vmem_shared>> -> memref<80x128xf32, #tpu.memory_space<vmem_shared>>
        tpu.wait_dma2 semaphore(%run_scoped3A : memref<!tpu.dma_semaphore, #tpu.memory_space<semaphore_mem>>) src(%dma_wait3A_163 : memref<80x128xf32, #tpu.memory_space<vmem_shared>>) dst(%dma_wait3A_161 : memref<80x128xf32, #tpu.memory_space<hbm>>)
        tpu.yield
      }) : () -> ()
    } else {
    }
    %mul3A_107 = arith.constant 8 : i32
    %mul3A_108 = arith.muli %arg1, %mul3A_107 : i32
    %add3A_109 = arith.constant 3 : i32
    %add3A_110 = arith.addi %mul3A_108, %add3A_109 : i32
    %lt3A_111 = arith.constant 125 : i32
    %lt3A_112 = arith.cmpi slt, %add3A_110, %lt3A_111 : i32
    %convert_element_type3A_113 = arith.extui %lt3A_112 : i1 to i32
    %cond3A_114 = arith.constant 0 : i32
    %cond3A_115 = arith.cmpi ne, %convert_element_type3A_113, %cond3A_114 : i32
    scf.if %cond3A_115 {
      %mul3A_152 = arith.constant 80 : i32
      %mul3A_153 = arith.muli %add3A_110, %mul3A_152 : i32
      %mul3A_154 = arith.constant 80 : i32
      %mul3A_155 = arith.muli %add3A_110, %mul3A_154 : i32
      "tpu.region"() ({
        %run_scoped3A = tpu.sem_alloc : memref<!tpu.dma_semaphore, #tpu.memory_space<semaphore_mem>>
        %dma_start3A = arith.constant 0 : i32
        %dma_start3A_156 = tpu.memref_slice %arg5[%arg0, %mul3A_155, %dma_start3A] : memref<2x10000x128xf32, #tpu.memory_space<hbm>> -> memref<1x80x128xf32, #tpu.memory_space<hbm>>
        %dma_start3A_157 = tpu.memref_squeeze %dma_start3A_156 : memref<1x80x128xf32, #tpu.memory_space<hbm>> -> memref<80x128xf32, #tpu.memory_space<hbm>>
        %dma_start3A_158 = arith.constant 0 : i32
        %dma_start3A_159 = tpu.memref_slice %arg9[%mul3A_153, %dma_start3A_158] : memref<10000x128xf32, #tpu.memory_space<vmem_shared>> -> memref<80x128xf32, #tpu.memory_space<vmem_shared>>
        tpu.enqueue_dma source(%dma_start3A_159 : memref<80x128xf32, #tpu.memory_space<vmem_shared>>) target(%dma_start3A_157 : memref<80x128xf32, #tpu.memory_space<hbm>>) target_semaphore(%run_scoped3A : memref<!tpu.dma_semaphore, #tpu.memory_space<semaphore_mem>>)
        %dma_wait3A = arith.constant 0 : i32
        %dma_wait3A_160 = tpu.memref_slice %arg5[%arg0, %mul3A_155, %dma_wait3A] : memref<2x10000x128xf32, #tpu.memory_space<hbm>> -> memref<1x80x128xf32, #tpu.memory_space<hbm>>
        %dma_wait3A_161 = tpu.memref_squeeze %dma_wait3A_160 : memref<1x80x128xf32, #tpu.memory_space<hbm>> -> memref<80x128xf32, #tpu.memory_space<hbm>>
        %dma_wait3A_162 = arith.constant 0 : i32
        %dma_wait3A_163 = tpu.memref_slice %arg9[%mul3A_153, %dma_wait3A_162] : memref<10000x128xf32, #tpu.memory_space<vmem_shared>> -> memref<80x128xf32, #tpu.memory_space<vmem_shared>>
        tpu.wait_dma2 semaphore(%run_scoped3A : memref<!tpu.dma_semaphore, #tpu.memory_space<semaphore_mem>>) src(%dma_wait3A_163 : memref<80x128xf32, #tpu.memory_space<vmem_shared>>) dst(%dma_wait3A_161 : memref<80x128xf32, #tpu.memory_space<hbm>>)
        tpu.yield
      }) : () -> ()
    } else {
    }
    %mul3A_116 = arith.constant 8 : i32
    %mul3A_117 = arith.muli %arg1, %mul3A_116 : i32
    %add3A_118 = arith.constant 4 : i32
    %add3A_119 = arith.addi %mul3A_117, %add3A_118 : i32
    %lt3A_120 = arith.constant 125 : i32
    %lt3A_121 = arith.cmpi slt, %add3A_119, %lt3A_120 : i32
    %convert_element_type3A_122 = arith.extui %lt3A_121 : i1 to i32
    %cond3A_123 = arith.constant 0 : i32
    %cond3A_124 = arith.cmpi ne, %convert_element_type3A_122, %cond3A_123 : i32
    scf.if %cond3A_124 {
      %mul3A_152 = arith.constant 80 : i32
      %mul3A_153 = arith.muli %add3A_119, %mul3A_152 : i32
      %mul3A_154 = arith.constant 80 : i32
      %mul3A_155 = arith.muli %add3A_119, %mul3A_154 : i32
      "tpu.region"() ({
        %run_scoped3A = tpu.sem_alloc : memref<!tpu.dma_semaphore, #tpu.memory_space<semaphore_mem>>
        %dma_start3A = arith.constant 0 : i32
        %dma_start3A_156 = tpu.memref_slice %arg5[%arg0, %mul3A_155, %dma_start3A] : memref<2x10000x128xf32, #tpu.memory_space<hbm>> -> memref<1x80x128xf32, #tpu.memory_space<hbm>>
        %dma_start3A_157 = tpu.memref_squeeze %dma_start3A_156 : memref<1x80x128xf32, #tpu.memory_space<hbm>> -> memref<80x128xf32, #tpu.memory_space<hbm>>
        %dma_start3A_158 = arith.constant 0 : i32
        %dma_start3A_159 = tpu.memref_slice %arg9[%mul3A_153, %dma_start3A_158] : memref<10000x128xf32, #tpu.memory_space<vmem_shared>> -> memref<80x128xf32, #tpu.memory_space<vmem_shared>>
        tpu.enqueue_dma source(%dma_start3A_159 : memref<80x128xf32, #tpu.memory_space<vmem_shared>>) target(%dma_start3A_157 : memref<80x128xf32, #tpu.memory_space<hbm>>) target_semaphore(%run_scoped3A : memref<!tpu.dma_semaphore, #tpu.memory_space<semaphore_mem>>)
        %dma_wait3A = arith.constant 0 : i32
        %dma_wait3A_160 = tpu.memref_slice %arg5[%arg0, %mul3A_155, %dma_wait3A] : memref<2x10000x128xf32, #tpu.memory_space<hbm>> -> memref<1x80x128xf32, #tpu.memory_space<hbm>>
        %dma_wait3A_161 = tpu.memref_squeeze %dma_wait3A_160 : memref<1x80x128xf32, #tpu.memory_space<hbm>> -> memref<80x128xf32, #tpu.memory_space<hbm>>
        %dma_wait3A_162 = arith.constant 0 : i32
        %dma_wait3A_163 = tpu.memref_slice %arg9[%mul3A_153, %dma_wait3A_162] : memref<10000x128xf32, #tpu.memory_space<vmem_shared>> -> memref<80x128xf32, #tpu.memory_space<vmem_shared>>
        tpu.wait_dma2 semaphore(%run_scoped3A : memref<!tpu.dma_semaphore, #tpu.memory_space<semaphore_mem>>) src(%dma_wait3A_163 : memref<80x128xf32, #tpu.memory_space<vmem_shared>>) dst(%dma_wait3A_161 : memref<80x128xf32, #tpu.memory_space<hbm>>)
        tpu.yield
      }) : () -> ()
    } else {
    }
    %mul3A_125 = arith.constant 8 : i32
    %mul3A_126 = arith.muli %arg1, %mul3A_125 : i32
    %add3A_127 = arith.constant 5 : i32
    %add3A_128 = arith.addi %mul3A_126, %add3A_127 : i32
    %lt3A_129 = arith.constant 125 : i32
    %lt3A_130 = arith.cmpi slt, %add3A_128, %lt3A_129 : i32
    %convert_element_type3A_131 = arith.extui %lt3A_130 : i1 to i32
    %cond3A_132 = arith.constant 0 : i32
    %cond3A_133 = arith.cmpi ne, %convert_element_type3A_131, %cond3A_132 : i32
    scf.if %cond3A_133 {
      %mul3A_152 = arith.constant 80 : i32
      %mul3A_153 = arith.muli %add3A_128, %mul3A_152 : i32
      %mul3A_154 = arith.constant 80 : i32
      %mul3A_155 = arith.muli %add3A_128, %mul3A_154 : i32
      "tpu.region"() ({
        %run_scoped3A = tpu.sem_alloc : memref<!tpu.dma_semaphore, #tpu.memory_space<semaphore_mem>>
        %dma_start3A = arith.constant 0 : i32
        %dma_start3A_156 = tpu.memref_slice %arg5[%arg0, %mul3A_155, %dma_start3A] : memref<2x10000x128xf32, #tpu.memory_space<hbm>> -> memref<1x80x128xf32, #tpu.memory_space<hbm>>
        %dma_start3A_157 = tpu.memref_squeeze %dma_start3A_156 : memref<1x80x128xf32, #tpu.memory_space<hbm>> -> memref<80x128xf32, #tpu.memory_space<hbm>>
        %dma_start3A_158 = arith.constant 0 : i32
        %dma_start3A_159 = tpu.memref_slice %arg9[%mul3A_153, %dma_start3A_158] : memref<10000x128xf32, #tpu.memory_space<vmem_shared>> -> memref<80x128xf32, #tpu.memory_space<vmem_shared>>
        tpu.enqueue_dma source(%dma_start3A_159 : memref<80x128xf32, #tpu.memory_space<vmem_shared>>) target(%dma_start3A_157 : memref<80x128xf32, #tpu.memory_space<hbm>>) target_semaphore(%run_scoped3A : memref<!tpu.dma_semaphore, #tpu.memory_space<semaphore_mem>>)
        %dma_wait3A = arith.constant 0 : i32
        %dma_wait3A_160 = tpu.memref_slice %arg5[%arg0, %mul3A_155, %dma_wait3A] : memref<2x10000x128xf32, #tpu.memory_space<hbm>> -> memref<1x80x128xf32, #tpu.memory_space<hbm>>
        %dma_wait3A_161 = tpu.memref_squeeze %dma_wait3A_160 : memref<1x80x128xf32, #tpu.memory_space<hbm>> -> memref<80x128xf32, #tpu.memory_space<hbm>>
        %dma_wait3A_162 = arith.constant 0 : i32
        %dma_wait3A_163 = tpu.memref_slice %arg9[%mul3A_153, %dma_wait3A_162] : memref<10000x128xf32, #tpu.memory_space<vmem_shared>> -> memref<80x128xf32, #tpu.memory_space<vmem_shared>>
        tpu.wait_dma2 semaphore(%run_scoped3A : memref<!tpu.dma_semaphore, #tpu.memory_space<semaphore_mem>>) src(%dma_wait3A_163 : memref<80x128xf32, #tpu.memory_space<vmem_shared>>) dst(%dma_wait3A_161 : memref<80x128xf32, #tpu.memory_space<hbm>>)
        tpu.yield
      }) : () -> ()
    } else {
    }
    %mul3A_134 = arith.constant 8 : i32
    %mul3A_135 = arith.muli %arg1, %mul3A_134 : i32
    %add3A_136 = arith.constant 6 : i32
    %add3A_137 = arith.addi %mul3A_135, %add3A_136 : i32
    %lt3A_138 = arith.constant 125 : i32
    %lt3A_139 = arith.cmpi slt, %add3A_137, %lt3A_138 : i32
    %convert_element_type3A_140 = arith.extui %lt3A_139 : i1 to i32
    %cond3A_141 = arith.constant 0 : i32
    %cond3A_142 = arith.cmpi ne, %convert_element_type3A_140, %cond3A_141 : i32
    scf.if %cond3A_142 {
      %mul3A_152 = arith.constant 80 : i32
      %mul3A_153 = arith.muli %add3A_137, %mul3A_152 : i32
      %mul3A_154 = arith.constant 80 : i32
      %mul3A_155 = arith.muli %add3A_137, %mul3A_154 : i32
      "tpu.region"() ({
        %run_scoped3A = tpu.sem_alloc : memref<!tpu.dma_semaphore, #tpu.memory_space<semaphore_mem>>
        %dma_start3A = arith.constant 0 : i32
        %dma_start3A_156 = tpu.memref_slice %arg5[%arg0, %mul3A_155, %dma_start3A] : memref<2x10000x128xf32, #tpu.memory_space<hbm>> -> memref<1x80x128xf32, #tpu.memory_space<hbm>>
        %dma_start3A_157 = tpu.memref_squeeze %dma_start3A_156 : memref<1x80x128xf32, #tpu.memory_space<hbm>> -> memref<80x128xf32, #tpu.memory_space<hbm>>
        %dma_start3A_158 = arith.constant 0 : i32
        %dma_start3A_159 = tpu.memref_slice %arg9[%mul3A_153, %dma_start3A_158] : memref<10000x128xf32, #tpu.memory_space<vmem_shared>> -> memref<80x128xf32, #tpu.memory_space<vmem_shared>>
        tpu.enqueue_dma source(%dma_start3A_159 : memref<80x128xf32, #tpu.memory_space<vmem_shared>>) target(%dma_start3A_157 : memref<80x128xf32, #tpu.memory_space<hbm>>) target_semaphore(%run_scoped3A : memref<!tpu.dma_semaphore, #tpu.memory_space<semaphore_mem>>)
        %dma_wait3A = arith.constant 0 : i32
        %dma_wait3A_160 = tpu.memref_slice %arg5[%arg0, %mul3A_155, %dma_wait3A] : memref<2x10000x128xf32, #tpu.memory_space<hbm>> -> memref<1x80x128xf32, #tpu.memory_space<hbm>>
        %dma_wait3A_161 = tpu.memref_squeeze %dma_wait3A_160 : memref<1x80x128xf32, #tpu.memory_space<hbm>> -> memref<80x128xf32, #tpu.memory_space<hbm>>
        %dma_wait3A_162 = arith.constant 0 : i32
        %dma_wait3A_163 = tpu.memref_slice %arg9[%mul3A_153, %dma_wait3A_162] : memref<10000x128xf32, #tpu.memory_space<vmem_shared>> -> memref<80x128xf32, #tpu.memory_space<vmem_shared>>
        tpu.wait_dma2 semaphore(%run_scoped3A : memref<!tpu.dma_semaphore, #tpu.memory_space<semaphore_mem>>) src(%dma_wait3A_163 : memref<80x128xf32, #tpu.memory_space<vmem_shared>>) dst(%dma_wait3A_161 : memref<80x128xf32, #tpu.memory_space<hbm>>)
        tpu.yield
      }) : () -> ()
    } else {
    }
    %mul3A_143 = arith.constant 8 : i32
    %mul3A_144 = arith.muli %arg1, %mul3A_143 : i32
    %add3A_145 = arith.constant 7 : i32
    %add3A_146 = arith.addi %mul3A_144, %add3A_145 : i32
    %lt3A_147 = arith.constant 125 : i32
    %lt3A_148 = arith.cmpi slt, %add3A_146, %lt3A_147 : i32
    %convert_element_type3A_149 = arith.extui %lt3A_148 : i1 to i32
    %cond3A_150 = arith.constant 0 : i32
    %cond3A_151 = arith.cmpi ne, %convert_element_type3A_149, %cond3A_150 : i32
    scf.if %cond3A_151 {
      %mul3A_152 = arith.constant 80 : i32
      %mul3A_153 = arith.muli %add3A_146, %mul3A_152 : i32
      %mul3A_154 = arith.constant 80 : i32
      %mul3A_155 = arith.muli %add3A_146, %mul3A_154 : i32
      "tpu.region"() ({
        %run_scoped3A = tpu.sem_alloc : memref<!tpu.dma_semaphore, #tpu.memory_space<semaphore_mem>>
        %dma_start3A = arith.constant 0 : i32
        %dma_start3A_156 = tpu.memref_slice %arg5[%arg0, %mul3A_155, %dma_start3A] : memref<2x10000x128xf32, #tpu.memory_space<hbm>> -> memref<1x80x128xf32, #tpu.memory_space<hbm>>
        %dma_start3A_157 = tpu.memref_squeeze %dma_start3A_156 : memref<1x80x128xf32, #tpu.memory_space<hbm>> -> memref<80x128xf32, #tpu.memory_space<hbm>>
        %dma_start3A_158 = arith.constant 0 : i32
        %dma_start3A_159 = tpu.memref_slice %arg9[%mul3A_153, %dma_start3A_158] : memref<10000x128xf32, #tpu.memory_space<vmem_shared>> -> memref<80x128xf32, #tpu.memory_space<vmem_shared>>
        tpu.enqueue_dma source(%dma_start3A_159 : memref<80x128xf32, #tpu.memory_space<vmem_shared>>) target(%dma_start3A_157 : memref<80x128xf32, #tpu.memory_space<hbm>>) target_semaphore(%run_scoped3A : memref<!tpu.dma_semaphore, #tpu.memory_space<semaphore_mem>>)
        %dma_wait3A = arith.constant 0 : i32
        %dma_wait3A_160 = tpu.memref_slice %arg5[%arg0, %mul3A_155, %dma_wait3A] : memref<2x10000x128xf32, #tpu.memory_space<hbm>> -> memref<1x80x128xf32, #tpu.memory_space<hbm>>
        %dma_wait3A_161 = tpu.memref_squeeze %dma_wait3A_160 : memref<1x80x128xf32, #tpu.memory_space<hbm>> -> memref<80x128xf32, #tpu.memory_space<hbm>>
        %dma_wait3A_162 = arith.constant 0 : i32
        %dma_wait3A_163 = tpu.memref_slice %arg9[%mul3A_153, %dma_wait3A_162] : memref<10000x128xf32, #tpu.memory_space<vmem_shared>> -> memref<80x128xf32, #tpu.memory_space<vmem_shared>>
        tpu.wait_dma2 semaphore(%run_scoped3A : memref<!tpu.dma_semaphore, #tpu.memory_space<semaphore_mem>>) src(%dma_wait3A_163 : memref<80x128xf32, #tpu.memory_space<vmem_shared>>) dst(%dma_wait3A_161 : memref<80x128xf32, #tpu.memory_space<hbm>>)
        tpu.yield
      }) : () -> ()
    } else {
    }
    return
  }
}

#map = affine_map<(d0, d1) -> (0, 0)>
#map1 = affine_map<(d0, d1) -> (0)>
#map2 = affine_map<(d0, d1) -> (0, 0, 0)>
module attributes {stable_mosaic.version = 14 : i64} {
  func.func @kern(%arg0: i32, %arg1: i32, %arg2: memref<10000x128xf32, #tpu.memory_space<hbm>>, %arg3: memref<320000xi32, #tpu.memory_space<hbm>>, %arg4: memref<320000xi32, #tpu.memory_space<hbm>>, %arg5: memref<2x10000x128xf32, #tpu.memory_space<hbm>>, %arg6: memref<80xi32, #tpu.memory_space<vmem>>, %arg7: memref<80xi32, #tpu.memory_space<vmem>>, %arg8: memref<80x128xf32, #tpu.memory_space<vmem>>, %arg9: memref<10000x128xf32, #tpu.memory_space<vmem_shared>>, %arg10: memref<!tpu.dma_semaphore, #tpu.memory_space<semaphore_mem>>) attributes {dimension_semantics = [#tpu.dimension_semantics<core_parallel>, #tpu.dimension_semantics<subcore_parallel>], iteration_bounds = array<i64: 2, 16>, scalar_prefetch = 0 : i64, scratch_operands = 5 : i64, tpu.core_type = #tpu.core_type<sc_vector_subcore>, window_params = [{transform_indices = #map}, {transform_indices = #map1}, {transform_indices = #map1}, {transform_indices = #map2}]} {
    %mul3A = arith.constant 16 : i32
    %mul3A_0 = arith.muli %arg0, %mul3A : i32
    %add3A = arith.addi %mul3A_0, %arg1 : i32
    %scan3A = arith.constant 0 : i32
    %scan3A_1 = arith.constant 640 : i32
    %scan3A_2 = arith.addi %scan3A, %scan3A_1 : i32
    %scan3A_3 = arith.constant 1 : i32
    scf.for %scan3A_152 = %scan3A to %scan3A_2 step %scan3A_3  : i32 {
      %broadcast_in_dim3A = arith.constant 0.000000e+00 : f32
      %broadcast_in_dim3A_153 = vector.broadcast %broadcast_in_dim3A : f32 to vector<16xf32>
      %jit3A = arith.constant 8 : i32
      %div3A = arith.divsi %scan3A_152, %jit3A : i32
      %sign3A = arith.constant 0 : i32
      %sign3A_154 = arith.cmpi sgt, %scan3A_152, %sign3A : i32
      %sign3A_155 = arith.extui %sign3A_154 : i1 to i32
      %sign3A_156 = arith.constant 0 : i32
      %sign3A_157 = arith.cmpi slt, %scan3A_152, %sign3A_156 : i32
      %sign3A_158 = arith.extui %sign3A_157 : i1 to i32
      %sign3A_159 = arith.subi %sign3A_155, %sign3A_158 : i32
      %sign3A_160 = arith.constant 0 : i32
      %sign3A_161 = arith.cmpi sgt, %jit3A, %sign3A_160 : i32
      %sign3A_162 = arith.extui %sign3A_161 : i1 to i32
      %sign3A_163 = arith.constant 0 : i32
      %sign3A_164 = arith.cmpi slt, %jit3A, %sign3A_163 : i32
      %sign3A_165 = arith.extui %sign3A_164 : i1 to i32
      %sign3A_166 = arith.subi %sign3A_162, %sign3A_165 : i32
      %ne3A = arith.cmpi ne, %sign3A_159, %sign3A_166 : i32
      %rem3A = arith.remsi %scan3A_152, %jit3A : i32
      %ne3A_167 = arith.constant 0 : i32
      %ne3A_168 = arith.cmpi ne, %rem3A, %ne3A_167 : i32
      %and3A = arith.andi %ne3A, %ne3A_168 : i1
      %sub3A = arith.constant 1 : i32
      %sub3A_169 = arith.subi %div3A, %sub3A : i32
      %select_n3A = arith.select %and3A, %sub3A_169, %div3A : i32
      %jit3A_170 = arith.constant 8 : i32
      %eq3A = arith.constant 0 : i32
      %eq3A_171 = arith.cmpi eq, %jit3A_170, %eq3A : i32
      %jit3A_172 = arith.constant 1 : i32
      %select_n3A_173 = arith.select %eq3A_171, %jit3A_172, %jit3A_170 : i32
      %rem3A_174 = arith.remsi %scan3A_152, %select_n3A_173 : i32
      %ne3A_175 = arith.constant 0 : i32
      %ne3A_176 = arith.cmpi ne, %rem3A_174, %ne3A_175 : i32
      %lt3A_177 = arith.constant 0 : i32
      %lt3A_178 = arith.cmpi slt, %rem3A_174, %lt3A_177 : i32
      %lt3A_179 = arith.constant 0 : i32
      %lt3A_180 = arith.cmpi slt, %select_n3A_173, %lt3A_179 : i32
      %ne3A_181 = arith.xori %lt3A_178, %lt3A_180 : i1
      %and3A_182 = arith.andi %ne3A_181, %ne3A_176 : i1
      %add3A_183 = arith.addi %rem3A_174, %select_n3A_173 : i32
      %select_n3A_184 = arith.select %and3A_182, %add3A_183, %rem3A_174 : i32
      %mul3A_185 = arith.constant 16 : i32
      %mul3A_186 = arith.muli %select_n3A_184, %mul3A_185 : i32
      %swap3A = arith.index_cast %select_n3A : i32 to index
      %swap3A_187 = arith.index_cast %mul3A_186 : i32 to index
      %swap3A_188 = tpu.vector_load %arg8[%swap3A, %swap3A_187] {strides = array<i32>} : memref<80x128xf32, #tpu.memory_space<vmem>>, vector<1x16xf32>,
      %swap3A_189 = vector.shape_cast %swap3A_188 : vector<1x16xf32> to vector<16xf32>
      %swap3A_190 = vector.shape_cast %broadcast_in_dim3A_153 : vector<16xf32> to vector<1x16xf32>
      tpu.vector_store %arg8[%swap3A, %swap3A_187], %swap3A_190 {strides = array<i32>} : memref<80x128xf32, #tpu.memory_space<vmem>>, vector<1x16xf32>,
    }
    %scan3A_4 = arith.constant 640 : i32
    %mul3A_5 = arith.constant 8 : i32
    %mul3A_6 = arith.muli %arg1, %mul3A_5 : i32
    %add3A_7 = arith.constant 0 : i32
    %add3A_8 = arith.addi %mul3A_6, %add3A_7 : i32
    %lt3A = arith.constant 125 : i32
    %lt3A_9 = arith.cmpi slt, %add3A_8, %lt3A : i32
    %convert_element_type3A = arith.extui %lt3A_9 : i1 to i32
    %cond3A = arith.constant 0 : i32
    %cond3A_10 = arith.cmpi ne, %convert_element_type3A, %cond3A : i32
    scf.if %cond3A_10 {
      %mul3A_152 = arith.constant 80 : i32
      %mul3A_153 = arith.muli %add3A_8, %mul3A_152 : i32
      "tpu.region"() ({
        %run_scoped3A = tpu.sem_alloc : memref<!tpu.dma_semaphore, #tpu.memory_space<semaphore_mem>>
        %dma_start3A = arith.constant 0 : i32
        %dma_start3A_154 = tpu.memref_slice %arg9[%mul3A_153, %dma_start3A] : memref<10000x128xf32, #tpu.memory_space<vmem_shared>> -> memref<80x128xf32, #tpu.memory_space<vmem_shared>>
        %dma_start3A_155 = arith.constant 0 : i32
        %dma_start3A_156 = tpu.memref_slice %arg9[%mul3A_153, %dma_start3A_155] : memref<10000x128xf32, #tpu.memory_space<vmem_shared>> -> memref<80x128xf32, #tpu.memory_space<vmem_shared>>
        tpu.enqueue_dma source(%arg8 : memref<80x128xf32, #tpu.memory_space<vmem>>) target(%dma_start3A_156 : memref<80x128xf32, #tpu.memory_space<vmem_shared>>) target_semaphore(%run_scoped3A : memref<!tpu.dma_semaphore, #tpu.memory_space<semaphore_mem>>)
        %dma_wait3A = arith.constant 0 : i32
        %dma_wait3A_157 = tpu.memref_slice %arg9[%mul3A_153, %dma_wait3A] : memref<10000x128xf32, #tpu.memory_space<vmem_shared>> -> memref<80x128xf32, #tpu.memory_space<vmem_shared>>
        %dma_wait3A_158 = arith.constant 0 : i32
        %dma_wait3A_159 = tpu.memref_slice %arg9[%mul3A_153, %dma_wait3A_158] : memref<10000x128xf32, #tpu.memory_space<vmem_shared>> -> memref<80x128xf32, #tpu.memory_space<vmem_shared>>
        tpu.wait_dma2 semaphore(%run_scoped3A : memref<!tpu.dma_semaphore, #tpu.memory_space<semaphore_mem>>) src(%arg8 : memref<80x128xf32, #tpu.memory_space<vmem>>) dst(%dma_wait3A_159 : memref<80x128xf32, #tpu.memory_space<vmem_shared>>)
        tpu.yield
      }) : () -> ()
    } else {
    }
    %mul3A_11 = arith.constant 8 : i32
    %mul3A_12 = arith.muli %arg1, %mul3A_11 : i32
    %add3A_13 = arith.constant 1 : i32
    %add3A_14 = arith.addi %mul3A_12, %add3A_13 : i32
    %lt3A_15 = arith.constant 125 : i32
    %lt3A_16 = arith.cmpi slt, %add3A_14, %lt3A_15 : i32
    %convert_element_type3A_17 = arith.extui %lt3A_16 : i1 to i32
    %cond3A_18 = arith.constant 0 : i32
    %cond3A_19 = arith.cmpi ne, %convert_element_type3A_17, %cond3A_18 : i32
    scf.if %cond3A_19 {
      %mul3A_152 = arith.constant 80 : i32
      %mul3A_153 = arith.muli %add3A_14, %mul3A_152 : i32
      "tpu.region"() ({
        %run_scoped3A = tpu.sem_alloc : memref<!tpu.dma_semaphore, #tpu.memory_space<semaphore_mem>>
        %dma_start3A = arith.constant 0 : i32
        %dma_start3A_154 = tpu.memref_slice %arg9[%mul3A_153, %dma_start3A] : memref<10000x128xf32, #tpu.memory_space<vmem_shared>> -> memref<80x128xf32, #tpu.memory_space<vmem_shared>>
        %dma_start3A_155 = arith.constant 0 : i32
        %dma_start3A_156 = tpu.memref_slice %arg9[%mul3A_153, %dma_start3A_155] : memref<10000x128xf32, #tpu.memory_space<vmem_shared>> -> memref<80x128xf32, #tpu.memory_space<vmem_shared>>
        tpu.enqueue_dma source(%arg8 : memref<80x128xf32, #tpu.memory_space<vmem>>) target(%dma_start3A_156 : memref<80x128xf32, #tpu.memory_space<vmem_shared>>) target_semaphore(%run_scoped3A : memref<!tpu.dma_semaphore, #tpu.memory_space<semaphore_mem>>)
        %dma_wait3A = arith.constant 0 : i32
        %dma_wait3A_157 = tpu.memref_slice %arg9[%mul3A_153, %dma_wait3A] : memref<10000x128xf32, #tpu.memory_space<vmem_shared>> -> memref<80x128xf32, #tpu.memory_space<vmem_shared>>
        %dma_wait3A_158 = arith.constant 0 : i32
        %dma_wait3A_159 = tpu.memref_slice %arg9[%mul3A_153, %dma_wait3A_158] : memref<10000x128xf32, #tpu.memory_space<vmem_shared>> -> memref<80x128xf32, #tpu.memory_space<vmem_shared>>
        tpu.wait_dma2 semaphore(%run_scoped3A : memref<!tpu.dma_semaphore, #tpu.memory_space<semaphore_mem>>) src(%arg8 : memref<80x128xf32, #tpu.memory_space<vmem>>) dst(%dma_wait3A_159 : memref<80x128xf32, #tpu.memory_space<vmem_shared>>)
        tpu.yield
      }) : () -> ()
    } else {
    }
    %mul3A_20 = arith.constant 8 : i32
    %mul3A_21 = arith.muli %arg1, %mul3A_20 : i32
    %add3A_22 = arith.constant 2 : i32
    %add3A_23 = arith.addi %mul3A_21, %add3A_22 : i32
    %lt3A_24 = arith.constant 125 : i32
    %lt3A_25 = arith.cmpi slt, %add3A_23, %lt3A_24 : i32
    %convert_element_type3A_26 = arith.extui %lt3A_25 : i1 to i32
    %cond3A_27 = arith.constant 0 : i32
    %cond3A_28 = arith.cmpi ne, %convert_element_type3A_26, %cond3A_27 : i32
    scf.if %cond3A_28 {
      %mul3A_152 = arith.constant 80 : i32
      %mul3A_153 = arith.muli %add3A_23, %mul3A_152 : i32
      "tpu.region"() ({
        %run_scoped3A = tpu.sem_alloc : memref<!tpu.dma_semaphore, #tpu.memory_space<semaphore_mem>>
        %dma_start3A = arith.constant 0 : i32
        %dma_start3A_154 = tpu.memref_slice %arg9[%mul3A_153, %dma_start3A] : memref<10000x128xf32, #tpu.memory_space<vmem_shared>> -> memref<80x128xf32, #tpu.memory_space<vmem_shared>>
        %dma_start3A_155 = arith.constant 0 : i32
        %dma_start3A_156 = tpu.memref_slice %arg9[%mul3A_153, %dma_start3A_155] : memref<10000x128xf32, #tpu.memory_space<vmem_shared>> -> memref<80x128xf32, #tpu.memory_space<vmem_shared>>
        tpu.enqueue_dma source(%arg8 : memref<80x128xf32, #tpu.memory_space<vmem>>) target(%dma_start3A_156 : memref<80x128xf32, #tpu.memory_space<vmem_shared>>) target_semaphore(%run_scoped3A : memref<!tpu.dma_semaphore, #tpu.memory_space<semaphore_mem>>)
        %dma_wait3A = arith.constant 0 : i32
        %dma_wait3A_157 = tpu.memref_slice %arg9[%mul3A_153, %dma_wait3A] : memref<10000x128xf32, #tpu.memory_space<vmem_shared>> -> memref<80x128xf32, #tpu.memory_space<vmem_shared>>
        %dma_wait3A_158 = arith.constant 0 : i32
        %dma_wait3A_159 = tpu.memref_slice %arg9[%mul3A_153, %dma_wait3A_158] : memref<10000x128xf32, #tpu.memory_space<vmem_shared>> -> memref<80x128xf32, #tpu.memory_space<vmem_shared>>
        tpu.wait_dma2 semaphore(%run_scoped3A : memref<!tpu.dma_semaphore, #tpu.memory_space<semaphore_mem>>) src(%arg8 : memref<80x128xf32, #tpu.memory_space<vmem>>) dst(%dma_wait3A_159 : memref<80x128xf32, #tpu.memory_space<vmem_shared>>)
        tpu.yield
      }) : () -> ()
    } else {
    }
    %mul3A_29 = arith.constant 8 : i32
    %mul3A_30 = arith.muli %arg1, %mul3A_29 : i32
    %add3A_31 = arith.constant 3 : i32
    %add3A_32 = arith.addi %mul3A_30, %add3A_31 : i32
    %lt3A_33 = arith.constant 125 : i32
    %lt3A_34 = arith.cmpi slt, %add3A_32, %lt3A_33 : i32
    %convert_element_type3A_35 = arith.extui %lt3A_34 : i1 to i32
    %cond3A_36 = arith.constant 0 : i32
    %cond3A_37 = arith.cmpi ne, %convert_element_type3A_35, %cond3A_36 : i32
    scf.if %cond3A_37 {
      %mul3A_152 = arith.constant 80 : i32
      %mul3A_153 = arith.muli %add3A_32, %mul3A_152 : i32
      "tpu.region"() ({
        %run_scoped3A = tpu.sem_alloc : memref<!tpu.dma_semaphore, #tpu.memory_space<semaphore_mem>>
        %dma_start3A = arith.constant 0 : i32
        %dma_start3A_154 = tpu.memref_slice %arg9[%mul3A_153, %dma_start3A] : memref<10000x128xf32, #tpu.memory_space<vmem_shared>> -> memref<80x128xf32, #tpu.memory_space<vmem_shared>>
        %dma_start3A_155 = arith.constant 0 : i32
        %dma_start3A_156 = tpu.memref_slice %arg9[%mul3A_153, %dma_start3A_155] : memref<10000x128xf32, #tpu.memory_space<vmem_shared>> -> memref<80x128xf32, #tpu.memory_space<vmem_shared>>
        tpu.enqueue_dma source(%arg8 : memref<80x128xf32, #tpu.memory_space<vmem>>) target(%dma_start3A_156 : memref<80x128xf32, #tpu.memory_space<vmem_shared>>) target_semaphore(%run_scoped3A : memref<!tpu.dma_semaphore, #tpu.memory_space<semaphore_mem>>)
        %dma_wait3A = arith.constant 0 : i32
        %dma_wait3A_157 = tpu.memref_slice %arg9[%mul3A_153, %dma_wait3A] : memref<10000x128xf32, #tpu.memory_space<vmem_shared>> -> memref<80x128xf32, #tpu.memory_space<vmem_shared>>
        %dma_wait3A_158 = arith.constant 0 : i32
        %dma_wait3A_159 = tpu.memref_slice %arg9[%mul3A_153, %dma_wait3A_158] : memref<10000x128xf32, #tpu.memory_space<vmem_shared>> -> memref<80x128xf32, #tpu.memory_space<vmem_shared>>
        tpu.wait_dma2 semaphore(%run_scoped3A : memref<!tpu.dma_semaphore, #tpu.memory_space<semaphore_mem>>) src(%arg8 : memref<80x128xf32, #tpu.memory_space<vmem>>) dst(%dma_wait3A_159 : memref<80x128xf32, #tpu.memory_space<vmem_shared>>)
        tpu.yield
      }) : () -> ()
    } else {
    }
    %mul3A_38 = arith.constant 8 : i32
    %mul3A_39 = arith.muli %arg1, %mul3A_38 : i32
    %add3A_40 = arith.constant 4 : i32
    %add3A_41 = arith.addi %mul3A_39, %add3A_40 : i32
    %lt3A_42 = arith.constant 125 : i32
    %lt3A_43 = arith.cmpi slt, %add3A_41, %lt3A_42 : i32
    %convert_element_type3A_44 = arith.extui %lt3A_43 : i1 to i32
    %cond3A_45 = arith.constant 0 : i32
    %cond3A_46 = arith.cmpi ne, %convert_element_type3A_44, %cond3A_45 : i32
    scf.if %cond3A_46 {
      %mul3A_152 = arith.constant 80 : i32
      %mul3A_153 = arith.muli %add3A_41, %mul3A_152 : i32
      "tpu.region"() ({
        %run_scoped3A = tpu.sem_alloc : memref<!tpu.dma_semaphore, #tpu.memory_space<semaphore_mem>>
        %dma_start3A = arith.constant 0 : i32
        %dma_start3A_154 = tpu.memref_slice %arg9[%mul3A_153, %dma_start3A] : memref<10000x128xf32, #tpu.memory_space<vmem_shared>> -> memref<80x128xf32, #tpu.memory_space<vmem_shared>>
        %dma_start3A_155 = arith.constant 0 : i32
        %dma_start3A_156 = tpu.memref_slice %arg9[%mul3A_153, %dma_start3A_155] : memref<10000x128xf32, #tpu.memory_space<vmem_shared>> -> memref<80x128xf32, #tpu.memory_space<vmem_shared>>
        tpu.enqueue_dma source(%arg8 : memref<80x128xf32, #tpu.memory_space<vmem>>) target(%dma_start3A_156 : memref<80x128xf32, #tpu.memory_space<vmem_shared>>) target_semaphore(%run_scoped3A : memref<!tpu.dma_semaphore, #tpu.memory_space<semaphore_mem>>)
        %dma_wait3A = arith.constant 0 : i32
        %dma_wait3A_157 = tpu.memref_slice %arg9[%mul3A_153, %dma_wait3A] : memref<10000x128xf32, #tpu.memory_space<vmem_shared>> -> memref<80x128xf32, #tpu.memory_space<vmem_shared>>
        %dma_wait3A_158 = arith.constant 0 : i32
        %dma_wait3A_159 = tpu.memref_slice %arg9[%mul3A_153, %dma_wait3A_158] : memref<10000x128xf32, #tpu.memory_space<vmem_shared>> -> memref<80x128xf32, #tpu.memory_space<vmem_shared>>
        tpu.wait_dma2 semaphore(%run_scoped3A : memref<!tpu.dma_semaphore, #tpu.memory_space<semaphore_mem>>) src(%arg8 : memref<80x128xf32, #tpu.memory_space<vmem>>) dst(%dma_wait3A_159 : memref<80x128xf32, #tpu.memory_space<vmem_shared>>)
        tpu.yield
      }) : () -> ()
    } else {
    }
    %mul3A_47 = arith.constant 8 : i32
    %mul3A_48 = arith.muli %arg1, %mul3A_47 : i32
    %add3A_49 = arith.constant 5 : i32
    %add3A_50 = arith.addi %mul3A_48, %add3A_49 : i32
    %lt3A_51 = arith.constant 125 : i32
    %lt3A_52 = arith.cmpi slt, %add3A_50, %lt3A_51 : i32
    %convert_element_type3A_53 = arith.extui %lt3A_52 : i1 to i32
    %cond3A_54 = arith.constant 0 : i32
    %cond3A_55 = arith.cmpi ne, %convert_element_type3A_53, %cond3A_54 : i32
    scf.if %cond3A_55 {
      %mul3A_152 = arith.constant 80 : i32
      %mul3A_153 = arith.muli %add3A_50, %mul3A_152 : i32
      "tpu.region"() ({
        %run_scoped3A = tpu.sem_alloc : memref<!tpu.dma_semaphore, #tpu.memory_space<semaphore_mem>>
        %dma_start3A = arith.constant 0 : i32
        %dma_start3A_154 = tpu.memref_slice %arg9[%mul3A_153, %dma_start3A] : memref<10000x128xf32, #tpu.memory_space<vmem_shared>> -> memref<80x128xf32, #tpu.memory_space<vmem_shared>>
        %dma_start3A_155 = arith.constant 0 : i32
        %dma_start3A_156 = tpu.memref_slice %arg9[%mul3A_153, %dma_start3A_155] : memref<10000x128xf32, #tpu.memory_space<vmem_shared>> -> memref<80x128xf32, #tpu.memory_space<vmem_shared>>
        tpu.enqueue_dma source(%arg8 : memref<80x128xf32, #tpu.memory_space<vmem>>) target(%dma_start3A_156 : memref<80x128xf32, #tpu.memory_space<vmem_shared>>) target_semaphore(%run_scoped3A : memref<!tpu.dma_semaphore, #tpu.memory_space<semaphore_mem>>)
        %dma_wait3A = arith.constant 0 : i32
        %dma_wait3A_157 = tpu.memref_slice %arg9[%mul3A_153, %dma_wait3A] : memref<10000x128xf32, #tpu.memory_space<vmem_shared>> -> memref<80x128xf32, #tpu.memory_space<vmem_shared>>
        %dma_wait3A_158 = arith.constant 0 : i32
        %dma_wait3A_159 = tpu.memref_slice %arg9[%mul3A_153, %dma_wait3A_158] : memref<10000x128xf32, #tpu.memory_space<vmem_shared>> -> memref<80x128xf32, #tpu.memory_space<vmem_shared>>
        tpu.wait_dma2 semaphore(%run_scoped3A : memref<!tpu.dma_semaphore, #tpu.memory_space<semaphore_mem>>) src(%arg8 : memref<80x128xf32, #tpu.memory_space<vmem>>) dst(%dma_wait3A_159 : memref<80x128xf32, #tpu.memory_space<vmem_shared>>)
        tpu.yield
      }) : () -> ()
    } else {
    }
    %mul3A_56 = arith.constant 8 : i32
    %mul3A_57 = arith.muli %arg1, %mul3A_56 : i32
    %add3A_58 = arith.constant 6 : i32
    %add3A_59 = arith.addi %mul3A_57, %add3A_58 : i32
    %lt3A_60 = arith.constant 125 : i32
    %lt3A_61 = arith.cmpi slt, %add3A_59, %lt3A_60 : i32
    %convert_element_type3A_62 = arith.extui %lt3A_61 : i1 to i32
    %cond3A_63 = arith.constant 0 : i32
    %cond3A_64 = arith.cmpi ne, %convert_element_type3A_62, %cond3A_63 : i32
    scf.if %cond3A_64 {
      %mul3A_152 = arith.constant 80 : i32
      %mul3A_153 = arith.muli %add3A_59, %mul3A_152 : i32
      "tpu.region"() ({
        %run_scoped3A = tpu.sem_alloc : memref<!tpu.dma_semaphore, #tpu.memory_space<semaphore_mem>>
        %dma_start3A = arith.constant 0 : i32
        %dma_start3A_154 = tpu.memref_slice %arg9[%mul3A_153, %dma_start3A] : memref<10000x128xf32, #tpu.memory_space<vmem_shared>> -> memref<80x128xf32, #tpu.memory_space<vmem_shared>>
        %dma_start3A_155 = arith.constant 0 : i32
        %dma_start3A_156 = tpu.memref_slice %arg9[%mul3A_153, %dma_start3A_155] : memref<10000x128xf32, #tpu.memory_space<vmem_shared>> -> memref<80x128xf32, #tpu.memory_space<vmem_shared>>
        tpu.enqueue_dma source(%arg8 : memref<80x128xf32, #tpu.memory_space<vmem>>) target(%dma_start3A_156 : memref<80x128xf32, #tpu.memory_space<vmem_shared>>) target_semaphore(%run_scoped3A : memref<!tpu.dma_semaphore, #tpu.memory_space<semaphore_mem>>)
        %dma_wait3A = arith.constant 0 : i32
        %dma_wait3A_157 = tpu.memref_slice %arg9[%mul3A_153, %dma_wait3A] : memref<10000x128xf32, #tpu.memory_space<vmem_shared>> -> memref<80x128xf32, #tpu.memory_space<vmem_shared>>
        %dma_wait3A_158 = arith.constant 0 : i32
        %dma_wait3A_159 = tpu.memref_slice %arg9[%mul3A_153, %dma_wait3A_158] : memref<10000x128xf32, #tpu.memory_space<vmem_shared>> -> memref<80x128xf32, #tpu.memory_space<vmem_shared>>
        tpu.wait_dma2 semaphore(%run_scoped3A : memref<!tpu.dma_semaphore, #tpu.memory_space<semaphore_mem>>) src(%arg8 : memref<80x128xf32, #tpu.memory_space<vmem>>) dst(%dma_wait3A_159 : memref<80x128xf32, #tpu.memory_space<vmem_shared>>)
        tpu.yield
      }) : () -> ()
    } else {
    }
    %mul3A_65 = arith.constant 8 : i32
    %mul3A_66 = arith.muli %arg1, %mul3A_65 : i32
    %add3A_67 = arith.constant 7 : i32
    %add3A_68 = arith.addi %mul3A_66, %add3A_67 : i32
    %lt3A_69 = arith.constant 125 : i32
    %lt3A_70 = arith.cmpi slt, %add3A_68, %lt3A_69 : i32
    %convert_element_type3A_71 = arith.extui %lt3A_70 : i1 to i32
    %cond3A_72 = arith.constant 0 : i32
    %cond3A_73 = arith.cmpi ne, %convert_element_type3A_71, %cond3A_72 : i32
    scf.if %cond3A_73 {
      %mul3A_152 = arith.constant 80 : i32
      %mul3A_153 = arith.muli %add3A_68, %mul3A_152 : i32
      "tpu.region"() ({
        %run_scoped3A = tpu.sem_alloc : memref<!tpu.dma_semaphore, #tpu.memory_space<semaphore_mem>>
        %dma_start3A = arith.constant 0 : i32
        %dma_start3A_154 = tpu.memref_slice %arg9[%mul3A_153, %dma_start3A] : memref<10000x128xf32, #tpu.memory_space<vmem_shared>> -> memref<80x128xf32, #tpu.memory_space<vmem_shared>>
        %dma_start3A_155 = arith.constant 0 : i32
        %dma_start3A_156 = tpu.memref_slice %arg9[%mul3A_153, %dma_start3A_155] : memref<10000x128xf32, #tpu.memory_space<vmem_shared>> -> memref<80x128xf32, #tpu.memory_space<vmem_shared>>
        tpu.enqueue_dma source(%arg8 : memref<80x128xf32, #tpu.memory_space<vmem>>) target(%dma_start3A_156 : memref<80x128xf32, #tpu.memory_space<vmem_shared>>) target_semaphore(%run_scoped3A : memref<!tpu.dma_semaphore, #tpu.memory_space<semaphore_mem>>)
        %dma_wait3A = arith.constant 0 : i32
        %dma_wait3A_157 = tpu.memref_slice %arg9[%mul3A_153, %dma_wait3A] : memref<10000x128xf32, #tpu.memory_space<vmem_shared>> -> memref<80x128xf32, #tpu.memory_space<vmem_shared>>
        %dma_wait3A_158 = arith.constant 0 : i32
        %dma_wait3A_159 = tpu.memref_slice %arg9[%mul3A_153, %dma_wait3A_158] : memref<10000x128xf32, #tpu.memory_space<vmem_shared>> -> memref<80x128xf32, #tpu.memory_space<vmem_shared>>
        tpu.wait_dma2 semaphore(%run_scoped3A : memref<!tpu.dma_semaphore, #tpu.memory_space<semaphore_mem>>) src(%arg8 : memref<80x128xf32, #tpu.memory_space<vmem>>) dst(%dma_wait3A_159 : memref<80x128xf32, #tpu.memory_space<vmem_shared>>)
        tpu.yield
      }) : () -> ()
    } else {
    }
    %barrier3A = arith.constant 0 : index
    tpu.barrier barrier_id(%barrier3A)
    %scan3A_74 = arith.constant 0 : i32
    %scan3A_75 = arith.constant 125 : i32
    %scan3A_76 = arith.addi %scan3A_74, %scan3A_75 : i32
    %scan3A_77 = arith.constant 1 : i32
    scf.for %scan3A_152 = %scan3A_74 to %scan3A_76 step %scan3A_77  : i32 {
      %mul3A_153 = arith.constant 10000 : i32
      %mul3A_154 = arith.muli %add3A, %mul3A_153 : i32
      %mul3A_155 = arith.constant 80 : i32
      %mul3A_156 = arith.muli %scan3A_152, %mul3A_155 : i32
      %add3A_157 = arith.addi %mul3A_154, %mul3A_156 : i32
      "tpu.region"() ({
        %run_scoped3A = tpu.sem_alloc : memref<!tpu.dma_semaphore, #tpu.memory_space<semaphore_mem>>
        %dma_start3A_162 = tpu.memref_slice %arg3[%add3A_157] : memref<320000xi32, #tpu.memory_space<hbm>> -> memref<80xi32, #tpu.memory_space<hbm>>
        %dma_start3A_163 = tpu.memref_slice %arg3[%add3A_157] : memref<320000xi32, #tpu.memory_space<hbm>> -> memref<80xi32, #tpu.memory_space<hbm>>
        tpu.enqueue_dma source(%dma_start3A_163 : memref<80xi32, #tpu.memory_space<hbm>>) target(%arg6 : memref<80xi32, #tpu.memory_space<vmem>>) target_semaphore(%run_scoped3A : memref<!tpu.dma_semaphore, #tpu.memory_space<semaphore_mem>>)
        %dma_wait3A_164 = tpu.memref_slice %arg3[%add3A_157] : memref<320000xi32, #tpu.memory_space<hbm>> -> memref<80xi32, #tpu.memory_space<hbm>>
        %dma_wait3A_165 = tpu.memref_slice %arg3[%add3A_157] : memref<320000xi32, #tpu.memory_space<hbm>> -> memref<80xi32, #tpu.memory_space<hbm>>
        tpu.wait_dma2 semaphore(%run_scoped3A : memref<!tpu.dma_semaphore, #tpu.memory_space<semaphore_mem>>) src(%dma_wait3A_165 : memref<80xi32, #tpu.memory_space<hbm>>) dst(%arg6 : memref<80xi32, #tpu.memory_space<vmem>>)
        tpu.yield
      }) : () -> ()
      "tpu.region"() ({
        %run_scoped3A = tpu.sem_alloc : memref<!tpu.dma_semaphore, #tpu.memory_space<semaphore_mem>>
        %dma_start3A_162 = tpu.memref_slice %arg4[%add3A_157] : memref<320000xi32, #tpu.memory_space<hbm>> -> memref<80xi32, #tpu.memory_space<hbm>>
        %dma_start3A_163 = tpu.memref_slice %arg4[%add3A_157] : memref<320000xi32, #tpu.memory_space<hbm>> -> memref<80xi32, #tpu.memory_space<hbm>>
        tpu.enqueue_dma source(%dma_start3A_163 : memref<80xi32, #tpu.memory_space<hbm>>) target(%arg7 : memref<80xi32, #tpu.memory_space<vmem>>) target_semaphore(%run_scoped3A : memref<!tpu.dma_semaphore, #tpu.memory_space<semaphore_mem>>)
        %dma_wait3A_164 = tpu.memref_slice %arg4[%add3A_157] : memref<320000xi32, #tpu.memory_space<hbm>> -> memref<80xi32, #tpu.memory_space<hbm>>
        %dma_wait3A_165 = tpu.memref_slice %arg4[%add3A_157] : memref<320000xi32, #tpu.memory_space<hbm>> -> memref<80xi32, #tpu.memory_space<hbm>>
        tpu.wait_dma2 semaphore(%run_scoped3A : memref<!tpu.dma_semaphore, #tpu.memory_space<semaphore_mem>>) src(%dma_wait3A_165 : memref<80xi32, #tpu.memory_space<hbm>>) dst(%arg7 : memref<80xi32, #tpu.memory_space<vmem>>)
        tpu.yield
      }) : () -> ()
      %dma_start3A = arith.constant 0 : i32
      %dma_start3A_158 = arith.constant 0 : i32
      %dma_start3A_159 = tpu.memref_slice %arg2[%dma_start3A, %dma_start3A_158] : memref<10000x128xf32, #tpu.memory_space<hbm>> -> memref<10000x128xf32, #tpu.memory_space<hbm>>
      tpu.enqueue_indirect_dma source(%dma_start3A_159 : memref<10000x128xf32, #tpu.memory_space<hbm>>) target(%arg8 : memref<80x128xf32, #tpu.memory_space<vmem>>) offsets(%arg6 : memref<80xi32, #tpu.memory_space<vmem>>) semaphore(%arg10 : memref<!tpu.dma_semaphore, #tpu.memory_space<semaphore_mem>>)
      %dma_wait3A = arith.constant 0 : i32
      %dma_wait3A_160 = arith.constant 0 : i32
      %dma_wait3A_161 = tpu.memref_slice %arg2[%dma_wait3A, %dma_wait3A_160] : memref<10000x128xf32, #tpu.memory_space<hbm>> -> memref<10000x128xf32, #tpu.memory_space<hbm>>
      tpu.wait_indirect_dma semaphore(%arg10 : memref<!tpu.dma_semaphore, #tpu.memory_space<semaphore_mem>>) src(%dma_wait3A_161 : memref<10000x128xf32, #tpu.memory_space<hbm>>) dst(%arg8 : memref<80x128xf32, #tpu.memory_space<vmem>>)
      "tpu.region"() ({
        %run_scoped3A = tpu.sem_alloc : memref<!tpu.dma_semaphore, #tpu.memory_space<semaphore_mem>>
        %dma_start3A_162 = arith.constant 0 : i32
        %dma_start3A_163 = arith.constant 0 : i32
        %dma_start3A_164 = tpu.memref_slice %arg9[%dma_start3A_162, %dma_start3A_163] : memref<10000x128xf32, #tpu.memory_space<vmem_shared>> -> memref<10000x128xf32, #tpu.memory_space<vmem_shared>>
        tpu.enqueue_indirect_dma source(%arg8 : memref<80x128xf32, #tpu.memory_space<vmem>>) target(%dma_start3A_164 : memref<10000x128xf32, #tpu.memory_space<vmem_shared>>) offsets(%arg7 : memref<80xi32, #tpu.memory_space<vmem>>) semaphore(%run_scoped3A : memref<!tpu.dma_semaphore, #tpu.memory_space<semaphore_mem>>) {add = true}
        %dma_wait3A_165 = arith.constant 0 : i32
        %dma_wait3A_166 = arith.constant 0 : i32
        %dma_wait3A_167 = tpu.memref_slice %arg9[%dma_wait3A_165, %dma_wait3A_166] : memref<10000x128xf32, #tpu.memory_space<vmem_shared>> -> memref<10000x128xf32, #tpu.memory_space<vmem_shared>>
        tpu.wait_indirect_dma semaphore(%run_scoped3A : memref<!tpu.dma_semaphore, #tpu.memory_space<semaphore_mem>>) src(%arg8 : memref<80x128xf32, #tpu.memory_space<vmem>>) dst(%dma_wait3A_167 : memref<10000x128xf32, #tpu.memory_space<vmem_shared>>)
        tpu.yield
      }) : () -> ()
    }
    %scan3A_78 = arith.constant 125 : i32
    %barrier3A_79 = arith.constant 0 : index
    tpu.barrier barrier_id(%barrier3A_79)
    %mul3A_80 = arith.constant 8 : i32
    %mul3A_81 = arith.muli %arg1, %mul3A_80 : i32
    %add3A_82 = arith.constant 0 : i32
    %add3A_83 = arith.addi %mul3A_81, %add3A_82 : i32
    %lt3A_84 = arith.constant 125 : i32
    %lt3A_85 = arith.cmpi slt, %add3A_83, %lt3A_84 : i32
    %convert_element_type3A_86 = arith.extui %lt3A_85 : i1 to i32
    %cond3A_87 = arith.constant 0 : i32
    %cond3A_88 = arith.cmpi ne, %convert_element_type3A_86, %cond3A_87 : i32
    scf.if %cond3A_88 {
      %mul3A_152 = arith.constant 80 : i32
      %mul3A_153 = arith.muli %add3A_83, %mul3A_152 : i32
      %mul3A_154 = arith.constant 80 : i32
      %mul3A_155 = arith.muli %add3A_83, %mul3A_154 : i32
      "tpu.region"() ({
        %run_scoped3A = tpu.sem_alloc : memref<!tpu.dma_semaphore, #tpu.memory_space<semaphore_mem>>
        %dma_start3A = arith.constant 0 : i32
        %dma_start3A_156 = tpu.memref_slice %arg5[%arg0, %mul3A_155, %dma_start3A] : memref<2x10000x128xf32, #tpu.memory_space<hbm>> -> memref<1x80x128xf32, #tpu.memory_space<hbm>>
        %dma_start3A_157 = tpu.memref_squeeze %dma_start3A_156 : memref<1x80x128xf32, #tpu.memory_space<hbm>> -> memref<80x128xf32, #tpu.memory_space<hbm>>
        %dma_start3A_158 = arith.constant 0 : i32
        %dma_start3A_159 = tpu.memref_slice %arg9[%mul3A_153, %dma_start3A_158] : memref<10000x128xf32, #tpu.memory_space<vmem_shared>> -> memref<80x128xf32, #tpu.memory_space<vmem_shared>>
        tpu.enqueue_dma source(%dma_start3A_159 : memref<80x128xf32, #tpu.memory_space<vmem_shared>>) target(%dma_start3A_157 : memref<80x128xf32, #tpu.memory_space<hbm>>) target_semaphore(%run_scoped3A : memref<!tpu.dma_semaphore, #tpu.memory_space<semaphore_mem>>)
        %dma_wait3A = arith.constant 0 : i32
        %dma_wait3A_160 = tpu.memref_slice %arg5[%arg0, %mul3A_155, %dma_wait3A] : memref<2x10000x128xf32, #tpu.memory_space<hbm>> -> memref<1x80x128xf32, #tpu.memory_space<hbm>>
        %dma_wait3A_161 = tpu.memref_squeeze %dma_wait3A_160 : memref<1x80x128xf32, #tpu.memory_space<hbm>> -> memref<80x128xf32, #tpu.memory_space<hbm>>
        %dma_wait3A_162 = arith.constant 0 : i32
        %dma_wait3A_163 = tpu.memref_slice %arg9[%mul3A_153, %dma_wait3A_162] : memref<10000x128xf32, #tpu.memory_space<vmem_shared>> -> memref<80x128xf32, #tpu.memory_space<vmem_shared>>
        tpu.wait_dma2 semaphore(%run_scoped3A : memref<!tpu.dma_semaphore, #tpu.memory_space<semaphore_mem>>) src(%dma_wait3A_163 : memref<80x128xf32, #tpu.memory_space<vmem_shared>>) dst(%dma_wait3A_161 : memref<80x128xf32, #tpu.memory_space<hbm>>)
        tpu.yield
      }) : () -> ()
    } else {
    }
    %mul3A_89 = arith.constant 8 : i32
    %mul3A_90 = arith.muli %arg1, %mul3A_89 : i32
    %add3A_91 = arith.constant 1 : i32
    %add3A_92 = arith.addi %mul3A_90, %add3A_91 : i32
    %lt3A_93 = arith.constant 125 : i32
    %lt3A_94 = arith.cmpi slt, %add3A_92, %lt3A_93 : i32
    %convert_element_type3A_95 = arith.extui %lt3A_94 : i1 to i32
    %cond3A_96 = arith.constant 0 : i32
    %cond3A_97 = arith.cmpi ne, %convert_element_type3A_95, %cond3A_96 : i32
    scf.if %cond3A_97 {
      %mul3A_152 = arith.constant 80 : i32
      %mul3A_153 = arith.muli %add3A_92, %mul3A_152 : i32
      %mul3A_154 = arith.constant 80 : i32
      %mul3A_155 = arith.muli %add3A_92, %mul3A_154 : i32
      "tpu.region"() ({
        %run_scoped3A = tpu.sem_alloc : memref<!tpu.dma_semaphore, #tpu.memory_space<semaphore_mem>>
        %dma_start3A = arith.constant 0 : i32
        %dma_start3A_156 = tpu.memref_slice %arg5[%arg0, %mul3A_155, %dma_start3A] : memref<2x10000x128xf32, #tpu.memory_space<hbm>> -> memref<1x80x128xf32, #tpu.memory_space<hbm>>
        %dma_start3A_157 = tpu.memref_squeeze %dma_start3A_156 : memref<1x80x128xf32, #tpu.memory_space<hbm>> -> memref<80x128xf32, #tpu.memory_space<hbm>>
        %dma_start3A_158 = arith.constant 0 : i32
        %dma_start3A_159 = tpu.memref_slice %arg9[%mul3A_153, %dma_start3A_158] : memref<10000x128xf32, #tpu.memory_space<vmem_shared>> -> memref<80x128xf32, #tpu.memory_space<vmem_shared>>
        tpu.enqueue_dma source(%dma_start3A_159 : memref<80x128xf32, #tpu.memory_space<vmem_shared>>) target(%dma_start3A_157 : memref<80x128xf32, #tpu.memory_space<hbm>>) target_semaphore(%run_scoped3A : memref<!tpu.dma_semaphore, #tpu.memory_space<semaphore_mem>>)
        %dma_wait3A = arith.constant 0 : i32
        %dma_wait3A_160 = tpu.memref_slice %arg5[%arg0, %mul3A_155, %dma_wait3A] : memref<2x10000x128xf32, #tpu.memory_space<hbm>> -> memref<1x80x128xf32, #tpu.memory_space<hbm>>
        %dma_wait3A_161 = tpu.memref_squeeze %dma_wait3A_160 : memref<1x80x128xf32, #tpu.memory_space<hbm>> -> memref<80x128xf32, #tpu.memory_space<hbm>>
        %dma_wait3A_162 = arith.constant 0 : i32
        %dma_wait3A_163 = tpu.memref_slice %arg9[%mul3A_153, %dma_wait3A_162] : memref<10000x128xf32, #tpu.memory_space<vmem_shared>> -> memref<80x128xf32, #tpu.memory_space<vmem_shared>>
        tpu.wait_dma2 semaphore(%run_scoped3A : memref<!tpu.dma_semaphore, #tpu.memory_space<semaphore_mem>>) src(%dma_wait3A_163 : memref<80x128xf32, #tpu.memory_space<vmem_shared>>) dst(%dma_wait3A_161 : memref<80x128xf32, #tpu.memory_space<hbm>>)
        tpu.yield
      }) : () -> ()
    } else {
    }
    %mul3A_98 = arith.constant 8 : i32
    %mul3A_99 = arith.muli %arg1, %mul3A_98 : i32
    %add3A_100 = arith.constant 2 : i32
    %add3A_101 = arith.addi %mul3A_99, %add3A_100 : i32
    %lt3A_102 = arith.constant 125 : i32
    %lt3A_103 = arith.cmpi slt, %add3A_101, %lt3A_102 : i32
    %convert_element_type3A_104 = arith.extui %lt3A_103 : i1 to i32
    %cond3A_105 = arith.constant 0 : i32
    %cond3A_106 = arith.cmpi ne, %convert_element_type3A_104, %cond3A_105 : i32
    scf.if %cond3A_106 {
      %mul3A_152 = arith.constant 80 : i32
      %mul3A_153 = arith.muli %add3A_101, %mul3A_152 : i32
      %mul3A_154 = arith.constant 80 : i32
      %mul3A_155 = arith.muli %add3A_101, %mul3A_154 : i32
      "tpu.region"() ({
        %run_scoped3A = tpu.sem_alloc : memref<!tpu.dma_semaphore, #tpu.memory_space<semaphore_mem>>
        %dma_start3A = arith.constant 0 : i32
        %dma_start3A_156 = tpu.memref_slice %arg5[%arg0, %mul3A_155, %dma_start3A] : memref<2x10000x128xf32, #tpu.memory_space<hbm>> -> memref<1x80x128xf32, #tpu.memory_space<hbm>>
        %dma_start3A_157 = tpu.memref_squeeze %dma_start3A_156 : memref<1x80x128xf32, #tpu.memory_space<hbm>> -> memref<80x128xf32, #tpu.memory_space<hbm>>
        %dma_start3A_158 = arith.constant 0 : i32
        %dma_start3A_159 = tpu.memref_slice %arg9[%mul3A_153, %dma_start3A_158] : memref<10000x128xf32, #tpu.memory_space<vmem_shared>> -> memref<80x128xf32, #tpu.memory_space<vmem_shared>>
        tpu.enqueue_dma source(%dma_start3A_159 : memref<80x128xf32, #tpu.memory_space<vmem_shared>>) target(%dma_start3A_157 : memref<80x128xf32, #tpu.memory_space<hbm>>) target_semaphore(%run_scoped3A : memref<!tpu.dma_semaphore, #tpu.memory_space<semaphore_mem>>)
        %dma_wait3A = arith.constant 0 : i32
        %dma_wait3A_160 = tpu.memref_slice %arg5[%arg0, %mul3A_155, %dma_wait3A] : memref<2x10000x128xf32, #tpu.memory_space<hbm>> -> memref<1x80x128xf32, #tpu.memory_space<hbm>>
        %dma_wait3A_161 = tpu.memref_squeeze %dma_wait3A_160 : memref<1x80x128xf32, #tpu.memory_space<hbm>> -> memref<80x128xf32, #tpu.memory_space<hbm>>
        %dma_wait3A_162 = arith.constant 0 : i32
        %dma_wait3A_163 = tpu.memref_slice %arg9[%mul3A_153, %dma_wait3A_162] : memref<10000x128xf32, #tpu.memory_space<vmem_shared>> -> memref<80x128xf32, #tpu.memory_space<vmem_shared>>
        tpu.wait_dma2 semaphore(%run_scoped3A : memref<!tpu.dma_semaphore, #tpu.memory_space<semaphore_mem>>) src(%dma_wait3A_163 : memref<80x128xf32, #tpu.memory_space<vmem_shared>>) dst(%dma_wait3A_161 : memref<80x128xf32, #tpu.memory_space<hbm>>)
        tpu.yield
      }) : () -> ()
    } else {
    }
    %mul3A_107 = arith.constant 8 : i32
    %mul3A_108 = arith.muli %arg1, %mul3A_107 : i32
    %add3A_109 = arith.constant 3 : i32
    %add3A_110 = arith.addi %mul3A_108, %add3A_109 : i32
    %lt3A_111 = arith.constant 125 : i32
    %lt3A_112 = arith.cmpi slt, %add3A_110, %lt3A_111 : i32
    %convert_element_type3A_113 = arith.extui %lt3A_112 : i1 to i32
    %cond3A_114 = arith.constant 0 : i32
    %cond3A_115 = arith.cmpi ne, %convert_element_type3A_113, %cond3A_114 : i32
    scf.if %cond3A_115 {
      %mul3A_152 = arith.constant 80 : i32
      %mul3A_153 = arith.muli %add3A_110, %mul3A_152 : i32
      %mul3A_154 = arith.constant 80 : i32
      %mul3A_155 = arith.muli %add3A_110, %mul3A_154 : i32
      "tpu.region"() ({
        %run_scoped3A = tpu.sem_alloc : memref<!tpu.dma_semaphore, #tpu.memory_space<semaphore_mem>>
        %dma_start3A = arith.constant 0 : i32
        %dma_start3A_156 = tpu.memref_slice %arg5[%arg0, %mul3A_155, %dma_start3A] : memref<2x10000x128xf32, #tpu.memory_space<hbm>> -> memref<1x80x128xf32, #tpu.memory_space<hbm>>
        %dma_start3A_157 = tpu.memref_squeeze %dma_start3A_156 : memref<1x80x128xf32, #tpu.memory_space<hbm>> -> memref<80x128xf32, #tpu.memory_space<hbm>>
        %dma_start3A_158 = arith.constant 0 : i32
        %dma_start3A_159 = tpu.memref_slice %arg9[%mul3A_153, %dma_start3A_158] : memref<10000x128xf32, #tpu.memory_space<vmem_shared>> -> memref<80x128xf32, #tpu.memory_space<vmem_shared>>
        tpu.enqueue_dma source(%dma_start3A_159 : memref<80x128xf32, #tpu.memory_space<vmem_shared>>) target(%dma_start3A_157 : memref<80x128xf32, #tpu.memory_space<hbm>>) target_semaphore(%run_scoped3A : memref<!tpu.dma_semaphore, #tpu.memory_space<semaphore_mem>>)
        %dma_wait3A = arith.constant 0 : i32
        %dma_wait3A_160 = tpu.memref_slice %arg5[%arg0, %mul3A_155, %dma_wait3A] : memref<2x10000x128xf32, #tpu.memory_space<hbm>> -> memref<1x80x128xf32, #tpu.memory_space<hbm>>
        %dma_wait3A_161 = tpu.memref_squeeze %dma_wait3A_160 : memref<1x80x128xf32, #tpu.memory_space<hbm>> -> memref<80x128xf32, #tpu.memory_space<hbm>>
        %dma_wait3A_162 = arith.constant 0 : i32
        %dma_wait3A_163 = tpu.memref_slice %arg9[%mul3A_153, %dma_wait3A_162] : memref<10000x128xf32, #tpu.memory_space<vmem_shared>> -> memref<80x128xf32, #tpu.memory_space<vmem_shared>>
        tpu.wait_dma2 semaphore(%run_scoped3A : memref<!tpu.dma_semaphore, #tpu.memory_space<semaphore_mem>>) src(%dma_wait3A_163 : memref<80x128xf32, #tpu.memory_space<vmem_shared>>) dst(%dma_wait3A_161 : memref<80x128xf32, #tpu.memory_space<hbm>>)
        tpu.yield
      }) : () -> ()
    } else {
    }
    %mul3A_116 = arith.constant 8 : i32
    %mul3A_117 = arith.muli %arg1, %mul3A_116 : i32
    %add3A_118 = arith.constant 4 : i32
    %add3A_119 = arith.addi %mul3A_117, %add3A_118 : i32
    %lt3A_120 = arith.constant 125 : i32
    %lt3A_121 = arith.cmpi slt, %add3A_119, %lt3A_120 : i32
    %convert_element_type3A_122 = arith.extui %lt3A_121 : i1 to i32
    %cond3A_123 = arith.constant 0 : i32
    %cond3A_124 = arith.cmpi ne, %convert_element_type3A_122, %cond3A_123 : i32
    scf.if %cond3A_124 {
      %mul3A_152 = arith.constant 80 : i32
      %mul3A_153 = arith.muli %add3A_119, %mul3A_152 : i32
      %mul3A_154 = arith.constant 80 : i32
      %mul3A_155 = arith.muli %add3A_119, %mul3A_154 : i32
      "tpu.region"() ({
        %run_scoped3A = tpu.sem_alloc : memref<!tpu.dma_semaphore, #tpu.memory_space<semaphore_mem>>
        %dma_start3A = arith.constant 0 : i32
        %dma_start3A_156 = tpu.memref_slice %arg5[%arg0, %mul3A_155, %dma_start3A] : memref<2x10000x128xf32, #tpu.memory_space<hbm>> -> memref<1x80x128xf32, #tpu.memory_space<hbm>>
        %dma_start3A_157 = tpu.memref_squeeze %dma_start3A_156 : memref<1x80x128xf32, #tpu.memory_space<hbm>> -> memref<80x128xf32, #tpu.memory_space<hbm>>
        %dma_start3A_158 = arith.constant 0 : i32
        %dma_start3A_159 = tpu.memref_slice %arg9[%mul3A_153, %dma_start3A_158] : memref<10000x128xf32, #tpu.memory_space<vmem_shared>> -> memref<80x128xf32, #tpu.memory_space<vmem_shared>>
        tpu.enqueue_dma source(%dma_start3A_159 : memref<80x128xf32, #tpu.memory_space<vmem_shared>>) target(%dma_start3A_157 : memref<80x128xf32, #tpu.memory_space<hbm>>) target_semaphore(%run_scoped3A : memref<!tpu.dma_semaphore, #tpu.memory_space<semaphore_mem>>)
        %dma_wait3A = arith.constant 0 : i32
        %dma_wait3A_160 = tpu.memref_slice %arg5[%arg0, %mul3A_155, %dma_wait3A] : memref<2x10000x128xf32, #tpu.memory_space<hbm>> -> memref<1x80x128xf32, #tpu.memory_space<hbm>>
        %dma_wait3A_161 = tpu.memref_squeeze %dma_wait3A_160 : memref<1x80x128xf32, #tpu.memory_space<hbm>> -> memref<80x128xf32, #tpu.memory_space<hbm>>
        %dma_wait3A_162 = arith.constant 0 : i32
        %dma_wait3A_163 = tpu.memref_slice %arg9[%mul3A_153, %dma_wait3A_162] : memref<10000x128xf32, #tpu.memory_space<vmem_shared>> -> memref<80x128xf32, #tpu.memory_space<vmem_shared>>
        tpu.wait_dma2 semaphore(%run_scoped3A : memref<!tpu.dma_semaphore, #tpu.memory_space<semaphore_mem>>) src(%dma_wait3A_163 : memref<80x128xf32, #tpu.memory_space<vmem_shared>>) dst(%dma_wait3A_161 : memref<80x128xf32, #tpu.memory_space<hbm>>)
        tpu.yield
      }) : () -> ()
    } else {
    }
    %mul3A_125 = arith.constant 8 : i32
    %mul3A_126 = arith.muli %arg1, %mul3A_125 : i32
    %add3A_127 = arith.constant 5 : i32
    %add3A_128 = arith.addi %mul3A_126, %add3A_127 : i32
    %lt3A_129 = arith.constant 125 : i32
    %lt3A_130 = arith.cmpi slt, %add3A_128, %lt3A_129 : i32
    %convert_element_type3A_131 = arith.extui %lt3A_130 : i1 to i32
    %cond3A_132 = arith.constant 0 : i32
    %cond3A_133 = arith.cmpi ne, %convert_element_type3A_131, %cond3A_132 : i32
    scf.if %cond3A_133 {
      %mul3A_152 = arith.constant 80 : i32
      %mul3A_153 = arith.muli %add3A_128, %mul3A_152 : i32
      %mul3A_154 = arith.constant 80 : i32
      %mul3A_155 = arith.muli %add3A_128, %mul3A_154 : i32
      "tpu.region"() ({
        %run_scoped3A = tpu.sem_alloc : memref<!tpu.dma_semaphore, #tpu.memory_space<semaphore_mem>>
        %dma_start3A = arith.constant 0 : i32
        %dma_start3A_156 = tpu.memref_slice %arg5[%arg0, %mul3A_155, %dma_start3A] : memref<2x10000x128xf32, #tpu.memory_space<hbm>> -> memref<1x80x128xf32, #tpu.memory_space<hbm>>
        %dma_start3A_157 = tpu.memref_squeeze %dma_start3A_156 : memref<1x80x128xf32, #tpu.memory_space<hbm>> -> memref<80x128xf32, #tpu.memory_space<hbm>>
        %dma_start3A_158 = arith.constant 0 : i32
        %dma_start3A_159 = tpu.memref_slice %arg9[%mul3A_153, %dma_start3A_158] : memref<10000x128xf32, #tpu.memory_space<vmem_shared>> -> memref<80x128xf32, #tpu.memory_space<vmem_shared>>
        tpu.enqueue_dma source(%dma_start3A_159 : memref<80x128xf32, #tpu.memory_space<vmem_shared>>) target(%dma_start3A_157 : memref<80x128xf32, #tpu.memory_space<hbm>>) target_semaphore(%run_scoped3A : memref<!tpu.dma_semaphore, #tpu.memory_space<semaphore_mem>>)
        %dma_wait3A = arith.constant 0 : i32
        %dma_wait3A_160 = tpu.memref_slice %arg5[%arg0, %mul3A_155, %dma_wait3A] : memref<2x10000x128xf32, #tpu.memory_space<hbm>> -> memref<1x80x128xf32, #tpu.memory_space<hbm>>
        %dma_wait3A_161 = tpu.memref_squeeze %dma_wait3A_160 : memref<1x80x128xf32, #tpu.memory_space<hbm>> -> memref<80x128xf32, #tpu.memory_space<hbm>>
        %dma_wait3A_162 = arith.constant 0 : i32
        %dma_wait3A_163 = tpu.memref_slice %arg9[%mul3A_153, %dma_wait3A_162] : memref<10000x128xf32, #tpu.memory_space<vmem_shared>> -> memref<80x128xf32, #tpu.memory_space<vmem_shared>>
        tpu.wait_dma2 semaphore(%run_scoped3A : memref<!tpu.dma_semaphore, #tpu.memory_space<semaphore_mem>>) src(%dma_wait3A_163 : memref<80x128xf32, #tpu.memory_space<vmem_shared>>) dst(%dma_wait3A_161 : memref<80x128xf32, #tpu.memory_space<hbm>>)
        tpu.yield
      }) : () -> ()
    } else {
    }
    %mul3A_134 = arith.constant 8 : i32
    %mul3A_135 = arith.muli %arg1, %mul3A_134 : i32
    %add3A_136 = arith.constant 6 : i32
    %add3A_137 = arith.addi %mul3A_135, %add3A_136 : i32
    %lt3A_138 = arith.constant 125 : i32
    %lt3A_139 = arith.cmpi slt, %add3A_137, %lt3A_138 : i32
    %convert_element_type3A_140 = arith.extui %lt3A_139 : i1 to i32
    %cond3A_141 = arith.constant 0 : i32
    %cond3A_142 = arith.cmpi ne, %convert_element_type3A_140, %cond3A_141 : i32
    scf.if %cond3A_142 {
      %mul3A_152 = arith.constant 80 : i32
      %mul3A_153 = arith.muli %add3A_137, %mul3A_152 : i32
      %mul3A_154 = arith.constant 80 : i32
      %mul3A_155 = arith.muli %add3A_137, %mul3A_154 : i32
      "tpu.region"() ({
        %run_scoped3A = tpu.sem_alloc : memref<!tpu.dma_semaphore, #tpu.memory_space<semaphore_mem>>
        %dma_start3A = arith.constant 0 : i32
        %dma_start3A_156 = tpu.memref_slice %arg5[%arg0, %mul3A_155, %dma_start3A] : memref<2x10000x128xf32, #tpu.memory_space<hbm>> -> memref<1x80x128xf32, #tpu.memory_space<hbm>>
        %dma_start3A_157 = tpu.memref_squeeze %dma_start3A_156 : memref<1x80x128xf32, #tpu.memory_space<hbm>> -> memref<80x128xf32, #tpu.memory_space<hbm>>
        %dma_start3A_158 = arith.constant 0 : i32
        %dma_start3A_159 = tpu.memref_slice %arg9[%mul3A_153, %dma_start3A_158] : memref<10000x128xf32, #tpu.memory_space<vmem_shared>> -> memref<80x128xf32, #tpu.memory_space<vmem_shared>>
        tpu.enqueue_dma source(%dma_start3A_159 : memref<80x128xf32, #tpu.memory_space<vmem_shared>>) target(%dma_start3A_157 : memref<80x128xf32, #tpu.memory_space<hbm>>) target_semaphore(%run_scoped3A : memref<!tpu.dma_semaphore, #tpu.memory_space<semaphore_mem>>)
        %dma_wait3A = arith.constant 0 : i32
        %dma_wait3A_160 = tpu.memref_slice %arg5[%arg0, %mul3A_155, %dma_wait3A] : memref<2x10000x128xf32, #tpu.memory_space<hbm>> -> memref<1x80x128xf32, #tpu.memory_space<hbm>>
        %dma_wait3A_161 = tpu.memref_squeeze %dma_wait3A_160 : memref<1x80x128xf32, #tpu.memory_space<hbm>> -> memref<80x128xf32, #tpu.memory_space<hbm>>
        %dma_wait3A_162 = arith.constant 0 : i32
        %dma_wait3A_163 = tpu.memref_slice %arg9[%mul3A_153, %dma_wait3A_162] : memref<10000x128xf32, #tpu.memory_space<vmem_shared>> -> memref<80x128xf32, #tpu.memory_space<vmem_shared>>
        tpu.wait_dma2 semaphore(%run_scoped3A : memref<!tpu.dma_semaphore, #tpu.memory_space<semaphore_mem>>) src(%dma_wait3A_163 : memref<80x128xf32, #tpu.memory_space<vmem_shared>>) dst(%dma_wait3A_161 : memref<80x128xf32, #tpu.memory_space<hbm>>)
        tpu.yield
      }) : () -> ()
    } else {
    }
    %mul3A_143 = arith.constant 8 : i32
    %mul3A_144 = arith.muli %arg1, %mul3A_143 : i32
    %add3A_145 = arith.constant 7 : i32
    %add3A_146 = arith.addi %mul3A_144, %add3A_145 : i32
    %lt3A_147 = arith.constant 125 : i32
    %lt3A_148 = arith.cmpi slt, %add3A_146, %lt3A_147 : i32
    %convert_element_type3A_149 = arith.extui %lt3A_148 : i1 to i32
    %cond3A_150 = arith.constant 0 : i32
    %cond3A_151 = arith.cmpi ne, %convert_element_type3A_149, %cond3A_150 : i32
    scf.if %cond3A_151 {
      %mul3A_152 = arith.constant 80 : i32
      %mul3A_153 = arith.muli %add3A_146, %mul3A_152 : i32
      %mul3A_154 = arith.constant 80 : i32
      %mul3A_155 = arith.muli %add3A_146, %mul3A_154 : i32
      "tpu.region"() ({
        %run_scoped3A = tpu.sem_alloc : memref<!tpu.dma_semaphore, #tpu.memory_space<semaphore_mem>>
        %dma_start3A = arith.constant 0 : i32
        %dma_start3A_156 = tpu.memref_slice %arg5[%arg0, %mul3A_155, %dma_start3A] : memref<2x10000x128xf32, #tpu.memory_space<hbm>> -> memref<1x80x128xf32, #tpu.memory_space<hbm>>
        %dma_start3A_157 = tpu.memref_squeeze %dma_start3A_156 : memref<1x80x128xf32, #tpu.memory_space<hbm>> -> memref<80x128xf32, #tpu.memory_space<hbm>>
        %dma_start3A_158 = arith.constant 0 : i32
        %dma_start3A_159 = tpu.memref_slice %arg9[%mul3A_153, %dma_start3A_158] : memref<10000x128xf32, #tpu.memory_space<vmem_shared>> -> memref<80x128xf32, #tpu.memory_space<vmem_shared>>
        tpu.enqueue_dma source(%dma_start3A_159 : memref<80x128xf32, #tpu.memory_space<vmem_shared>>) target(%dma_start3A_157 : memref<80x128xf32, #tpu.memory_space<hbm>>) target_semaphore(%run_scoped3A : memref<!tpu.dma_semaphore, #tpu.memory_space<semaphore_mem>>)
        %dma_wait3A = arith.constant 0 : i32
        %dma_wait3A_160 = tpu.memref_slice %arg5[%arg0, %mul3A_155, %dma_wait3A] : memref<2x10000x128xf32, #tpu.memory_space<hbm>> -> memref<1x80x128xf32, #tpu.memory_space<hbm>>
        %dma_wait3A_161 = tpu.memref_squeeze %dma_wait3A_160 : memref<1x80x128xf32, #tpu.memory_space<hbm>> -> memref<80x128xf32, #tpu.memory_space<hbm>>
        %dma_wait3A_162 = arith.constant 0 : i32
        %dma_wait3A_163 = tpu.memref_slice %arg9[%mul3A_153, %dma_wait3A_162] : memref<10000x128xf32, #tpu.memory_space<vmem_shared>> -> memref<80x128xf32, #tpu.memory_space<vmem_shared>>
        tpu.wait_dma2 semaphore(%run_scoped3A : memref<!tpu.dma_semaphore, #tpu.memory_space<semaphore_mem>>) src(%dma_wait3A_163 : memref<80x128xf32, #tpu.memory_space<vmem_shared>>) dst(%dma_wait3A_161 : memref<80x128xf32, #tpu.memory_space<hbm>>)
        tpu.yield
      }) : () -> ()
    } else {
    }
    return
  }
}

#map = affine_map<(d0, d1) -> (0, 0)>
#map1 = affine_map<(d0, d1) -> (0)>
#map2 = affine_map<(d0, d1) -> (0, 0, 0)>
module attributes {stable_mosaic.version = 14 : i64} {
  func.func @kern(%arg0: i32, %arg1: i32, %arg2: memref<10000x128xf32, #tpu.memory_space<hbm>>, %arg3: memref<10000xi32, #tpu.memory_space<hbm>>, %arg4: memref<2x10000x128xf32, #tpu.memory_space<hbm>>, %arg5: memref<80xi32, #tpu.memory_space<vmem>>, %arg6: memref<80x128xf32, #tpu.memory_space<vmem>>, %arg7: memref<10000x128xf32, #tpu.memory_space<vmem_shared>>) attributes {dimension_semantics = [#tpu.dimension_semantics<core_parallel>, #tpu.dimension_semantics<subcore_parallel>], iteration_bounds = array<i64: 2, 16>, scalar_prefetch = 0 : i64, scratch_operands = 3 : i64, tpu.core_type = #tpu.core_type<sc_vector_subcore>, window_params = [{transform_indices = #map}, {transform_indices = #map1}, {transform_indices = #map2}]} {
    %mul3A = arith.constant 16 : i32
    %mul3A_0 = arith.muli %arg0, %mul3A : i32
    %add3A = arith.addi %mul3A_0, %arg1 : i32
    %scan3A = arith.constant 0 : i32
    %scan3A_1 = arith.constant 640 : i32
    %scan3A_2 = arith.addi %scan3A, %scan3A_1 : i32
    %scan3A_3 = arith.constant 1 : i32
    scf.for %scan3A_183 = %scan3A to %scan3A_2 step %scan3A_3  : i32 {
      %broadcast_in_dim3A = arith.constant 0.000000e+00 : f32
      %broadcast_in_dim3A_184 = vector.broadcast %broadcast_in_dim3A : f32 to vector<16xf32>
      %jit3A = arith.constant 8 : i32
      %div3A = arith.divsi %scan3A_183, %jit3A : i32
      %sign3A = arith.constant 0 : i32
      %sign3A_185 = arith.cmpi sgt, %scan3A_183, %sign3A : i32
      %sign3A_186 = arith.extui %sign3A_185 : i1 to i32
      %sign3A_187 = arith.constant 0 : i32
      %sign3A_188 = arith.cmpi slt, %scan3A_183, %sign3A_187 : i32
      %sign3A_189 = arith.extui %sign3A_188 : i1 to i32
      %sign3A_190 = arith.subi %sign3A_186, %sign3A_189 : i32
      %sign3A_191 = arith.constant 0 : i32
      %sign3A_192 = arith.cmpi sgt, %jit3A, %sign3A_191 : i32
      %sign3A_193 = arith.extui %sign3A_192 : i1 to i32
      %sign3A_194 = arith.constant 0 : i32
      %sign3A_195 = arith.cmpi slt, %jit3A, %sign3A_194 : i32
      %sign3A_196 = arith.extui %sign3A_195 : i1 to i32
      %sign3A_197 = arith.subi %sign3A_193, %sign3A_196 : i32
      %ne3A = arith.cmpi ne, %sign3A_190, %sign3A_197 : i32
      %rem3A = arith.remsi %scan3A_183, %jit3A : i32
      %ne3A_198 = arith.constant 0 : i32
      %ne3A_199 = arith.cmpi ne, %rem3A, %ne3A_198 : i32
      %and3A = arith.andi %ne3A, %ne3A_199 : i1
      %sub3A = arith.constant 1 : i32
      %sub3A_200 = arith.subi %div3A, %sub3A : i32
      %select_n3A = arith.select %and3A, %sub3A_200, %div3A : i32
      %jit3A_201 = arith.constant 8 : i32
      %eq3A = arith.constant 0 : i32
      %eq3A_202 = arith.cmpi eq, %jit3A_201, %eq3A : i32
      %jit3A_203 = arith.constant 1 : i32
      %select_n3A_204 = arith.select %eq3A_202, %jit3A_203, %jit3A_201 : i32
      %rem3A_205 = arith.remsi %scan3A_183, %select_n3A_204 : i32
      %ne3A_206 = arith.constant 0 : i32
      %ne3A_207 = arith.cmpi ne, %rem3A_205, %ne3A_206 : i32
      %lt3A_208 = arith.constant 0 : i32
      %lt3A_209 = arith.cmpi slt, %rem3A_205, %lt3A_208 : i32
      %lt3A_210 = arith.constant 0 : i32
      %lt3A_211 = arith.cmpi slt, %select_n3A_204, %lt3A_210 : i32
      %ne3A_212 = arith.xori %lt3A_209, %lt3A_211 : i1
      %and3A_213 = arith.andi %ne3A_212, %ne3A_207 : i1
      %add3A_214 = arith.addi %rem3A_205, %select_n3A_204 : i32
      %select_n3A_215 = arith.select %and3A_213, %add3A_214, %rem3A_205 : i32
      %mul3A_216 = arith.constant 16 : i32
      %mul3A_217 = arith.muli %select_n3A_215, %mul3A_216 : i32
      %swap3A = arith.index_cast %select_n3A : i32 to index
      %swap3A_218 = arith.index_cast %mul3A_217 : i32 to index
      %swap3A_219 = tpu.vector_load %arg6[%swap3A, %swap3A_218] {strides = array<i32>} : memref<80x128xf32, #tpu.memory_space<vmem>>, vector<1x16xf32>,
      %swap3A_220 = vector.shape_cast %swap3A_219 : vector<1x16xf32> to vector<16xf32>
      %swap3A_221 = vector.shape_cast %broadcast_in_dim3A_184 : vector<16xf32> to vector<1x16xf32>
      tpu.vector_store %arg6[%swap3A, %swap3A_218], %swap3A_221 {strides = array<i32>} : memref<80x128xf32, #tpu.memory_space<vmem>>, vector<1x16xf32>,
    }
    %scan3A_4 = arith.constant 640 : i32
    %mul3A_5 = arith.constant 8 : i32
    %mul3A_6 = arith.muli %arg1, %mul3A_5 : i32
    %add3A_7 = arith.constant 0 : i32
    %add3A_8 = arith.addi %mul3A_6, %add3A_7 : i32
    %lt3A = arith.constant 125 : i32
    %lt3A_9 = arith.cmpi slt, %add3A_8, %lt3A : i32
    %convert_element_type3A = arith.extui %lt3A_9 : i1 to i32
    %cond3A = arith.constant 0 : i32
    %cond3A_10 = arith.cmpi ne, %convert_element_type3A, %cond3A : i32
    scf.if %cond3A_10 {
      %mul3A_183 = arith.constant 80 : i32
      %mul3A_184 = arith.muli %add3A_8, %mul3A_183 : i32
      "tpu.region"() ({
        %run_scoped3A = tpu.sem_alloc : memref<!tpu.dma_semaphore, #tpu.memory_space<semaphore_mem>>
        %dma_start3A = arith.constant 0 : i32
        %dma_start3A_185 = tpu.memref_slice %arg7[%mul3A_184, %dma_start3A] : memref<10000x128xf32, #tpu.memory_space<vmem_shared>> -> memref<80x128xf32, #tpu.memory_space<vmem_shared>>
        %dma_start3A_186 = arith.constant 0 : i32
        %dma_start3A_187 = tpu.memref_slice %arg7[%mul3A_184, %dma_start3A_186] : memref<10000x128xf32, #tpu.memory_space<vmem_shared>> -> memref<80x128xf32, #tpu.memory_space<vmem_shared>>
        tpu.enqueue_dma source(%arg6 : memref<80x128xf32, #tpu.memory_space<vmem>>) target(%dma_start3A_187 : memref<80x128xf32, #tpu.memory_space<vmem_shared>>) target_semaphore(%run_scoped3A : memref<!tpu.dma_semaphore, #tpu.memory_space<semaphore_mem>>)
        %dma_wait3A = arith.constant 0 : i32
        %dma_wait3A_188 = tpu.memref_slice %arg7[%mul3A_184, %dma_wait3A] : memref<10000x128xf32, #tpu.memory_space<vmem_shared>> -> memref<80x128xf32, #tpu.memory_space<vmem_shared>>
        %dma_wait3A_189 = arith.constant 0 : i32
        %dma_wait3A_190 = tpu.memref_slice %arg7[%mul3A_184, %dma_wait3A_189] : memref<10000x128xf32, #tpu.memory_space<vmem_shared>> -> memref<80x128xf32, #tpu.memory_space<vmem_shared>>
        tpu.wait_dma2 semaphore(%run_scoped3A : memref<!tpu.dma_semaphore, #tpu.memory_space<semaphore_mem>>) src(%arg6 : memref<80x128xf32, #tpu.memory_space<vmem>>) dst(%dma_wait3A_190 : memref<80x128xf32, #tpu.memory_space<vmem_shared>>)
        tpu.yield
      }) : () -> ()
    } else {
    }
    %mul3A_11 = arith.constant 8 : i32
    %mul3A_12 = arith.muli %arg1, %mul3A_11 : i32
    %add3A_13 = arith.constant 1 : i32
    %add3A_14 = arith.addi %mul3A_12, %add3A_13 : i32
    %lt3A_15 = arith.constant 125 : i32
    %lt3A_16 = arith.cmpi slt, %add3A_14, %lt3A_15 : i32
    %convert_element_type3A_17 = arith.extui %lt3A_16 : i1 to i32
    %cond3A_18 = arith.constant 0 : i32
    %cond3A_19 = arith.cmpi ne, %convert_element_type3A_17, %cond3A_18 : i32
    scf.if %cond3A_19 {
      %mul3A_183 = arith.constant 80 : i32
      %mul3A_184 = arith.muli %add3A_14, %mul3A_183 : i32
      "tpu.region"() ({
        %run_scoped3A = tpu.sem_alloc : memref<!tpu.dma_semaphore, #tpu.memory_space<semaphore_mem>>
        %dma_start3A = arith.constant 0 : i32
        %dma_start3A_185 = tpu.memref_slice %arg7[%mul3A_184, %dma_start3A] : memref<10000x128xf32, #tpu.memory_space<vmem_shared>> -> memref<80x128xf32, #tpu.memory_space<vmem_shared>>
        %dma_start3A_186 = arith.constant 0 : i32
        %dma_start3A_187 = tpu.memref_slice %arg7[%mul3A_184, %dma_start3A_186] : memref<10000x128xf32, #tpu.memory_space<vmem_shared>> -> memref<80x128xf32, #tpu.memory_space<vmem_shared>>
        tpu.enqueue_dma source(%arg6 : memref<80x128xf32, #tpu.memory_space<vmem>>) target(%dma_start3A_187 : memref<80x128xf32, #tpu.memory_space<vmem_shared>>) target_semaphore(%run_scoped3A : memref<!tpu.dma_semaphore, #tpu.memory_space<semaphore_mem>>)
        %dma_wait3A = arith.constant 0 : i32
        %dma_wait3A_188 = tpu.memref_slice %arg7[%mul3A_184, %dma_wait3A] : memref<10000x128xf32, #tpu.memory_space<vmem_shared>> -> memref<80x128xf32, #tpu.memory_space<vmem_shared>>
        %dma_wait3A_189 = arith.constant 0 : i32
        %dma_wait3A_190 = tpu.memref_slice %arg7[%mul3A_184, %dma_wait3A_189] : memref<10000x128xf32, #tpu.memory_space<vmem_shared>> -> memref<80x128xf32, #tpu.memory_space<vmem_shared>>
        tpu.wait_dma2 semaphore(%run_scoped3A : memref<!tpu.dma_semaphore, #tpu.memory_space<semaphore_mem>>) src(%arg6 : memref<80x128xf32, #tpu.memory_space<vmem>>) dst(%dma_wait3A_190 : memref<80x128xf32, #tpu.memory_space<vmem_shared>>)
        tpu.yield
      }) : () -> ()
    } else {
    }
    %mul3A_20 = arith.constant 8 : i32
    %mul3A_21 = arith.muli %arg1, %mul3A_20 : i32
    %add3A_22 = arith.constant 2 : i32
    %add3A_23 = arith.addi %mul3A_21, %add3A_22 : i32
    %lt3A_24 = arith.constant 125 : i32
    %lt3A_25 = arith.cmpi slt, %add3A_23, %lt3A_24 : i32
    %convert_element_type3A_26 = arith.extui %lt3A_25 : i1 to i32
    %cond3A_27 = arith.constant 0 : i32
    %cond3A_28 = arith.cmpi ne, %convert_element_type3A_26, %cond3A_27 : i32
    scf.if %cond3A_28 {
      %mul3A_183 = arith.constant 80 : i32
      %mul3A_184 = arith.muli %add3A_23, %mul3A_183 : i32
      "tpu.region"() ({
        %run_scoped3A = tpu.sem_alloc : memref<!tpu.dma_semaphore, #tpu.memory_space<semaphore_mem>>
        %dma_start3A = arith.constant 0 : i32
        %dma_start3A_185 = tpu.memref_slice %arg7[%mul3A_184, %dma_start3A] : memref<10000x128xf32, #tpu.memory_space<vmem_shared>> -> memref<80x128xf32, #tpu.memory_space<vmem_shared>>
        %dma_start3A_186 = arith.constant 0 : i32
        %dma_start3A_187 = tpu.memref_slice %arg7[%mul3A_184, %dma_start3A_186] : memref<10000x128xf32, #tpu.memory_space<vmem_shared>> -> memref<80x128xf32, #tpu.memory_space<vmem_shared>>
        tpu.enqueue_dma source(%arg6 : memref<80x128xf32, #tpu.memory_space<vmem>>) target(%dma_start3A_187 : memref<80x128xf32, #tpu.memory_space<vmem_shared>>) target_semaphore(%run_scoped3A : memref<!tpu.dma_semaphore, #tpu.memory_space<semaphore_mem>>)
        %dma_wait3A = arith.constant 0 : i32
        %dma_wait3A_188 = tpu.memref_slice %arg7[%mul3A_184, %dma_wait3A] : memref<10000x128xf32, #tpu.memory_space<vmem_shared>> -> memref<80x128xf32, #tpu.memory_space<vmem_shared>>
        %dma_wait3A_189 = arith.constant 0 : i32
        %dma_wait3A_190 = tpu.memref_slice %arg7[%mul3A_184, %dma_wait3A_189] : memref<10000x128xf32, #tpu.memory_space<vmem_shared>> -> memref<80x128xf32, #tpu.memory_space<vmem_shared>>
        tpu.wait_dma2 semaphore(%run_scoped3A : memref<!tpu.dma_semaphore, #tpu.memory_space<semaphore_mem>>) src(%arg6 : memref<80x128xf32, #tpu.memory_space<vmem>>) dst(%dma_wait3A_190 : memref<80x128xf32, #tpu.memory_space<vmem_shared>>)
        tpu.yield
      }) : () -> ()
    } else {
    }
    %mul3A_29 = arith.constant 8 : i32
    %mul3A_30 = arith.muli %arg1, %mul3A_29 : i32
    %add3A_31 = arith.constant 3 : i32
    %add3A_32 = arith.addi %mul3A_30, %add3A_31 : i32
    %lt3A_33 = arith.constant 125 : i32
    %lt3A_34 = arith.cmpi slt, %add3A_32, %lt3A_33 : i32
    %convert_element_type3A_35 = arith.extui %lt3A_34 : i1 to i32
    %cond3A_36 = arith.constant 0 : i32
    %cond3A_37 = arith.cmpi ne, %convert_element_type3A_35, %cond3A_36 : i32
    scf.if %cond3A_37 {
      %mul3A_183 = arith.constant 80 : i32
      %mul3A_184 = arith.muli %add3A_32, %mul3A_183 : i32
      "tpu.region"() ({
        %run_scoped3A = tpu.sem_alloc : memref<!tpu.dma_semaphore, #tpu.memory_space<semaphore_mem>>
        %dma_start3A = arith.constant 0 : i32
        %dma_start3A_185 = tpu.memref_slice %arg7[%mul3A_184, %dma_start3A] : memref<10000x128xf32, #tpu.memory_space<vmem_shared>> -> memref<80x128xf32, #tpu.memory_space<vmem_shared>>
        %dma_start3A_186 = arith.constant 0 : i32
        %dma_start3A_187 = tpu.memref_slice %arg7[%mul3A_184, %dma_start3A_186] : memref<10000x128xf32, #tpu.memory_space<vmem_shared>> -> memref<80x128xf32, #tpu.memory_space<vmem_shared>>
        tpu.enqueue_dma source(%arg6 : memref<80x128xf32, #tpu.memory_space<vmem>>) target(%dma_start3A_187 : memref<80x128xf32, #tpu.memory_space<vmem_shared>>) target_semaphore(%run_scoped3A : memref<!tpu.dma_semaphore, #tpu.memory_space<semaphore_mem>>)
        %dma_wait3A = arith.constant 0 : i32
        %dma_wait3A_188 = tpu.memref_slice %arg7[%mul3A_184, %dma_wait3A] : memref<10000x128xf32, #tpu.memory_space<vmem_shared>> -> memref<80x128xf32, #tpu.memory_space<vmem_shared>>
        %dma_wait3A_189 = arith.constant 0 : i32
        %dma_wait3A_190 = tpu.memref_slice %arg7[%mul3A_184, %dma_wait3A_189] : memref<10000x128xf32, #tpu.memory_space<vmem_shared>> -> memref<80x128xf32, #tpu.memory_space<vmem_shared>>
        tpu.wait_dma2 semaphore(%run_scoped3A : memref<!tpu.dma_semaphore, #tpu.memory_space<semaphore_mem>>) src(%arg6 : memref<80x128xf32, #tpu.memory_space<vmem>>) dst(%dma_wait3A_190 : memref<80x128xf32, #tpu.memory_space<vmem_shared>>)
        tpu.yield
      }) : () -> ()
    } else {
    }
    %mul3A_38 = arith.constant 8 : i32
    %mul3A_39 = arith.muli %arg1, %mul3A_38 : i32
    %add3A_40 = arith.constant 4 : i32
    %add3A_41 = arith.addi %mul3A_39, %add3A_40 : i32
    %lt3A_42 = arith.constant 125 : i32
    %lt3A_43 = arith.cmpi slt, %add3A_41, %lt3A_42 : i32
    %convert_element_type3A_44 = arith.extui %lt3A_43 : i1 to i32
    %cond3A_45 = arith.constant 0 : i32
    %cond3A_46 = arith.cmpi ne, %convert_element_type3A_44, %cond3A_45 : i32
    scf.if %cond3A_46 {
      %mul3A_183 = arith.constant 80 : i32
      %mul3A_184 = arith.muli %add3A_41, %mul3A_183 : i32
      "tpu.region"() ({
        %run_scoped3A = tpu.sem_alloc : memref<!tpu.dma_semaphore, #tpu.memory_space<semaphore_mem>>
        %dma_start3A = arith.constant 0 : i32
        %dma_start3A_185 = tpu.memref_slice %arg7[%mul3A_184, %dma_start3A] : memref<10000x128xf32, #tpu.memory_space<vmem_shared>> -> memref<80x128xf32, #tpu.memory_space<vmem_shared>>
        %dma_start3A_186 = arith.constant 0 : i32
        %dma_start3A_187 = tpu.memref_slice %arg7[%mul3A_184, %dma_start3A_186] : memref<10000x128xf32, #tpu.memory_space<vmem_shared>> -> memref<80x128xf32, #tpu.memory_space<vmem_shared>>
        tpu.enqueue_dma source(%arg6 : memref<80x128xf32, #tpu.memory_space<vmem>>) target(%dma_start3A_187 : memref<80x128xf32, #tpu.memory_space<vmem_shared>>) target_semaphore(%run_scoped3A : memref<!tpu.dma_semaphore, #tpu.memory_space<semaphore_mem>>)
        %dma_wait3A = arith.constant 0 : i32
        %dma_wait3A_188 = tpu.memref_slice %arg7[%mul3A_184, %dma_wait3A] : memref<10000x128xf32, #tpu.memory_space<vmem_shared>> -> memref<80x128xf32, #tpu.memory_space<vmem_shared>>
        %dma_wait3A_189 = arith.constant 0 : i32
        %dma_wait3A_190 = tpu.memref_slice %arg7[%mul3A_184, %dma_wait3A_189] : memref<10000x128xf32, #tpu.memory_space<vmem_shared>> -> memref<80x128xf32, #tpu.memory_space<vmem_shared>>
        tpu.wait_dma2 semaphore(%run_scoped3A : memref<!tpu.dma_semaphore, #tpu.memory_space<semaphore_mem>>) src(%arg6 : memref<80x128xf32, #tpu.memory_space<vmem>>) dst(%dma_wait3A_190 : memref<80x128xf32, #tpu.memory_space<vmem_shared>>)
        tpu.yield
      }) : () -> ()
    } else {
    }
    %mul3A_47 = arith.constant 8 : i32
    %mul3A_48 = arith.muli %arg1, %mul3A_47 : i32
    %add3A_49 = arith.constant 5 : i32
    %add3A_50 = arith.addi %mul3A_48, %add3A_49 : i32
    %lt3A_51 = arith.constant 125 : i32
    %lt3A_52 = arith.cmpi slt, %add3A_50, %lt3A_51 : i32
    %convert_element_type3A_53 = arith.extui %lt3A_52 : i1 to i32
    %cond3A_54 = arith.constant 0 : i32
    %cond3A_55 = arith.cmpi ne, %convert_element_type3A_53, %cond3A_54 : i32
    scf.if %cond3A_55 {
      %mul3A_183 = arith.constant 80 : i32
      %mul3A_184 = arith.muli %add3A_50, %mul3A_183 : i32
      "tpu.region"() ({
        %run_scoped3A = tpu.sem_alloc : memref<!tpu.dma_semaphore, #tpu.memory_space<semaphore_mem>>
        %dma_start3A = arith.constant 0 : i32
        %dma_start3A_185 = tpu.memref_slice %arg7[%mul3A_184, %dma_start3A] : memref<10000x128xf32, #tpu.memory_space<vmem_shared>> -> memref<80x128xf32, #tpu.memory_space<vmem_shared>>
        %dma_start3A_186 = arith.constant 0 : i32
        %dma_start3A_187 = tpu.memref_slice %arg7[%mul3A_184, %dma_start3A_186] : memref<10000x128xf32, #tpu.memory_space<vmem_shared>> -> memref<80x128xf32, #tpu.memory_space<vmem_shared>>
        tpu.enqueue_dma source(%arg6 : memref<80x128xf32, #tpu.memory_space<vmem>>) target(%dma_start3A_187 : memref<80x128xf32, #tpu.memory_space<vmem_shared>>) target_semaphore(%run_scoped3A : memref<!tpu.dma_semaphore, #tpu.memory_space<semaphore_mem>>)
        %dma_wait3A = arith.constant 0 : i32
        %dma_wait3A_188 = tpu.memref_slice %arg7[%mul3A_184, %dma_wait3A] : memref<10000x128xf32, #tpu.memory_space<vmem_shared>> -> memref<80x128xf32, #tpu.memory_space<vmem_shared>>
        %dma_wait3A_189 = arith.constant 0 : i32
        %dma_wait3A_190 = tpu.memref_slice %arg7[%mul3A_184, %dma_wait3A_189] : memref<10000x128xf32, #tpu.memory_space<vmem_shared>> -> memref<80x128xf32, #tpu.memory_space<vmem_shared>>
        tpu.wait_dma2 semaphore(%run_scoped3A : memref<!tpu.dma_semaphore, #tpu.memory_space<semaphore_mem>>) src(%arg6 : memref<80x128xf32, #tpu.memory_space<vmem>>) dst(%dma_wait3A_190 : memref<80x128xf32, #tpu.memory_space<vmem_shared>>)
        tpu.yield
      }) : () -> ()
    } else {
    }
    %mul3A_56 = arith.constant 8 : i32
    %mul3A_57 = arith.muli %arg1, %mul3A_56 : i32
    %add3A_58 = arith.constant 6 : i32
    %add3A_59 = arith.addi %mul3A_57, %add3A_58 : i32
    %lt3A_60 = arith.constant 125 : i32
    %lt3A_61 = arith.cmpi slt, %add3A_59, %lt3A_60 : i32
    %convert_element_type3A_62 = arith.extui %lt3A_61 : i1 to i32
    %cond3A_63 = arith.constant 0 : i32
    %cond3A_64 = arith.cmpi ne, %convert_element_type3A_62, %cond3A_63 : i32
    scf.if %cond3A_64 {
      %mul3A_183 = arith.constant 80 : i32
      %mul3A_184 = arith.muli %add3A_59, %mul3A_183 : i32
      "tpu.region"() ({
        %run_scoped3A = tpu.sem_alloc : memref<!tpu.dma_semaphore, #tpu.memory_space<semaphore_mem>>
        %dma_start3A = arith.constant 0 : i32
        %dma_start3A_185 = tpu.memref_slice %arg7[%mul3A_184, %dma_start3A] : memref<10000x128xf32, #tpu.memory_space<vmem_shared>> -> memref<80x128xf32, #tpu.memory_space<vmem_shared>>
        %dma_start3A_186 = arith.constant 0 : i32
        %dma_start3A_187 = tpu.memref_slice %arg7[%mul3A_184, %dma_start3A_186] : memref<10000x128xf32, #tpu.memory_space<vmem_shared>> -> memref<80x128xf32, #tpu.memory_space<vmem_shared>>
        tpu.enqueue_dma source(%arg6 : memref<80x128xf32, #tpu.memory_space<vmem>>) target(%dma_start3A_187 : memref<80x128xf32, #tpu.memory_space<vmem_shared>>) target_semaphore(%run_scoped3A : memref<!tpu.dma_semaphore, #tpu.memory_space<semaphore_mem>>)
        %dma_wait3A = arith.constant 0 : i32
        %dma_wait3A_188 = tpu.memref_slice %arg7[%mul3A_184, %dma_wait3A] : memref<10000x128xf32, #tpu.memory_space<vmem_shared>> -> memref<80x128xf32, #tpu.memory_space<vmem_shared>>
        %dma_wait3A_189 = arith.constant 0 : i32
        %dma_wait3A_190 = tpu.memref_slice %arg7[%mul3A_184, %dma_wait3A_189] : memref<10000x128xf32, #tpu.memory_space<vmem_shared>> -> memref<80x128xf32, #tpu.memory_space<vmem_shared>>
        tpu.wait_dma2 semaphore(%run_scoped3A : memref<!tpu.dma_semaphore, #tpu.memory_space<semaphore_mem>>) src(%arg6 : memref<80x128xf32, #tpu.memory_space<vmem>>) dst(%dma_wait3A_190 : memref<80x128xf32, #tpu.memory_space<vmem_shared>>)
        tpu.yield
      }) : () -> ()
    } else {
    }
    %mul3A_65 = arith.constant 8 : i32
    %mul3A_66 = arith.muli %arg1, %mul3A_65 : i32
    %add3A_67 = arith.constant 7 : i32
    %add3A_68 = arith.addi %mul3A_66, %add3A_67 : i32
    %lt3A_69 = arith.constant 125 : i32
    %lt3A_70 = arith.cmpi slt, %add3A_68, %lt3A_69 : i32
    %convert_element_type3A_71 = arith.extui %lt3A_70 : i1 to i32
    %cond3A_72 = arith.constant 0 : i32
    %cond3A_73 = arith.cmpi ne, %convert_element_type3A_71, %cond3A_72 : i32
    scf.if %cond3A_73 {
      %mul3A_183 = arith.constant 80 : i32
      %mul3A_184 = arith.muli %add3A_68, %mul3A_183 : i32
      "tpu.region"() ({
        %run_scoped3A = tpu.sem_alloc : memref<!tpu.dma_semaphore, #tpu.memory_space<semaphore_mem>>
        %dma_start3A = arith.constant 0 : i32
        %dma_start3A_185 = tpu.memref_slice %arg7[%mul3A_184, %dma_start3A] : memref<10000x128xf32, #tpu.memory_space<vmem_shared>> -> memref<80x128xf32, #tpu.memory_space<vmem_shared>>
        %dma_start3A_186 = arith.constant 0 : i32
        %dma_start3A_187 = tpu.memref_slice %arg7[%mul3A_184, %dma_start3A_186] : memref<10000x128xf32, #tpu.memory_space<vmem_shared>> -> memref<80x128xf32, #tpu.memory_space<vmem_shared>>
        tpu.enqueue_dma source(%arg6 : memref<80x128xf32, #tpu.memory_space<vmem>>) target(%dma_start3A_187 : memref<80x128xf32, #tpu.memory_space<vmem_shared>>) target_semaphore(%run_scoped3A : memref<!tpu.dma_semaphore, #tpu.memory_space<semaphore_mem>>)
        %dma_wait3A = arith.constant 0 : i32
        %dma_wait3A_188 = tpu.memref_slice %arg7[%mul3A_184, %dma_wait3A] : memref<10000x128xf32, #tpu.memory_space<vmem_shared>> -> memref<80x128xf32, #tpu.memory_space<vmem_shared>>
        %dma_wait3A_189 = arith.constant 0 : i32
        %dma_wait3A_190 = tpu.memref_slice %arg7[%mul3A_184, %dma_wait3A_189] : memref<10000x128xf32, #tpu.memory_space<vmem_shared>> -> memref<80x128xf32, #tpu.memory_space<vmem_shared>>
        tpu.wait_dma2 semaphore(%run_scoped3A : memref<!tpu.dma_semaphore, #tpu.memory_space<semaphore_mem>>) src(%arg6 : memref<80x128xf32, #tpu.memory_space<vmem>>) dst(%dma_wait3A_190 : memref<80x128xf32, #tpu.memory_space<vmem_shared>>)
        tpu.yield
      }) : () -> ()
    } else {
    }
    %barrier3A = arith.constant 0 : index
    tpu.barrier barrier_id(%barrier3A)
    %mul3A_74 = arith.constant 4 : i32
    %mul3A_75 = arith.muli %add3A, %mul3A_74 : i32
    %add3A_76 = arith.constant 0 : i32
    %add3A_77 = arith.addi %mul3A_75, %add3A_76 : i32
    %lt3A_78 = arith.constant 125 : i32
    %lt3A_79 = arith.cmpi slt, %add3A_77, %lt3A_78 : i32
    %convert_element_type3A_80 = arith.extui %lt3A_79 : i1 to i32
    %cond3A_81 = arith.constant 0 : i32
    %cond3A_82 = arith.cmpi ne, %convert_element_type3A_80, %cond3A_81 : i32
    scf.if %cond3A_82 {
      %mul3A_183 = arith.constant 80 : i32
      %mul3A_184 = arith.muli %add3A_77, %mul3A_183 : i32
      "tpu.region"() ({
        %run_scoped3A = tpu.sem_alloc : memref<!tpu.dma_semaphore, #tpu.memory_space<semaphore_mem>>
        %dma_start3A = tpu.memref_slice %arg3[%mul3A_184] : memref<10000xi32, #tpu.memory_space<hbm>> -> memref<80xi32, #tpu.memory_space<hbm>>
        %dma_start3A_185 = tpu.memref_slice %arg3[%mul3A_184] : memref<10000xi32, #tpu.memory_space<hbm>> -> memref<80xi32, #tpu.memory_space<hbm>>
        tpu.enqueue_dma source(%dma_start3A_185 : memref<80xi32, #tpu.memory_space<hbm>>) target(%arg5 : memref<80xi32, #tpu.memory_space<vmem>>) target_semaphore(%run_scoped3A : memref<!tpu.dma_semaphore, #tpu.memory_space<semaphore_mem>>)
        %dma_wait3A = tpu.memref_slice %arg3[%mul3A_184] : memref<10000xi32, #tpu.memory_space<hbm>> -> memref<80xi32, #tpu.memory_space<hbm>>
        %dma_wait3A_186 = tpu.memref_slice %arg3[%mul3A_184] : memref<10000xi32, #tpu.memory_space<hbm>> -> memref<80xi32, #tpu.memory_space<hbm>>
        tpu.wait_dma2 semaphore(%run_scoped3A : memref<!tpu.dma_semaphore, #tpu.memory_space<semaphore_mem>>) src(%dma_wait3A_186 : memref<80xi32, #tpu.memory_space<hbm>>) dst(%arg5 : memref<80xi32, #tpu.memory_space<vmem>>)
        tpu.yield
      }) : () -> ()
      "tpu.region"() ({
        %run_scoped3A = tpu.sem_alloc : memref<!tpu.dma_semaphore, #tpu.memory_space<semaphore_mem>>
        %dma_start3A = arith.constant 0 : i32
        %dma_start3A_185 = tpu.memref_slice %arg2[%mul3A_184, %dma_start3A] : memref<10000x128xf32, #tpu.memory_space<hbm>> -> memref<80x128xf32, #tpu.memory_space<hbm>>
        %dma_start3A_186 = arith.constant 0 : i32
        %dma_start3A_187 = tpu.memref_slice %arg2[%mul3A_184, %dma_start3A_186] : memref<10000x128xf32, #tpu.memory_space<hbm>> -> memref<80x128xf32, #tpu.memory_space<hbm>>
        tpu.enqueue_dma source(%dma_start3A_187 : memref<80x128xf32, #tpu.memory_space<hbm>>) target(%arg6 : memref<80x128xf32, #tpu.memory_space<vmem>>) target_semaphore(%run_scoped3A : memref<!tpu.dma_semaphore, #tpu.memory_space<semaphore_mem>>)
        %dma_wait3A = arith.constant 0 : i32
        %dma_wait3A_188 = tpu.memref_slice %arg2[%mul3A_184, %dma_wait3A] : memref<10000x128xf32, #tpu.memory_space<hbm>> -> memref<80x128xf32, #tpu.memory_space<hbm>>
        %dma_wait3A_189 = arith.constant 0 : i32
        %dma_wait3A_190 = tpu.memref_slice %arg2[%mul3A_184, %dma_wait3A_189] : memref<10000x128xf32, #tpu.memory_space<hbm>> -> memref<80x128xf32, #tpu.memory_space<hbm>>
        tpu.wait_dma2 semaphore(%run_scoped3A : memref<!tpu.dma_semaphore, #tpu.memory_space<semaphore_mem>>) src(%dma_wait3A_190 : memref<80x128xf32, #tpu.memory_space<hbm>>) dst(%arg6 : memref<80x128xf32, #tpu.memory_space<vmem>>)
        tpu.yield
      }) : () -> ()
      "tpu.region"() ({
        %run_scoped3A = tpu.sem_alloc : memref<!tpu.dma_semaphore, #tpu.memory_space<semaphore_mem>>
        %dma_start3A = arith.constant 0 : i32
        %dma_start3A_185 = arith.constant 0 : i32
        %dma_start3A_186 = tpu.memref_slice %arg7[%dma_start3A, %dma_start3A_185] : memref<10000x128xf32, #tpu.memory_space<vmem_shared>> -> memref<10000x128xf32, #tpu.memory_space<vmem_shared>>
        tpu.enqueue_indirect_dma source(%arg6 : memref<80x128xf32, #tpu.memory_space<vmem>>) target(%dma_start3A_186 : memref<10000x128xf32, #tpu.memory_space<vmem_shared>>) offsets(%arg5 : memref<80xi32, #tpu.memory_space<vmem>>) semaphore(%run_scoped3A : memref<!tpu.dma_semaphore, #tpu.memory_space<semaphore_mem>>) {add = true}
        %dma_wait3A = arith.constant 0 : i32
        %dma_wait3A_187 = arith.constant 0 : i32
        %dma_wait3A_188 = tpu.memref_slice %arg7[%dma_wait3A, %dma_wait3A_187] : memref<10000x128xf32, #tpu.memory_space<vmem_shared>> -> memref<10000x128xf32, #tpu.memory_space<vmem_shared>>
        tpu.wait_indirect_dma semaphore(%run_scoped3A : memref<!tpu.dma_semaphore, #tpu.memory_space<semaphore_mem>>) src(%arg6 : memref<80x128xf32, #tpu.memory_space<vmem>>) dst(%dma_wait3A_188 : memref<10000x128xf32, #tpu.memory_space<vmem_shared>>)
        tpu.yield
      }) : () -> ()
    } else {
    }
    %mul3A_83 = arith.constant 4 : i32
    %mul3A_84 = arith.muli %add3A, %mul3A_83 : i32
    %add3A_85 = arith.constant 1 : i32
    %add3A_86 = arith.addi %mul3A_84, %add3A_85 : i32
    %lt3A_87 = arith.constant 125 : i32
    %lt3A_88 = arith.cmpi slt, %add3A_86, %lt3A_87 : i32
    %convert_element_type3A_89 = arith.extui %lt3A_88 : i1 to i32
    %cond3A_90 = arith.constant 0 : i32
    %cond3A_91 = arith.cmpi ne, %convert_element_type3A_89, %cond3A_90 : i32
    scf.if %cond3A_91 {
      %mul3A_183 = arith.constant 80 : i32
      %mul3A_184 = arith.muli %add3A_86, %mul3A_183 : i32
      "tpu.region"() ({
        %run_scoped3A = tpu.sem_alloc : memref<!tpu.dma_semaphore, #tpu.memory_space<semaphore_mem>>
        %dma_start3A = tpu.memref_slice %arg3[%mul3A_184] : memref<10000xi32, #tpu.memory_space<hbm>> -> memref<80xi32, #tpu.memory_space<hbm>>
        %dma_start3A_185 = tpu.memref_slice %arg3[%mul3A_184] : memref<10000xi32, #tpu.memory_space<hbm>> -> memref<80xi32, #tpu.memory_space<hbm>>
        tpu.enqueue_dma source(%dma_start3A_185 : memref<80xi32, #tpu.memory_space<hbm>>) target(%arg5 : memref<80xi32, #tpu.memory_space<vmem>>) target_semaphore(%run_scoped3A : memref<!tpu.dma_semaphore, #tpu.memory_space<semaphore_mem>>)
        %dma_wait3A = tpu.memref_slice %arg3[%mul3A_184] : memref<10000xi32, #tpu.memory_space<hbm>> -> memref<80xi32, #tpu.memory_space<hbm>>
        %dma_wait3A_186 = tpu.memref_slice %arg3[%mul3A_184] : memref<10000xi32, #tpu.memory_space<hbm>> -> memref<80xi32, #tpu.memory_space<hbm>>
        tpu.wait_dma2 semaphore(%run_scoped3A : memref<!tpu.dma_semaphore, #tpu.memory_space<semaphore_mem>>) src(%dma_wait3A_186 : memref<80xi32, #tpu.memory_space<hbm>>) dst(%arg5 : memref<80xi32, #tpu.memory_space<vmem>>)
        tpu.yield
      }) : () -> ()
      "tpu.region"() ({
        %run_scoped3A = tpu.sem_alloc : memref<!tpu.dma_semaphore, #tpu.memory_space<semaphore_mem>>
        %dma_start3A = arith.constant 0 : i32
        %dma_start3A_185 = tpu.memref_slice %arg2[%mul3A_184, %dma_start3A] : memref<10000x128xf32, #tpu.memory_space<hbm>> -> memref<80x128xf32, #tpu.memory_space<hbm>>
        %dma_start3A_186 = arith.constant 0 : i32
        %dma_start3A_187 = tpu.memref_slice %arg2[%mul3A_184, %dma_start3A_186] : memref<10000x128xf32, #tpu.memory_space<hbm>> -> memref<80x128xf32, #tpu.memory_space<hbm>>
        tpu.enqueue_dma source(%dma_start3A_187 : memref<80x128xf32, #tpu.memory_space<hbm>>) target(%arg6 : memref<80x128xf32, #tpu.memory_space<vmem>>) target_semaphore(%run_scoped3A : memref<!tpu.dma_semaphore, #tpu.memory_space<semaphore_mem>>)
        %dma_wait3A = arith.constant 0 : i32
        %dma_wait3A_188 = tpu.memref_slice %arg2[%mul3A_184, %dma_wait3A] : memref<10000x128xf32, #tpu.memory_space<hbm>> -> memref<80x128xf32, #tpu.memory_space<hbm>>
        %dma_wait3A_189 = arith.constant 0 : i32
        %dma_wait3A_190 = tpu.memref_slice %arg2[%mul3A_184, %dma_wait3A_189] : memref<10000x128xf32, #tpu.memory_space<hbm>> -> memref<80x128xf32, #tpu.memory_space<hbm>>
        tpu.wait_dma2 semaphore(%run_scoped3A : memref<!tpu.dma_semaphore, #tpu.memory_space<semaphore_mem>>) src(%dma_wait3A_190 : memref<80x128xf32, #tpu.memory_space<hbm>>) dst(%arg6 : memref<80x128xf32, #tpu.memory_space<vmem>>)
        tpu.yield
      }) : () -> ()
      "tpu.region"() ({
        %run_scoped3A = tpu.sem_alloc : memref<!tpu.dma_semaphore, #tpu.memory_space<semaphore_mem>>
        %dma_start3A = arith.constant 0 : i32
        %dma_start3A_185 = arith.constant 0 : i32
        %dma_start3A_186 = tpu.memref_slice %arg7[%dma_start3A, %dma_start3A_185] : memref<10000x128xf32, #tpu.memory_space<vmem_shared>> -> memref<10000x128xf32, #tpu.memory_space<vmem_shared>>
        tpu.enqueue_indirect_dma source(%arg6 : memref<80x128xf32, #tpu.memory_space<vmem>>) target(%dma_start3A_186 : memref<10000x128xf32, #tpu.memory_space<vmem_shared>>) offsets(%arg5 : memref<80xi32, #tpu.memory_space<vmem>>) semaphore(%run_scoped3A : memref<!tpu.dma_semaphore, #tpu.memory_space<semaphore_mem>>) {add = true}
        %dma_wait3A = arith.constant 0 : i32
        %dma_wait3A_187 = arith.constant 0 : i32
        %dma_wait3A_188 = tpu.memref_slice %arg7[%dma_wait3A, %dma_wait3A_187] : memref<10000x128xf32, #tpu.memory_space<vmem_shared>> -> memref<10000x128xf32, #tpu.memory_space<vmem_shared>>
        tpu.wait_indirect_dma semaphore(%run_scoped3A : memref<!tpu.dma_semaphore, #tpu.memory_space<semaphore_mem>>) src(%arg6 : memref<80x128xf32, #tpu.memory_space<vmem>>) dst(%dma_wait3A_188 : memref<10000x128xf32, #tpu.memory_space<vmem_shared>>)
        tpu.yield
      }) : () -> ()
    } else {
    }
    %mul3A_92 = arith.constant 4 : i32
    %mul3A_93 = arith.muli %add3A, %mul3A_92 : i32
    %add3A_94 = arith.constant 2 : i32
    %add3A_95 = arith.addi %mul3A_93, %add3A_94 : i32
    %lt3A_96 = arith.constant 125 : i32
    %lt3A_97 = arith.cmpi slt, %add3A_95, %lt3A_96 : i32
    %convert_element_type3A_98 = arith.extui %lt3A_97 : i1 to i32
    %cond3A_99 = arith.constant 0 : i32
    %cond3A_100 = arith.cmpi ne, %convert_element_type3A_98, %cond3A_99 : i32
    scf.if %cond3A_100 {
      %mul3A_183 = arith.constant 80 : i32
      %mul3A_184 = arith.muli %add3A_95, %mul3A_183 : i32
      "tpu.region"() ({
        %run_scoped3A = tpu.sem_alloc : memref<!tpu.dma_semaphore, #tpu.memory_space<semaphore_mem>>
        %dma_start3A = tpu.memref_slice %arg3[%mul3A_184] : memref<10000xi32, #tpu.memory_space<hbm>> -> memref<80xi32, #tpu.memory_space<hbm>>
        %dma_start3A_185 = tpu.memref_slice %arg3[%mul3A_184] : memref<10000xi32, #tpu.memory_space<hbm>> -> memref<80xi32, #tpu.memory_space<hbm>>
        tpu.enqueue_dma source(%dma_start3A_185 : memref<80xi32, #tpu.memory_space<hbm>>) target(%arg5 : memref<80xi32, #tpu.memory_space<vmem>>) target_semaphore(%run_scoped3A : memref<!tpu.dma_semaphore, #tpu.memory_space<semaphore_mem>>)
        %dma_wait3A = tpu.memref_slice %arg3[%mul3A_184] : memref<10000xi32, #tpu.memory_space<hbm>> -> memref<80xi32, #tpu.memory_space<hbm>>
        %dma_wait3A_186 = tpu.memref_slice %arg3[%mul3A_184] : memref<10000xi32, #tpu.memory_space<hbm>> -> memref<80xi32, #tpu.memory_space<hbm>>
        tpu.wait_dma2 semaphore(%run_scoped3A : memref<!tpu.dma_semaphore, #tpu.memory_space<semaphore_mem>>) src(%dma_wait3A_186 : memref<80xi32, #tpu.memory_space<hbm>>) dst(%arg5 : memref<80xi32, #tpu.memory_space<vmem>>)
        tpu.yield
      }) : () -> ()
      "tpu.region"() ({
        %run_scoped3A = tpu.sem_alloc : memref<!tpu.dma_semaphore, #tpu.memory_space<semaphore_mem>>
        %dma_start3A = arith.constant 0 : i32
        %dma_start3A_185 = tpu.memref_slice %arg2[%mul3A_184, %dma_start3A] : memref<10000x128xf32, #tpu.memory_space<hbm>> -> memref<80x128xf32, #tpu.memory_space<hbm>>
        %dma_start3A_186 = arith.constant 0 : i32
        %dma_start3A_187 = tpu.memref_slice %arg2[%mul3A_184, %dma_start3A_186] : memref<10000x128xf32, #tpu.memory_space<hbm>> -> memref<80x128xf32, #tpu.memory_space<hbm>>
        tpu.enqueue_dma source(%dma_start3A_187 : memref<80x128xf32, #tpu.memory_space<hbm>>) target(%arg6 : memref<80x128xf32, #tpu.memory_space<vmem>>) target_semaphore(%run_scoped3A : memref<!tpu.dma_semaphore, #tpu.memory_space<semaphore_mem>>)
        %dma_wait3A = arith.constant 0 : i32
        %dma_wait3A_188 = tpu.memref_slice %arg2[%mul3A_184, %dma_wait3A] : memref<10000x128xf32, #tpu.memory_space<hbm>> -> memref<80x128xf32, #tpu.memory_space<hbm>>
        %dma_wait3A_189 = arith.constant 0 : i32
        %dma_wait3A_190 = tpu.memref_slice %arg2[%mul3A_184, %dma_wait3A_189] : memref<10000x128xf32, #tpu.memory_space<hbm>> -> memref<80x128xf32, #tpu.memory_space<hbm>>
        tpu.wait_dma2 semaphore(%run_scoped3A : memref<!tpu.dma_semaphore, #tpu.memory_space<semaphore_mem>>) src(%dma_wait3A_190 : memref<80x128xf32, #tpu.memory_space<hbm>>) dst(%arg6 : memref<80x128xf32, #tpu.memory_space<vmem>>)
        tpu.yield
      }) : () -> ()
      "tpu.region"() ({
        %run_scoped3A = tpu.sem_alloc : memref<!tpu.dma_semaphore, #tpu.memory_space<semaphore_mem>>
        %dma_start3A = arith.constant 0 : i32
        %dma_start3A_185 = arith.constant 0 : i32
        %dma_start3A_186 = tpu.memref_slice %arg7[%dma_start3A, %dma_start3A_185] : memref<10000x128xf32, #tpu.memory_space<vmem_shared>> -> memref<10000x128xf32, #tpu.memory_space<vmem_shared>>
        tpu.enqueue_indirect_dma source(%arg6 : memref<80x128xf32, #tpu.memory_space<vmem>>) target(%dma_start3A_186 : memref<10000x128xf32, #tpu.memory_space<vmem_shared>>) offsets(%arg5 : memref<80xi32, #tpu.memory_space<vmem>>) semaphore(%run_scoped3A : memref<!tpu.dma_semaphore, #tpu.memory_space<semaphore_mem>>) {add = true}
        %dma_wait3A = arith.constant 0 : i32
        %dma_wait3A_187 = arith.constant 0 : i32
        %dma_wait3A_188 = tpu.memref_slice %arg7[%dma_wait3A, %dma_wait3A_187] : memref<10000x128xf32, #tpu.memory_space<vmem_shared>> -> memref<10000x128xf32, #tpu.memory_space<vmem_shared>>
        tpu.wait_indirect_dma semaphore(%run_scoped3A : memref<!tpu.dma_semaphore, #tpu.memory_space<semaphore_mem>>) src(%arg6 : memref<80x128xf32, #tpu.memory_space<vmem>>) dst(%dma_wait3A_188 : memref<10000x128xf32, #tpu.memory_space<vmem_shared>>)
        tpu.yield
      }) : () -> ()
    } else {
    }
    %mul3A_101 = arith.constant 4 : i32
    %mul3A_102 = arith.muli %add3A, %mul3A_101 : i32
    %add3A_103 = arith.constant 3 : i32
    %add3A_104 = arith.addi %mul3A_102, %add3A_103 : i32
    %lt3A_105 = arith.constant 125 : i32
    %lt3A_106 = arith.cmpi slt, %add3A_104, %lt3A_105 : i32
    %convert_element_type3A_107 = arith.extui %lt3A_106 : i1 to i32
    %cond3A_108 = arith.constant 0 : i32
    %cond3A_109 = arith.cmpi ne, %convert_element_type3A_107, %cond3A_108 : i32
    scf.if %cond3A_109 {
      %mul3A_183 = arith.constant 80 : i32
      %mul3A_184 = arith.muli %add3A_104, %mul3A_183 : i32
      "tpu.region"() ({
        %run_scoped3A = tpu.sem_alloc : memref<!tpu.dma_semaphore, #tpu.memory_space<semaphore_mem>>
        %dma_start3A = tpu.memref_slice %arg3[%mul3A_184] : memref<10000xi32, #tpu.memory_space<hbm>> -> memref<80xi32, #tpu.memory_space<hbm>>
        %dma_start3A_185 = tpu.memref_slice %arg3[%mul3A_184] : memref<10000xi32, #tpu.memory_space<hbm>> -> memref<80xi32, #tpu.memory_space<hbm>>
        tpu.enqueue_dma source(%dma_start3A_185 : memref<80xi32, #tpu.memory_space<hbm>>) target(%arg5 : memref<80xi32, #tpu.memory_space<vmem>>) target_semaphore(%run_scoped3A : memref<!tpu.dma_semaphore, #tpu.memory_space<semaphore_mem>>)
        %dma_wait3A = tpu.memref_slice %arg3[%mul3A_184] : memref<10000xi32, #tpu.memory_space<hbm>> -> memref<80xi32, #tpu.memory_space<hbm>>
        %dma_wait3A_186 = tpu.memref_slice %arg3[%mul3A_184] : memref<10000xi32, #tpu.memory_space<hbm>> -> memref<80xi32, #tpu.memory_space<hbm>>
        tpu.wait_dma2 semaphore(%run_scoped3A : memref<!tpu.dma_semaphore, #tpu.memory_space<semaphore_mem>>) src(%dma_wait3A_186 : memref<80xi32, #tpu.memory_space<hbm>>) dst(%arg5 : memref<80xi32, #tpu.memory_space<vmem>>)
        tpu.yield
      }) : () -> ()
      "tpu.region"() ({
        %run_scoped3A = tpu.sem_alloc : memref<!tpu.dma_semaphore, #tpu.memory_space<semaphore_mem>>
        %dma_start3A = arith.constant 0 : i32
        %dma_start3A_185 = tpu.memref_slice %arg2[%mul3A_184, %dma_start3A] : memref<10000x128xf32, #tpu.memory_space<hbm>> -> memref<80x128xf32, #tpu.memory_space<hbm>>
        %dma_start3A_186 = arith.constant 0 : i32
        %dma_start3A_187 = tpu.memref_slice %arg2[%mul3A_184, %dma_start3A_186] : memref<10000x128xf32, #tpu.memory_space<hbm>> -> memref<80x128xf32, #tpu.memory_space<hbm>>
        tpu.enqueue_dma source(%dma_start3A_187 : memref<80x128xf32, #tpu.memory_space<hbm>>) target(%arg6 : memref<80x128xf32, #tpu.memory_space<vmem>>) target_semaphore(%run_scoped3A : memref<!tpu.dma_semaphore, #tpu.memory_space<semaphore_mem>>)
        %dma_wait3A = arith.constant 0 : i32
        %dma_wait3A_188 = tpu.memref_slice %arg2[%mul3A_184, %dma_wait3A] : memref<10000x128xf32, #tpu.memory_space<hbm>> -> memref<80x128xf32, #tpu.memory_space<hbm>>
        %dma_wait3A_189 = arith.constant 0 : i32
        %dma_wait3A_190 = tpu.memref_slice %arg2[%mul3A_184, %dma_wait3A_189] : memref<10000x128xf32, #tpu.memory_space<hbm>> -> memref<80x128xf32, #tpu.memory_space<hbm>>
        tpu.wait_dma2 semaphore(%run_scoped3A : memref<!tpu.dma_semaphore, #tpu.memory_space<semaphore_mem>>) src(%dma_wait3A_190 : memref<80x128xf32, #tpu.memory_space<hbm>>) dst(%arg6 : memref<80x128xf32, #tpu.memory_space<vmem>>)
        tpu.yield
      }) : () -> ()
      "tpu.region"() ({
        %run_scoped3A = tpu.sem_alloc : memref<!tpu.dma_semaphore, #tpu.memory_space<semaphore_mem>>
        %dma_start3A = arith.constant 0 : i32
        %dma_start3A_185 = arith.constant 0 : i32
        %dma_start3A_186 = tpu.memref_slice %arg7[%dma_start3A, %dma_start3A_185] : memref<10000x128xf32, #tpu.memory_space<vmem_shared>> -> memref<10000x128xf32, #tpu.memory_space<vmem_shared>>
        tpu.enqueue_indirect_dma source(%arg6 : memref<80x128xf32, #tpu.memory_space<vmem>>) target(%dma_start3A_186 : memref<10000x128xf32, #tpu.memory_space<vmem_shared>>) offsets(%arg5 : memref<80xi32, #tpu.memory_space<vmem>>) semaphore(%run_scoped3A : memref<!tpu.dma_semaphore, #tpu.memory_space<semaphore_mem>>) {add = true}
        %dma_wait3A = arith.constant 0 : i32
        %dma_wait3A_187 = arith.constant 0 : i32
        %dma_wait3A_188 = tpu.memref_slice %arg7[%dma_wait3A, %dma_wait3A_187] : memref<10000x128xf32, #tpu.memory_space<vmem_shared>> -> memref<10000x128xf32, #tpu.memory_space<vmem_shared>>
        tpu.wait_indirect_dma semaphore(%run_scoped3A : memref<!tpu.dma_semaphore, #tpu.memory_space<semaphore_mem>>) src(%arg6 : memref<80x128xf32, #tpu.memory_space<vmem>>) dst(%dma_wait3A_188 : memref<10000x128xf32, #tpu.memory_space<vmem_shared>>)
        tpu.yield
      }) : () -> ()
    } else {
    }
    %barrier3A_110 = arith.constant 0 : index
    tpu.barrier barrier_id(%barrier3A_110)
    %mul3A_111 = arith.constant 8 : i32
    %mul3A_112 = arith.muli %arg1, %mul3A_111 : i32
    %add3A_113 = arith.constant 0 : i32
    %add3A_114 = arith.addi %mul3A_112, %add3A_113 : i32
    %lt3A_115 = arith.constant 125 : i32
    %lt3A_116 = arith.cmpi slt, %add3A_114, %lt3A_115 : i32
    %convert_element_type3A_117 = arith.extui %lt3A_116 : i1 to i32
    %cond3A_118 = arith.constant 0 : i32
    %cond3A_119 = arith.cmpi ne, %convert_element_type3A_117, %cond3A_118 : i32
    scf.if %cond3A_119 {
      %mul3A_183 = arith.constant 80 : i32
      %mul3A_184 = arith.muli %add3A_114, %mul3A_183 : i32
      %mul3A_185 = arith.constant 80 : i32
      %mul3A_186 = arith.muli %add3A_114, %mul3A_185 : i32
      "tpu.region"() ({
        %run_scoped3A = tpu.sem_alloc : memref<!tpu.dma_semaphore, #tpu.memory_space<semaphore_mem>>
        %dma_start3A = arith.constant 0 : i32
        %dma_start3A_187 = tpu.memref_slice %arg4[%arg0, %mul3A_186, %dma_start3A] : memref<2x10000x128xf32, #tpu.memory_space<hbm>> -> memref<1x80x128xf32, #tpu.memory_space<hbm>>
        %dma_start3A_188 = tpu.memref_squeeze %dma_start3A_187 : memref<1x80x128xf32, #tpu.memory_space<hbm>> -> memref<80x128xf32, #tpu.memory_space<hbm>>
        %dma_start3A_189 = arith.constant 0 : i32
        %dma_start3A_190 = tpu.memref_slice %arg7[%mul3A_184, %dma_start3A_189] : memref<10000x128xf32, #tpu.memory_space<vmem_shared>> -> memref<80x128xf32, #tpu.memory_space<vmem_shared>>
        tpu.enqueue_dma source(%dma_start3A_190 : memref<80x128xf32, #tpu.memory_space<vmem_shared>>) target(%dma_start3A_188 : memref<80x128xf32, #tpu.memory_space<hbm>>) target_semaphore(%run_scoped3A : memref<!tpu.dma_semaphore, #tpu.memory_space<semaphore_mem>>)
        %dma_wait3A = arith.constant 0 : i32
        %dma_wait3A_191 = tpu.memref_slice %arg4[%arg0, %mul3A_186, %dma_wait3A] : memref<2x10000x128xf32, #tpu.memory_space<hbm>> -> memref<1x80x128xf32, #tpu.memory_space<hbm>>
        %dma_wait3A_192 = tpu.memref_squeeze %dma_wait3A_191 : memref<1x80x128xf32, #tpu.memory_space<hbm>> -> memref<80x128xf32, #tpu.memory_space<hbm>>
        %dma_wait3A_193 = arith.constant 0 : i32
        %dma_wait3A_194 = tpu.memref_slice %arg7[%mul3A_184, %dma_wait3A_193] : memref<10000x128xf32, #tpu.memory_space<vmem_shared>> -> memref<80x128xf32, #tpu.memory_space<vmem_shared>>
        tpu.wait_dma2 semaphore(%run_scoped3A : memref<!tpu.dma_semaphore, #tpu.memory_space<semaphore_mem>>) src(%dma_wait3A_194 : memref<80x128xf32, #tpu.memory_space<vmem_shared>>) dst(%dma_wait3A_192 : memref<80x128xf32, #tpu.memory_space<hbm>>)
        tpu.yield
      }) : () -> ()
    } else {
    }
    %mul3A_120 = arith.constant 8 : i32
    %mul3A_121 = arith.muli %arg1, %mul3A_120 : i32
    %add3A_122 = arith.constant 1 : i32
    %add3A_123 = arith.addi %mul3A_121, %add3A_122 : i32
    %lt3A_124 = arith.constant 125 : i32
    %lt3A_125 = arith.cmpi slt, %add3A_123, %lt3A_124 : i32
    %convert_element_type3A_126 = arith.extui %lt3A_125 : i1 to i32
    %cond3A_127 = arith.constant 0 : i32
    %cond3A_128 = arith.cmpi ne, %convert_element_type3A_126, %cond3A_127 : i32
    scf.if %cond3A_128 {
      %mul3A_183 = arith.constant 80 : i32
      %mul3A_184 = arith.muli %add3A_123, %mul3A_183 : i32
      %mul3A_185 = arith.constant 80 : i32
      %mul3A_186 = arith.muli %add3A_123, %mul3A_185 : i32
      "tpu.region"() ({
        %run_scoped3A = tpu.sem_alloc : memref<!tpu.dma_semaphore, #tpu.memory_space<semaphore_mem>>
        %dma_start3A = arith.constant 0 : i32
        %dma_start3A_187 = tpu.memref_slice %arg4[%arg0, %mul3A_186, %dma_start3A] : memref<2x10000x128xf32, #tpu.memory_space<hbm>> -> memref<1x80x128xf32, #tpu.memory_space<hbm>>
        %dma_start3A_188 = tpu.memref_squeeze %dma_start3A_187 : memref<1x80x128xf32, #tpu.memory_space<hbm>> -> memref<80x128xf32, #tpu.memory_space<hbm>>
        %dma_start3A_189 = arith.constant 0 : i32
        %dma_start3A_190 = tpu.memref_slice %arg7[%mul3A_184, %dma_start3A_189] : memref<10000x128xf32, #tpu.memory_space<vmem_shared>> -> memref<80x128xf32, #tpu.memory_space<vmem_shared>>
        tpu.enqueue_dma source(%dma_start3A_190 : memref<80x128xf32, #tpu.memory_space<vmem_shared>>) target(%dma_start3A_188 : memref<80x128xf32, #tpu.memory_space<hbm>>) target_semaphore(%run_scoped3A : memref<!tpu.dma_semaphore, #tpu.memory_space<semaphore_mem>>)
        %dma_wait3A = arith.constant 0 : i32
        %dma_wait3A_191 = tpu.memref_slice %arg4[%arg0, %mul3A_186, %dma_wait3A] : memref<2x10000x128xf32, #tpu.memory_space<hbm>> -> memref<1x80x128xf32, #tpu.memory_space<hbm>>
        %dma_wait3A_192 = tpu.memref_squeeze %dma_wait3A_191 : memref<1x80x128xf32, #tpu.memory_space<hbm>> -> memref<80x128xf32, #tpu.memory_space<hbm>>
        %dma_wait3A_193 = arith.constant 0 : i32
        %dma_wait3A_194 = tpu.memref_slice %arg7[%mul3A_184, %dma_wait3A_193] : memref<10000x128xf32, #tpu.memory_space<vmem_shared>> -> memref<80x128xf32, #tpu.memory_space<vmem_shared>>
        tpu.wait_dma2 semaphore(%run_scoped3A : memref<!tpu.dma_semaphore, #tpu.memory_space<semaphore_mem>>) src(%dma_wait3A_194 : memref<80x128xf32, #tpu.memory_space<vmem_shared>>) dst(%dma_wait3A_192 : memref<80x128xf32, #tpu.memory_space<hbm>>)
        tpu.yield
      }) : () -> ()
    } else {
    }
    %mul3A_129 = arith.constant 8 : i32
    %mul3A_130 = arith.muli %arg1, %mul3A_129 : i32
    %add3A_131 = arith.constant 2 : i32
    %add3A_132 = arith.addi %mul3A_130, %add3A_131 : i32
    %lt3A_133 = arith.constant 125 : i32
    %lt3A_134 = arith.cmpi slt, %add3A_132, %lt3A_133 : i32
    %convert_element_type3A_135 = arith.extui %lt3A_134 : i1 to i32
    %cond3A_136 = arith.constant 0 : i32
    %cond3A_137 = arith.cmpi ne, %convert_element_type3A_135, %cond3A_136 : i32
    scf.if %cond3A_137 {
      %mul3A_183 = arith.constant 80 : i32
      %mul3A_184 = arith.muli %add3A_132, %mul3A_183 : i32
      %mul3A_185 = arith.constant 80 : i32
      %mul3A_186 = arith.muli %add3A_132, %mul3A_185 : i32
      "tpu.region"() ({
        %run_scoped3A = tpu.sem_alloc : memref<!tpu.dma_semaphore, #tpu.memory_space<semaphore_mem>>
        %dma_start3A = arith.constant 0 : i32
        %dma_start3A_187 = tpu.memref_slice %arg4[%arg0, %mul3A_186, %dma_start3A] : memref<2x10000x128xf32, #tpu.memory_space<hbm>> -> memref<1x80x128xf32, #tpu.memory_space<hbm>>
        %dma_start3A_188 = tpu.memref_squeeze %dma_start3A_187 : memref<1x80x128xf32, #tpu.memory_space<hbm>> -> memref<80x128xf32, #tpu.memory_space<hbm>>
        %dma_start3A_189 = arith.constant 0 : i32
        %dma_start3A_190 = tpu.memref_slice %arg7[%mul3A_184, %dma_start3A_189] : memref<10000x128xf32, #tpu.memory_space<vmem_shared>> -> memref<80x128xf32, #tpu.memory_space<vmem_shared>>
        tpu.enqueue_dma source(%dma_start3A_190 : memref<80x128xf32, #tpu.memory_space<vmem_shared>>) target(%dma_start3A_188 : memref<80x128xf32, #tpu.memory_space<hbm>>) target_semaphore(%run_scoped3A : memref<!tpu.dma_semaphore, #tpu.memory_space<semaphore_mem>>)
        %dma_wait3A = arith.constant 0 : i32
        %dma_wait3A_191 = tpu.memref_slice %arg4[%arg0, %mul3A_186, %dma_wait3A] : memref<2x10000x128xf32, #tpu.memory_space<hbm>> -> memref<1x80x128xf32, #tpu.memory_space<hbm>>
        %dma_wait3A_192 = tpu.memref_squeeze %dma_wait3A_191 : memref<1x80x128xf32, #tpu.memory_space<hbm>> -> memref<80x128xf32, #tpu.memory_space<hbm>>
        %dma_wait3A_193 = arith.constant 0 : i32
        %dma_wait3A_194 = tpu.memref_slice %arg7[%mul3A_184, %dma_wait3A_193] : memref<10000x128xf32, #tpu.memory_space<vmem_shared>> -> memref<80x128xf32, #tpu.memory_space<vmem_shared>>
        tpu.wait_dma2 semaphore(%run_scoped3A : memref<!tpu.dma_semaphore, #tpu.memory_space<semaphore_mem>>) src(%dma_wait3A_194 : memref<80x128xf32, #tpu.memory_space<vmem_shared>>) dst(%dma_wait3A_192 : memref<80x128xf32, #tpu.memory_space<hbm>>)
        tpu.yield
      }) : () -> ()
    } else {
    }
    %mul3A_138 = arith.constant 8 : i32
    %mul3A_139 = arith.muli %arg1, %mul3A_138 : i32
    %add3A_140 = arith.constant 3 : i32
    %add3A_141 = arith.addi %mul3A_139, %add3A_140 : i32
    %lt3A_142 = arith.constant 125 : i32
    %lt3A_143 = arith.cmpi slt, %add3A_141, %lt3A_142 : i32
    %convert_element_type3A_144 = arith.extui %lt3A_143 : i1 to i32
    %cond3A_145 = arith.constant 0 : i32
    %cond3A_146 = arith.cmpi ne, %convert_element_type3A_144, %cond3A_145 : i32
    scf.if %cond3A_146 {
      %mul3A_183 = arith.constant 80 : i32
      %mul3A_184 = arith.muli %add3A_141, %mul3A_183 : i32
      %mul3A_185 = arith.constant 80 : i32
      %mul3A_186 = arith.muli %add3A_141, %mul3A_185 : i32
      "tpu.region"() ({
        %run_scoped3A = tpu.sem_alloc : memref<!tpu.dma_semaphore, #tpu.memory_space<semaphore_mem>>
        %dma_start3A = arith.constant 0 : i32
        %dma_start3A_187 = tpu.memref_slice %arg4[%arg0, %mul3A_186, %dma_start3A] : memref<2x10000x128xf32, #tpu.memory_space<hbm>> -> memref<1x80x128xf32, #tpu.memory_space<hbm>>
        %dma_start3A_188 = tpu.memref_squeeze %dma_start3A_187 : memref<1x80x128xf32, #tpu.memory_space<hbm>> -> memref<80x128xf32, #tpu.memory_space<hbm>>
        %dma_start3A_189 = arith.constant 0 : i32
        %dma_start3A_190 = tpu.memref_slice %arg7[%mul3A_184, %dma_start3A_189] : memref<10000x128xf32, #tpu.memory_space<vmem_shared>> -> memref<80x128xf32, #tpu.memory_space<vmem_shared>>
        tpu.enqueue_dma source(%dma_start3A_190 : memref<80x128xf32, #tpu.memory_space<vmem_shared>>) target(%dma_start3A_188 : memref<80x128xf32, #tpu.memory_space<hbm>>) target_semaphore(%run_scoped3A : memref<!tpu.dma_semaphore, #tpu.memory_space<semaphore_mem>>)
        %dma_wait3A = arith.constant 0 : i32
        %dma_wait3A_191 = tpu.memref_slice %arg4[%arg0, %mul3A_186, %dma_wait3A] : memref<2x10000x128xf32, #tpu.memory_space<hbm>> -> memref<1x80x128xf32, #tpu.memory_space<hbm>>
        %dma_wait3A_192 = tpu.memref_squeeze %dma_wait3A_191 : memref<1x80x128xf32, #tpu.memory_space<hbm>> -> memref<80x128xf32, #tpu.memory_space<hbm>>
        %dma_wait3A_193 = arith.constant 0 : i32
        %dma_wait3A_194 = tpu.memref_slice %arg7[%mul3A_184, %dma_wait3A_193] : memref<10000x128xf32, #tpu.memory_space<vmem_shared>> -> memref<80x128xf32, #tpu.memory_space<vmem_shared>>
        tpu.wait_dma2 semaphore(%run_scoped3A : memref<!tpu.dma_semaphore, #tpu.memory_space<semaphore_mem>>) src(%dma_wait3A_194 : memref<80x128xf32, #tpu.memory_space<vmem_shared>>) dst(%dma_wait3A_192 : memref<80x128xf32, #tpu.memory_space<hbm>>)
        tpu.yield
      }) : () -> ()
    } else {
    }
    %mul3A_147 = arith.constant 8 : i32
    %mul3A_148 = arith.muli %arg1, %mul3A_147 : i32
    %add3A_149 = arith.constant 4 : i32
    %add3A_150 = arith.addi %mul3A_148, %add3A_149 : i32
    %lt3A_151 = arith.constant 125 : i32
    %lt3A_152 = arith.cmpi slt, %add3A_150, %lt3A_151 : i32
    %convert_element_type3A_153 = arith.extui %lt3A_152 : i1 to i32
    %cond3A_154 = arith.constant 0 : i32
    %cond3A_155 = arith.cmpi ne, %convert_element_type3A_153, %cond3A_154 : i32
    scf.if %cond3A_155 {
      %mul3A_183 = arith.constant 80 : i32
      %mul3A_184 = arith.muli %add3A_150, %mul3A_183 : i32
      %mul3A_185 = arith.constant 80 : i32
      %mul3A_186 = arith.muli %add3A_150, %mul3A_185 : i32
      "tpu.region"() ({
        %run_scoped3A = tpu.sem_alloc : memref<!tpu.dma_semaphore, #tpu.memory_space<semaphore_mem>>
        %dma_start3A = arith.constant 0 : i32
        %dma_start3A_187 = tpu.memref_slice %arg4[%arg0, %mul3A_186, %dma_start3A] : memref<2x10000x128xf32, #tpu.memory_space<hbm>> -> memref<1x80x128xf32, #tpu.memory_space<hbm>>
        %dma_start3A_188 = tpu.memref_squeeze %dma_start3A_187 : memref<1x80x128xf32, #tpu.memory_space<hbm>> -> memref<80x128xf32, #tpu.memory_space<hbm>>
        %dma_start3A_189 = arith.constant 0 : i32
        %dma_start3A_190 = tpu.memref_slice %arg7[%mul3A_184, %dma_start3A_189] : memref<10000x128xf32, #tpu.memory_space<vmem_shared>> -> memref<80x128xf32, #tpu.memory_space<vmem_shared>>
        tpu.enqueue_dma source(%dma_start3A_190 : memref<80x128xf32, #tpu.memory_space<vmem_shared>>) target(%dma_start3A_188 : memref<80x128xf32, #tpu.memory_space<hbm>>) target_semaphore(%run_scoped3A : memref<!tpu.dma_semaphore, #tpu.memory_space<semaphore_mem>>)
        %dma_wait3A = arith.constant 0 : i32
        %dma_wait3A_191 = tpu.memref_slice %arg4[%arg0, %mul3A_186, %dma_wait3A] : memref<2x10000x128xf32, #tpu.memory_space<hbm>> -> memref<1x80x128xf32, #tpu.memory_space<hbm>>
        %dma_wait3A_192 = tpu.memref_squeeze %dma_wait3A_191 : memref<1x80x128xf32, #tpu.memory_space<hbm>> -> memref<80x128xf32, #tpu.memory_space<hbm>>
        %dma_wait3A_193 = arith.constant 0 : i32
        %dma_wait3A_194 = tpu.memref_slice %arg7[%mul3A_184, %dma_wait3A_193] : memref<10000x128xf32, #tpu.memory_space<vmem_shared>> -> memref<80x128xf32, #tpu.memory_space<vmem_shared>>
        tpu.wait_dma2 semaphore(%run_scoped3A : memref<!tpu.dma_semaphore, #tpu.memory_space<semaphore_mem>>) src(%dma_wait3A_194 : memref<80x128xf32, #tpu.memory_space<vmem_shared>>) dst(%dma_wait3A_192 : memref<80x128xf32, #tpu.memory_space<hbm>>)
        tpu.yield
      }) : () -> ()
    } else {
    }
    %mul3A_156 = arith.constant 8 : i32
    %mul3A_157 = arith.muli %arg1, %mul3A_156 : i32
    %add3A_158 = arith.constant 5 : i32
    %add3A_159 = arith.addi %mul3A_157, %add3A_158 : i32
    %lt3A_160 = arith.constant 125 : i32
    %lt3A_161 = arith.cmpi slt, %add3A_159, %lt3A_160 : i32
    %convert_element_type3A_162 = arith.extui %lt3A_161 : i1 to i32
    %cond3A_163 = arith.constant 0 : i32
    %cond3A_164 = arith.cmpi ne, %convert_element_type3A_162, %cond3A_163 : i32
    scf.if %cond3A_164 {
      %mul3A_183 = arith.constant 80 : i32
      %mul3A_184 = arith.muli %add3A_159, %mul3A_183 : i32
      %mul3A_185 = arith.constant 80 : i32
      %mul3A_186 = arith.muli %add3A_159, %mul3A_185 : i32
      "tpu.region"() ({
        %run_scoped3A = tpu.sem_alloc : memref<!tpu.dma_semaphore, #tpu.memory_space<semaphore_mem>>
        %dma_start3A = arith.constant 0 : i32
        %dma_start3A_187 = tpu.memref_slice %arg4[%arg0, %mul3A_186, %dma_start3A] : memref<2x10000x128xf32, #tpu.memory_space<hbm>> -> memref<1x80x128xf32, #tpu.memory_space<hbm>>
        %dma_start3A_188 = tpu.memref_squeeze %dma_start3A_187 : memref<1x80x128xf32, #tpu.memory_space<hbm>> -> memref<80x128xf32, #tpu.memory_space<hbm>>
        %dma_start3A_189 = arith.constant 0 : i32
        %dma_start3A_190 = tpu.memref_slice %arg7[%mul3A_184, %dma_start3A_189] : memref<10000x128xf32, #tpu.memory_space<vmem_shared>> -> memref<80x128xf32, #tpu.memory_space<vmem_shared>>
        tpu.enqueue_dma source(%dma_start3A_190 : memref<80x128xf32, #tpu.memory_space<vmem_shared>>) target(%dma_start3A_188 : memref<80x128xf32, #tpu.memory_space<hbm>>) target_semaphore(%run_scoped3A : memref<!tpu.dma_semaphore, #tpu.memory_space<semaphore_mem>>)
        %dma_wait3A = arith.constant 0 : i32
        %dma_wait3A_191 = tpu.memref_slice %arg4[%arg0, %mul3A_186, %dma_wait3A] : memref<2x10000x128xf32, #tpu.memory_space<hbm>> -> memref<1x80x128xf32, #tpu.memory_space<hbm>>
        %dma_wait3A_192 = tpu.memref_squeeze %dma_wait3A_191 : memref<1x80x128xf32, #tpu.memory_space<hbm>> -> memref<80x128xf32, #tpu.memory_space<hbm>>
        %dma_wait3A_193 = arith.constant 0 : i32
        %dma_wait3A_194 = tpu.memref_slice %arg7[%mul3A_184, %dma_wait3A_193] : memref<10000x128xf32, #tpu.memory_space<vmem_shared>> -> memref<80x128xf32, #tpu.memory_space<vmem_shared>>
        tpu.wait_dma2 semaphore(%run_scoped3A : memref<!tpu.dma_semaphore, #tpu.memory_space<semaphore_mem>>) src(%dma_wait3A_194 : memref<80x128xf32, #tpu.memory_space<vmem_shared>>) dst(%dma_wait3A_192 : memref<80x128xf32, #tpu.memory_space<hbm>>)
        tpu.yield
      }) : () -> ()
    } else {
    }
    %mul3A_165 = arith.constant 8 : i32
    %mul3A_166 = arith.muli %arg1, %mul3A_165 : i32
    %add3A_167 = arith.constant 6 : i32
    %add3A_168 = arith.addi %mul3A_166, %add3A_167 : i32
    %lt3A_169 = arith.constant 125 : i32
    %lt3A_170 = arith.cmpi slt, %add3A_168, %lt3A_169 : i32
    %convert_element_type3A_171 = arith.extui %lt3A_170 : i1 to i32
    %cond3A_172 = arith.constant 0 : i32
    %cond3A_173 = arith.cmpi ne, %convert_element_type3A_171, %cond3A_172 : i32
    scf.if %cond3A_173 {
      %mul3A_183 = arith.constant 80 : i32
      %mul3A_184 = arith.muli %add3A_168, %mul3A_183 : i32
      %mul3A_185 = arith.constant 80 : i32
      %mul3A_186 = arith.muli %add3A_168, %mul3A_185 : i32
      "tpu.region"() ({
        %run_scoped3A = tpu.sem_alloc : memref<!tpu.dma_semaphore, #tpu.memory_space<semaphore_mem>>
        %dma_start3A = arith.constant 0 : i32
        %dma_start3A_187 = tpu.memref_slice %arg4[%arg0, %mul3A_186, %dma_start3A] : memref<2x10000x128xf32, #tpu.memory_space<hbm>> -> memref<1x80x128xf32, #tpu.memory_space<hbm>>
        %dma_start3A_188 = tpu.memref_squeeze %dma_start3A_187 : memref<1x80x128xf32, #tpu.memory_space<hbm>> -> memref<80x128xf32, #tpu.memory_space<hbm>>
        %dma_start3A_189 = arith.constant 0 : i32
        %dma_start3A_190 = tpu.memref_slice %arg7[%mul3A_184, %dma_start3A_189] : memref<10000x128xf32, #tpu.memory_space<vmem_shared>> -> memref<80x128xf32, #tpu.memory_space<vmem_shared>>
        tpu.enqueue_dma source(%dma_start3A_190 : memref<80x128xf32, #tpu.memory_space<vmem_shared>>) target(%dma_start3A_188 : memref<80x128xf32, #tpu.memory_space<hbm>>) target_semaphore(%run_scoped3A : memref<!tpu.dma_semaphore, #tpu.memory_space<semaphore_mem>>)
        %dma_wait3A = arith.constant 0 : i32
        %dma_wait3A_191 = tpu.memref_slice %arg4[%arg0, %mul3A_186, %dma_wait3A] : memref<2x10000x128xf32, #tpu.memory_space<hbm>> -> memref<1x80x128xf32, #tpu.memory_space<hbm>>
        %dma_wait3A_192 = tpu.memref_squeeze %dma_wait3A_191 : memref<1x80x128xf32, #tpu.memory_space<hbm>> -> memref<80x128xf32, #tpu.memory_space<hbm>>
        %dma_wait3A_193 = arith.constant 0 : i32
        %dma_wait3A_194 = tpu.memref_slice %arg7[%mul3A_184, %dma_wait3A_193] : memref<10000x128xf32, #tpu.memory_space<vmem_shared>> -> memref<80x128xf32, #tpu.memory_space<vmem_shared>>
        tpu.wait_dma2 semaphore(%run_scoped3A : memref<!tpu.dma_semaphore, #tpu.memory_space<semaphore_mem>>) src(%dma_wait3A_194 : memref<80x128xf32, #tpu.memory_space<vmem_shared>>) dst(%dma_wait3A_192 : memref<80x128xf32, #tpu.memory_space<hbm>>)
        tpu.yield
      }) : () -> ()
    } else {
    }
    %mul3A_174 = arith.constant 8 : i32
    %mul3A_175 = arith.muli %arg1, %mul3A_174 : i32
    %add3A_176 = arith.constant 7 : i32
    %add3A_177 = arith.addi %mul3A_175, %add3A_176 : i32
    %lt3A_178 = arith.constant 125 : i32
    %lt3A_179 = arith.cmpi slt, %add3A_177, %lt3A_178 : i32
    %convert_element_type3A_180 = arith.extui %lt3A_179 : i1 to i32
    %cond3A_181 = arith.constant 0 : i32
    %cond3A_182 = arith.cmpi ne, %convert_element_type3A_180, %cond3A_181 : i32
    scf.if %cond3A_182 {
      %mul3A_183 = arith.constant 80 : i32
      %mul3A_184 = arith.muli %add3A_177, %mul3A_183 : i32
      %mul3A_185 = arith.constant 80 : i32
      %mul3A_186 = arith.muli %add3A_177, %mul3A_185 : i32
      "tpu.region"() ({
        %run_scoped3A = tpu.sem_alloc : memref<!tpu.dma_semaphore, #tpu.memory_space<semaphore_mem>>
        %dma_start3A = arith.constant 0 : i32
        %dma_start3A_187 = tpu.memref_slice %arg4[%arg0, %mul3A_186, %dma_start3A] : memref<2x10000x128xf32, #tpu.memory_space<hbm>> -> memref<1x80x128xf32, #tpu.memory_space<hbm>>
        %dma_start3A_188 = tpu.memref_squeeze %dma_start3A_187 : memref<1x80x128xf32, #tpu.memory_space<hbm>> -> memref<80x128xf32, #tpu.memory_space<hbm>>
        %dma_start3A_189 = arith.constant 0 : i32
        %dma_start3A_190 = tpu.memref_slice %arg7[%mul3A_184, %dma_start3A_189] : memref<10000x128xf32, #tpu.memory_space<vmem_shared>> -> memref<80x128xf32, #tpu.memory_space<vmem_shared>>
        tpu.enqueue_dma source(%dma_start3A_190 : memref<80x128xf32, #tpu.memory_space<vmem_shared>>) target(%dma_start3A_188 : memref<80x128xf32, #tpu.memory_space<hbm>>) target_semaphore(%run_scoped3A : memref<!tpu.dma_semaphore, #tpu.memory_space<semaphore_mem>>)
        %dma_wait3A = arith.constant 0 : i32
        %dma_wait3A_191 = tpu.memref_slice %arg4[%arg0, %mul3A_186, %dma_wait3A] : memref<2x10000x128xf32, #tpu.memory_space<hbm>> -> memref<1x80x128xf32, #tpu.memory_space<hbm>>
        %dma_wait3A_192 = tpu.memref_squeeze %dma_wait3A_191 : memref<1x80x128xf32, #tpu.memory_space<hbm>> -> memref<80x128xf32, #tpu.memory_space<hbm>>
        %dma_wait3A_193 = arith.constant 0 : i32
        %dma_wait3A_194 = tpu.memref_slice %arg7[%mul3A_184, %dma_wait3A_193] : memref<10000x128xf32, #tpu.memory_space<vmem_shared>> -> memref<80x128xf32, #tpu.memory_space<vmem_shared>>
        tpu.wait_dma2 semaphore(%run_scoped3A : memref<!tpu.dma_semaphore, #tpu.memory_space<semaphore_mem>>) src(%dma_wait3A_194 : memref<80x128xf32, #tpu.memory_space<vmem_shared>>) dst(%dma_wait3A_192 : memref<80x128xf32, #tpu.memory_space<hbm>>)
        tpu.yield
      }) : () -> ()
    } else {
    }
    return
  }
}

module attributes {stable_mosaic.version = 14 : i64} {
  func.func @body(%arg0: memref<10000x128xf32, #tpu.memory_space<vmem>>, %arg1: memref<128x128xf32, #tpu.memory_space<vmem>>, %arg2: memref<1x128xf32, #tpu.memory_space<vmem>>, %arg3: memref<10000x128xf32, #tpu.memory_space<vmem>>) attributes {dimension_semantics = [], scalar_prefetch = 0 : i64, scratch_operands = 0 : i64, tpu.core_type = #tpu.core_type<tc>} {
    %get3A = arith.constant 0 : index
    %get3A_0 = arith.constant 0 : index
    %get3A_1 = vector.load %arg0[%get3A, %get3A_0] : memref<10000x128xf32, #tpu.memory_space<vmem>>, vector<10000x128xf32>
    %get3A_2 = arith.constant 0 : index
    %get3A_3 = arith.constant 0 : index
    %get3A_4 = vector.load %arg1[%get3A_2, %get3A_3] : memref<128x128xf32, #tpu.memory_space<vmem>>, vector<128x128xf32>
    %dot_general3A = arith.constant dense<0.000000e+00> : vector<10000x128xf32>
    %dot_general3A_5 = tpu.matmul %get3A_1, %get3A_4, %dot_general3A {dimension_numbers = #tpu.dot_dimension_numbers<[1], [0], [0], [1], [0, 0, 1, 1], [], []>, transpose_lhs_hint = false} : vector<10000x128xf32>, vector<128x128xf32>, vector<10000x128xf32> -> vector<10000x128xf32>
    %get3A_6 = arith.constant 0 : index
    %get3A_7 = arith.constant 0 : index
    %get3A_8 = vector.load %arg2[%get3A_6, %get3A_7] : memref<1x128xf32, #tpu.memory_space<vmem>>, vector<1x128xf32>
    %add3A = vector.broadcast %get3A_8 : vector<1x128xf32> to vector<10000x128xf32>
    %add3A_9 = arith.addf %dot_general3A_5, %add3A : vector<10000x128xf32>
    %max3A = arith.constant 0.000000e+00 : f32
    %max3A_10 = vector.broadcast %max3A : f32 to vector<10000x128xf32>
    %max3A_11 = arith.maximumf %add3A_9, %max3A_10 : vector<10000x128xf32>
    %swap3A = arith.constant 0 : index
    %swap3A_12 = arith.constant 0 : index
    %swap3A_13 = vector.load %arg3[%swap3A, %swap3A_12] : memref<10000x128xf32, #tpu.memory_space<vmem>>, vector<10000x128xf32>
    tpu.vector_store %arg3[%swap3A, %swap3A_12], %max3A_11 {strides = array<i32>} : memref<10000x128xf32, #tpu.memory_space<vmem>>, vector<10000x128xf32>,
    return
  }
}

module attributes {stable_mosaic.version = 14 : i64} {
  func.func @body(%arg0: memref<10000x128xf32, #tpu.memory_space<vmem>>, %arg1: memref<10000x128xf32, #tpu.memory_space<vmem>>, %arg2: memref<10000x128xf32, #tpu.memory_space<vmem>>, %arg3: memref<128x128xf32, #tpu.memory_space<vmem>>, %arg4: memref<1x128xf32, #tpu.memory_space<vmem>>, %arg5: memref<10000x128xf32, #tpu.memory_space<vmem>>) attributes {dimension_semantics = [], scalar_prefetch = 0 : i64, scratch_operands = 0 : i64, tpu.core_type = #tpu.core_type<tc>} {
    %get3A = arith.constant 0 : index
    %get3A_0 = arith.constant 0 : index
    %get3A_1 = vector.load %arg0[%get3A, %get3A_0] : memref<10000x128xf32, #tpu.memory_space<vmem>>, vector<10000x128xf32>
    %get3A_2 = arith.constant 0 : index
    %get3A_3 = arith.constant 0 : index
    %get3A_4 = vector.load %arg1[%get3A_2, %get3A_3] : memref<10000x128xf32, #tpu.memory_space<vmem>>, vector<10000x128xf32>
    %add3A = arith.addf %get3A_1, %get3A_4 : vector<10000x128xf32>
    %get3A_5 = arith.constant 0 : index
    %get3A_6 = arith.constant 0 : index
    %get3A_7 = vector.load %arg2[%get3A_5, %get3A_6] : memref<10000x128xf32, #tpu.memory_space<vmem>>, vector<10000x128xf32>
    %add3A_8 = arith.addf %add3A, %get3A_7 : vector<10000x128xf32>
    %max3A = arith.constant 0.000000e+00 : f32
    %max3A_9 = vector.broadcast %max3A : f32 to vector<10000x128xf32>
    %max3A_10 = arith.maximumf %add3A_8, %max3A_9 : vector<10000x128xf32>
    %get3A_11 = arith.constant 0 : index
    %get3A_12 = arith.constant 0 : index
    %get3A_13 = vector.load %arg3[%get3A_11, %get3A_12] : memref<128x128xf32, #tpu.memory_space<vmem>>, vector<128x128xf32>
    %dot_general3A = arith.constant dense<0.000000e+00> : vector<10000x128xf32>
    %dot_general3A_14 = tpu.matmul %max3A_10, %get3A_13, %dot_general3A {dimension_numbers = #tpu.dot_dimension_numbers<[1], [0], [0], [1], [0, 0, 1, 1], [], []>, transpose_lhs_hint = false} : vector<10000x128xf32>, vector<128x128xf32>, vector<10000x128xf32> -> vector<10000x128xf32>
    %get3A_15 = arith.constant 0 : index
    %get3A_16 = arith.constant 0 : index
    %get3A_17 = vector.load %arg4[%get3A_15, %get3A_16] : memref<1x128xf32, #tpu.memory_space<vmem>>, vector<1x128xf32>
    %add3A_18 = vector.broadcast %get3A_17 : vector<1x128xf32> to vector<10000x128xf32>
    %add3A_19 = arith.addf %dot_general3A_14, %add3A_18 : vector<10000x128xf32>
    %max3A_20 = arith.constant 0.000000e+00 : f32
    %max3A_21 = vector.broadcast %max3A_20 : f32 to vector<10000x128xf32>
    %max3A_22 = arith.maximumf %add3A_19, %max3A_21 : vector<10000x128xf32>
    %swap3A = arith.constant 0 : index
    %swap3A_23 = arith.constant 0 : index
    %swap3A_24 = vector.load %arg5[%swap3A, %swap3A_23] : memref<10000x128xf32, #tpu.memory_space<vmem>>, vector<10000x128xf32>
    tpu.vector_store %arg5[%swap3A, %swap3A_23], %max3A_22 {strides = array<i32>} : memref<10000x128xf32, #tpu.memory_space<vmem>>, vector<10000x128xf32>,
    return
  }
}

module attributes {stable_mosaic.version = 14 : i64} {
  func.func @body(%arg0: memref<10000x128xf32, #tpu.memory_space<vmem>>, %arg1: memref<10000x128xf32, #tpu.memory_space<vmem>>, %arg2: memref<10000x128xf32, #tpu.memory_space<vmem>>, %arg3: memref<128x128xf32, #tpu.memory_space<vmem>>, %arg4: memref<1x128xf32, #tpu.memory_space<vmem>>, %arg5: memref<10000x128xf32, #tpu.memory_space<vmem>>) attributes {dimension_semantics = [], scalar_prefetch = 0 : i64, scratch_operands = 0 : i64, tpu.core_type = #tpu.core_type<tc>} {
    %get3A = arith.constant 0 : index
    %get3A_0 = arith.constant 0 : index
    %get3A_1 = vector.load %arg0[%get3A, %get3A_0] : memref<10000x128xf32, #tpu.memory_space<vmem>>, vector<10000x128xf32>
    %get3A_2 = arith.constant 0 : index
    %get3A_3 = arith.constant 0 : index
    %get3A_4 = vector.load %arg1[%get3A_2, %get3A_3] : memref<10000x128xf32, #tpu.memory_space<vmem>>, vector<10000x128xf32>
    %add3A = arith.addf %get3A_1, %get3A_4 : vector<10000x128xf32>
    %get3A_5 = arith.constant 0 : index
    %get3A_6 = arith.constant 0 : index
    %get3A_7 = vector.load %arg2[%get3A_5, %get3A_6] : memref<10000x128xf32, #tpu.memory_space<vmem>>, vector<10000x128xf32>
    %add3A_8 = arith.addf %add3A, %get3A_7 : vector<10000x128xf32>
    %max3A = arith.constant 0.000000e+00 : f32
    %max3A_9 = vector.broadcast %max3A : f32 to vector<10000x128xf32>
    %max3A_10 = arith.maximumf %add3A_8, %max3A_9 : vector<10000x128xf32>
    %get3A_11 = arith.constant 0 : index
    %get3A_12 = arith.constant 0 : index
    %get3A_13 = vector.load %arg3[%get3A_11, %get3A_12] : memref<128x128xf32, #tpu.memory_space<vmem>>, vector<128x128xf32>
    %dot_general3A = arith.constant dense<0.000000e+00> : vector<10000x128xf32>
    %dot_general3A_14 = tpu.matmul %max3A_10, %get3A_13, %dot_general3A {dimension_numbers = #tpu.dot_dimension_numbers<[1], [0], [0], [1], [0, 0, 1, 1], [], []>, transpose_lhs_hint = false} : vector<10000x128xf32>, vector<128x128xf32>, vector<10000x128xf32> -> vector<10000x128xf32>
    %get3A_15 = arith.constant 0 : index
    %get3A_16 = arith.constant 0 : index
    %get3A_17 = vector.load %arg4[%get3A_15, %get3A_16] : memref<1x128xf32, #tpu.memory_space<vmem>>, vector<1x128xf32>
    %add3A_18 = vector.broadcast %get3A_17 : vector<1x128xf32> to vector<10000x128xf32>
    %add3A_19 = arith.addf %dot_general3A_14, %add3A_18 : vector<10000x128xf32>
    %swap3A = arith.constant 0 : index
    %swap3A_20 = arith.constant 0 : index
    %swap3A_21 = vector.load %arg5[%swap3A, %swap3A_20] : memref<10000x128xf32, #tpu.memory_space<vmem>>, vector<10000x128xf32>
    tpu.vector_store %arg5[%swap3A, %swap3A_20], %add3A_19 {strides = array<i32>} : memref<10000x128xf32, #tpu.memory_space<vmem>>, vector<10000x128xf32>,
    return
  }
}

module attributes {stable_mosaic.version = 14 : i64} {
  func.func @body(%arg0: memref<10000x128xf32, #tpu.memory_space<vmem>>, %arg1: memref<10000x128xf32, #tpu.memory_space<vmem>>, %arg2: memref<10000x64xf32, #tpu.memory_space<vmem>>) attributes {dimension_semantics = [], scalar_prefetch = 0 : i64, scratch_operands = 0 : i64, tpu.core_type = #tpu.core_type<tc>} {
    %get3A = arith.constant 0 : index
    %get3A_0 = arith.constant 0 : index
    %get3A_1 = vector.load %arg0[%get3A, %get3A_0] : memref<10000x128xf32, #tpu.memory_space<vmem>>, vector<10000x128xf32>
    %slice3A = vector.extract_strided_slice %get3A_1 {offsets = [0, 0], sizes = [10000, 64], strides = [1, 1]} : vector<10000x128xf32> to vector<10000x64xf32>
    %get3A_2 = arith.constant 0 : index
    %get3A_3 = arith.constant 0 : index
    %get3A_4 = vector.load %arg1[%get3A_2, %get3A_3] : memref<10000x128xf32, #tpu.memory_space<vmem>>, vector<10000x128xf32>
    %slice3A_5 = vector.extract_strided_slice %get3A_4 {offsets = [0, 0], sizes = [10000, 64], strides = [1, 1]} : vector<10000x128xf32> to vector<10000x64xf32>
    %add3A = arith.addf %slice3A, %slice3A_5 : vector<10000x64xf32>
    %reduce_max3A = arith.constant dense<0xFF800000> : vector<10000xf32>
    %reduce_max3A_6 = vector.multi_reduction <maximumf>, %add3A, %reduce_max3A [1] : vector<10000x64xf32> to vector<10000xf32>
    %broadcast_in_dim3A = vector.shape_cast %reduce_max3A_6 : vector<10000xf32> to vector<10000x1xf32>
    %sub3A = vector.broadcast %broadcast_in_dim3A : vector<10000x1xf32> to vector<10000x64xf32>
    %sub3A_7 = arith.subf %add3A, %sub3A : vector<10000x64xf32>
    %exp3A = math.exp %sub3A_7 : vector<10000x64xf32>
    %reduce_sum3A = arith.constant dense<0.000000e+00> : vector<10000xf32>
    %reduce_sum3A_8 = vector.multi_reduction <add>, %exp3A, %reduce_sum3A [1] : vector<10000x64xf32> to vector<10000xf32>
    %broadcast_in_dim3A_9 = vector.shape_cast %reduce_sum3A_8 : vector<10000xf32> to vector<10000x1xf32>
    %log3A = math.log %broadcast_in_dim3A_9 : vector<10000x1xf32>
    %sub3A_10 = vector.broadcast %log3A : vector<10000x1xf32> to vector<10000x64xf32>
    %sub3A_11 = arith.subf %sub3A_7, %sub3A_10 : vector<10000x64xf32>
    %swap3A = arith.constant 0 : index
    %swap3A_12 = arith.constant 0 : index
    %swap3A_13 = vector.load %arg2[%swap3A, %swap3A_12] : memref<10000x64xf32, #tpu.memory_space<vmem>>, vector<10000x64xf32>
    tpu.vector_store %arg2[%swap3A, %swap3A_12], %sub3A_11 {strides = array<i32>} : memref<10000x64xf32, #tpu.memory_space<vmem>>, vector<10000x64xf32>,
    return
  }
}

</mosaic_0001>

<sc_bundles>
// kernel: kernel.12.cloned.1.call-start
scs
__scs_entry_jumppad:
0x0: {  	(pc) =	sbr.rel $0x88, $3  }
0x1: {  	(tag) =	ssettag $0x0;
	lr =	simm.s32 $0x1  }
0x2: {  	[smem:$0x3F98] =	sst lr;
	_ =	strace $0xD0000000  }
0x3: {  	_ = 	snop  }
0x4: {  	_ = 	snop  }
0x5: {  	_ = 	snop  }
0x6: {  	_ = 	snop  }
0x7: {  	_ = 	snop  }
__scs_overlays_trampoline_lowered:
0x8: {  	[smem:$0x3FA7] =	sst s0  }
0x9: {  	[smem:$0x3FA8] =	sst s1  }
0xa: {  	[smem:$0x3FA9] =	sst s2  }
0xb: {  	[smem:$0x3FAA] =	sst s3  }
0xc: {  	[smem:$0x3FAB] =	sst s4  }
0xd: {  	[smem:$0x3FAC] =	sst s5  }
0xe: {  	[smem:$0x3FAD] =	sst s6  }
0xf: {  	[smem:$0x3FAE] =	sst s7  }
0x10: {  	[smem:$0x3FAF] =	sst s8  }
0x11: {  	[smem:$0x3FB0] =	sst s9;
	s0 =	simm.s32 @!p0 $0x0  }
0x12: {  	s1 =	sld [smem:$0x3F96];
	s0 =	simm.s32 @p0 $0x1  }
0x13: {  	[smem:$0x3FB1] =	sst s0;
	s0 =	simm.s32 @!p1 $0x0  }
0x14: {  	s2 =	sld [smem:$0x3F95];
	s0 =	simm.s32 @p1 $0x1  }
0x15: {  	[smem:$0x3FB2] =	sst s0;
	s0 =	simm.s32 @!p2 $0x0  }
0x16: {  	s3 =	sld [smem:$0x3FDB];
	s0 =	simm.s32 @p2 $0x1  }
0x17: {  	s4 =	simm.s32 $0x1BF5;
	[smem:$0x3FB4] =	sst s0  }
0x18: {  	s0 =	sld [smem:$0x3F97];
	_ =	swait.ge [sflag:s4], $0x0  }
0x19: {  	s7 =	sld [smem:$0x3F98]  }
0x1a: {  	s8 =	sadd.s32 $0xFFFFE003, lr  }
0x1b: {  	s9 =	sadd.s32 $0xFFFFFEF7, lr;
	s5 =	simm.s32 $0xFFFFFFFF;
	p2 =	slt.u32 s8, $0xFFFFF086  }
0x1c: {  	p1 =	slt.u32 s9, $0xF7A;
	s5 =	simm.s32 @!p2 $0x0  }
0x1d: {  	s5 =	simm.s32 @p1 $0x1;
	p0 =	seq.s32 s7, s2  }
0x1e: {  	s7 =	smul.u32 @!p0 $0xF7A, s2;
	p2 =	seq.s32 @!p0 s5, $0x0  }
0x1f: {  	s9 =	smul.u32 $0xF7A, s1;
	s8 =	simm.s32 @!p0 $0x1BF5;
	p2 =	por !p2, p0  }
0x20: {  	[sflag:s8] =	ssyncset.s32 @!p0 $0xFFFFF086;
	s6 =	sadd.s32 @!p0 s3, s7;
	s7 =	simm.s32 @!p0 $0x108  }
0x21: {  	s3 =	sadd.s32 s3, s9;
	s6 =	sadd.s32 @!p0 $0x88, s6;
	s7 =	simm.s32 @p2 $0x1082  }
0x22: {  	[simem:s7], [sflag:s8] =	dma.local @!p0 [hbm:s6], $0xF7A  }
0x23: {  	s9 =	sor.u32 $0xD0000000, s2;
	s6 =	simm.s32 $0x108;
	_ =	swait.ge @!p0 [sflag:s8], $0x0  }
0x24: {  	s3 =	sadd.s32 $0x88, s3;
	s6 =	simm.s32 @!p1 $0x1082;
	[sflag:s4] =	ssyncset.s32 $0xFFFFF086  }
0x25: {  	[simem:s6], [sflag:s4] =	dma.local [hbm:s3], $0xF7A  }
0x26: {  	[smem:$0x3F98] =	sst s1;
	(tag) =	ssettag s2;
	_ =	strace s9  }
0x27: {  	s1 =	sld [smem:$0x3FA8]  }
0x28: {  	s2 =	sld [smem:$0x3FA9]  }
0x29: {  	s4 =	sld [smem:$0x3FAB]  }
0x2a: {  	p0 =	seq.s32 s5, $0x0;
	s5 =	sld [smem:$0x3FAC]  }
0x2b: {  	s6 =	sld [smem:$0x3FAD]  }
0x2c: {  	s7 =	sld [smem:$0x3FAE]  }
0x2d: {  	s3 =	simm.s32 $0x108;
	s8 =	sld [smem:$0x3FAF]  }
0x2e: {  	s3 =	simm.s32 @!p0 $0x1082;
	s9 =	sld [smem:$0x3FB0]  }
0x2f: {  	lr =	sadd.s32 s0, s3;
	s0 =	sld [smem:$0x3FA7]  }
0x30: {  	s3 =	sld [smem:$0x3FAA]  }
0x31: {  	[smem:$0x3FB3] =	sst s10  }
0x32: {  	s10 =	sld [smem:$0x3FB1];
	_ =	sdelay $0x3  }
0x33: {  	p0 =	seq.s32 s10, $0x1;
	s10 =	sld [smem:$0x3FB3];
	_ =	sdelay $0x3  }
0x34: {  	[smem:$0x3FB3] =	sst s10  }
0x35: {  	s10 =	sld [smem:$0x3FB2];
	_ =	sdelay $0x3  }
0x36: {  	p1 =	seq.s32 s10, $0x1;
	s10 =	sld [smem:$0x3FB3];
	_ =	sdelay $0x3  }
0x37: {  	[smem:$0x3FB3] =	sst s10  }
0x38: {  	s10 =	sld [smem:$0x3FB4]  }
0x39: {  	_ = 	snop;
	(pc) =	sbr.ind lr, $3  }
0x3a: {  	_ = 	snop  }
0x3b: {  	_ = 	snop  }
0x3c: {  	p2 =	seq.s32 s10, $0x1;
	s10 =	sld [smem:$0x3FB3]  }
0x3d: {  	_ =	shalt  }
0x3e: {  	_ =	shalt  }
0x3f: {  	_ =	shalt  }
0x40: {  	_ =	shalt  }
0x41: {  	_ =	shalt  }
0x42: {  	_ =	shalt  }
0x43: {  	_ =	shalt  }
0x44: {  	_ =	shalt  }
0x45: {  	_ =	shalt  }
0x46: {  	_ =	shalt  }
0x47: {  	_ =	shalt  }
0x48: {  	_ =	shalt  }
0x49: {  	_ =	shalt  }
0x4a: {  	_ =	shalt  }
0x4b: {  	_ =	shalt  }
0x4c: {  	_ =	shalt  }
0x4d: {  	_ =	shalt  }
0x4e: {  	_ =	shalt  }
0x4f: {  	_ =	shalt  }
0x50: {  	_ =	shalt  }
0x51: {  	_ =	shalt  }
0x52: {  	_ =	shalt  }
0x53: {  	_ =	shalt  }
0x54: {  	_ =	shalt  }
0x55: {  	_ =	shalt  }
0x56: {  	_ =	shalt  }
0x57: {  	_ =	shalt  }
0x58: {  	_ =	shalt  }
0x59: {  	_ =	shalt  }
0x5a: {  	_ =	shalt  }
0x5b: {  	_ =	shalt  }
0x5c: {  	_ =	shalt  }
0x5d: {  	_ =	shalt  }
0x5e: {  	_ =	shalt  }
0x5f: {  	_ =	shalt  }
0x60: {  	_ =	shalt  }
0x61: {  	_ =	shalt  }
0x62: {  	_ =	shalt  }
0x63: {  	_ =	shalt  }
0x64: {  	_ =	shalt  }
0x65: {  	_ =	shalt  }
0x66: {  	_ =	shalt  }
0x67: {  	_ =	shalt  }
0x68: {  	_ =	shalt  }
0x69: {  	_ =	shalt  }
0x6a: {  	_ =	shalt  }
0x6b: {  	_ =	shalt  }
0x6c: {  	_ =	shalt  }
0x6d: {  	_ =	shalt  }
0x6e: {  	_ =	shalt  }
0x6f: {  	_ =	shalt  }
0x70: {  	_ =	shalt  }
0x71: {  	_ =	shalt  }
0x72: {  	_ =	shalt  }
0x73: {  	_ =	shalt  }
0x74: {  	_ =	shalt  }
0x75: {  	_ =	shalt  }
0x76: {  	_ =	shalt  }
0x77: {  	_ =	shalt  }
0x78: {  	_ =	shalt  }
0x79: {  	_ =	shalt  }
0x7a: {  	_ =	shalt  }
0x7b: {  	_ =	shalt  }
0x7c: {  	_ =	shalt  }
0x7d: {  	_ =	shalt  }
0x7e: {  	_ =	shalt  }
0x7f: {  	_ =	shalt  }
0x80: {  	_ =	shalt  }
0x81: {  	_ =	shalt  }
0x82: {  	_ =	shalt  }
0x83: {  	_ =	shalt  }
0x84: {  	_ =	shalt  }
0x85: {  	_ =	shalt  }
0x86: {  	_ =	shalt  }
0x87: {  	_ =	shalt  }
.Lfunc_end0:
.L_simem_size_0:
called_computation.1_lowered:
.L_overlay_start_0:
0x88: {  	s2 =	sld [smem:$0x3FD9]  }
0x89: {  	s3 =	sld [smem:$0x3FFE];
	_ =	sdelay $0x1  }
0x8a: {  	s1 =	srdreg.scid  }
0x8b: {  	s0 =	sand.u32 $0x1, s1  }
0x8c: {  	s17 =	sshll.u32 s0, $0xA;
	s2 =	sadd.s32 s3, s2  }
0x8d: {  	s2 =	sadd.s32 s2, s17  }
0x8e: {  	[smem:$0x3FBF] =	sst s2  }
0x8f: {  	_ = 	snop  }
0x90: {  	s2 =	sld [smem:$0x3FD0];
	(tm) =	ssettm $0x1  }
0x91: {  	s18 =	sld [smem:$0x3FFB];
	_ =	sdelay $0x3  }
0x92: {  	_ =	strace s18  }
0x93: {  	s3 =	sld [smem:$0x3FFC];
	_ =	sdelay $0x3  }
0x94: {  	_ =	strace s3  }
0x95: {  	s3 =	sld [smem:$0x3FFD];
	_ =	sdelay $0x3  }
0x96: {  	_ =	strace s3  }
0x97: {  	_ =	strace $0x8FFFFFFF  }
0x98: {  	s19 =	sld [smem:$0x3FDB];
	_ =	sdelay $0x1  }
0x99: {  	s4 =	simm.s32 $_scs_section_size  }
0x9a: {  	s5 =	simm.s32 $_size__tile_overlayer_lowered;
	s6 =	simm.s32 $_tile_overlayer_lowered  }
0x9b: {  	s22 =	simm.s32 $0x1BFF;
	s21 =	sshll.u32 s6, $0x1;
	s3 =	sadd.s32 s4, s19  }
0x9c: {  	s7 =	simm.s32 $0x0;
	s20 =	sshll.u32 s5, $0x1;
	s5 =	sadd.s32 s21, s3  }
0x9d: {  	[timem:s7], [sflag:s22] =	dma.local [hbm:s5], s20  }
0x9e: {  	_ =	swait.ge [sflag:s22], s20  }
0x9f: {  	s4 =	ssub.s32 $0x0, s20;
	[sflag:s22] =	ssyncset.done $0x0  }
0xa0: {  	[sflag:s22] =	ssyncadd.s32 s4;
	_ =	sdelay $0x1  }
0xa1: {  	s23 =	simm.s32 $0x1B8B  }
0xa2: {  	_ =	swait.ge [sflag:s23], $0x1  }
0xa3: {  	[sflag:s23] =	ssyncset.done $0x0  }
0xa4: {  	s25 =	simm.s32 $0x1B8E;
	s24 =	sld [smem:$0x3FFE];
	[sflag:s23] =	ssyncadd.s32 $0xFFFFFFFF  }
0xa5: {  	s26 =	simm.s32 $execute0_lowered;
	[smem:$0x3FD2] =	sst s25  }
0xa6: {  	s5 =	sshll.u32 s26, $0x1;
	_ =	strace $0x80000049;
	[dreg:$0x1] =	wrdreg $0xFFFFFFFF  }
0xa7: {  	s28 =	simm.s32 $_size_execute0_lowered;
	s3 =	sadd.s32 s3, s5;
	[dreg:$0x0] =	wrdreg $0x0  }
0xa8: {  	s5 =	sshll.u32 s28, $0x1;
	[dreg:$0x2] =	wrdreg s3  }
0xa9: {  	[dreg:$0x3] =	wrdreg s5  }
0xaa: {  	[dreg:$0x4] =	wrdreg $0xC0  }
0xab: {  	_ =	task [dreg:s7], $0x5FFFF  }
0xac: {  	[dreg:$0x1] =	wrdreg $0xFFFFFFFF  }
0xad: {  	[dreg:$0x0] =	wrdreg $0x60  }
0xae: {  	[dreg:$0x2] =	wrdreg s24  }
0xaf: {  	[dreg:$0x3] =	wrdreg s2  }
0xb0: {  	[dreg:$0x4] =	wrdreg $0x29000  }
0xb1: {  	[dreg:$0x5] =	wrdreg $0x9  }
0xb2: {  	_ =	task.clear_ibuf [dreg:s7], $0x6FFFF;
	_ =	strace $0x90000049  }
0xb3: {  	s29 =	simm.s32 $0x9;
	_ =	strace $0x8000004B  }
0xb4: {  	_ =	swait.ge [sflag:s29], $0x1  }
0xb5: {  	[sflag:s29] =	ssyncadd.s32 $0xFFFFFFFF  }
0xb6: {  	_ =	strace $0x9000004B  }
0xb7: {  	_ =	sfence  }
0xb8: {  	s30 =	sld [smem:$0x0];
	_ =	sdelay $0x2  }
0xb9: {  	s31 =	sshll.u32 s1, $0xD;
	s1 =	sshrl.u32 s1, $0x2  }
0xba: {  	s3 =	sand.u32 $0x4000, s31;
	s1 =	sadd.s32 s1, s30  }
0xbb: {  	s0 =	sor.u32 s3, s0;
	s1 =	sshll.u32 s1, $0x11  }
0xbc: {  	s0 =	sor.u32 s1, s0  }
0xbd: {  	s0 =	sadd.s32 $0x8F2B, s0  }
0xbe: {  	[sflag:s0] =	ssyncadd.remote.s32 $0x1  }
0xbf: {  	_ =	sfence.sel $0xFFFF  }
0xc0: {  	[dreg:$0x0] =	wrdreg $0xFFFFFFFF;
	(pc) =	sbr.abs _section_cstart, $3  }
0xc1: {  	[dreg:$0x1] =	wrdreg $0xFFFFFFFF  }
0xc2: {  	_ =	task.clear_ibuf [dreg:s7], $0x2FFFF;
	_ =	strace $0x9FFFFFFF  }
0xc3: {  	(tm) =	ssettm $0x7FFFFFFF  }
tec
execute0_lowered:
.L_overlay_start_1:
0x0: {  	(tag) =	ssettag $0x1  }
0x1: {  	s30 =	stileid.u32  }
0x2: {  	s5 =	smul.u32 $0x2710, s30  }
0x3: {  	s0 =	srdreg.scid;
	s8 =	smul.u32 $0x50000, s30  }
0x4: {  	s0 =	sand.u32 $0x1, s0;
	s14 =	smul.u32 $0x14000, s30  }
0x5: {  	s1 =	smul.u32 $0x27100, s0  }
0x6: {  	s6 =	sshll.u32 s30, $0x3;
	s25 =	sshllo.u32 s30, $0x3;
	s13 =	smul.u32 $0x138800, s0  }
0x7: {  	s9 =	sor.u32 $0x1, s6;
	s21 =	smul.u32 $0x2800, s25  }
0x8: {  	s7 =	rddreg [dreg:$0x0];
	s11 =	sor.u32 $0x2, s6;
	s10 =	smul.u32 $0xA000, s9  }
0x9: {  	s17 =	rddreg [dreg:$0x1];
	s12 =	smul.u32 $0xA000, s11  }
0xa: {  	s2 =	rddreg [dreg:$0x2];
	s3 =	simm.s32 $0x0;
	s9 =	smul.u32 $0x2800, s9  }
0xb: {  	[smem:$0x7FF] =	sst s3;
	s15 =	sor.u32 $0x4, s6;
	s11 =	smul.u32 $0x2800, s11  }
0xc: {  	s4 =	sadd.s32 $0xCC00, s7;
	s18 =	sor.u32 $0x5, s6;
	s19 =	smul.u32 $0x2800, s15  }
0xd: {  	p0 =	seq.s32 s30, $0xF;
	s24 =	sor.u32 $0x6, s6;
	s26 =	smul.u32 $0x2800, s18  }
0xe: {  	s30 =	simm.s32 $0x0;
	_ =	strace $0x8000004A;
	s31 =	smul.u32 $0x2800, s24  }
0xf: {  	s0 =	ssub.s32 $0x2, s0;
	p2 =	sgt.u32 s25, $0x7C;
	s28 =	smul.u32 $0xA000, s15  }
0x10: {  	s20 =	sshrl.u32 s0, $0x1;
	s29 =	smul.u32 $0xA000, s18;
	p1 =	sgt.u32 s24, $0x7C  }
0x11: {  	s1 =	sadd.s32 s5, s1;
	s5 =	sor.u32 $0x3, s6;
	s0 =	ssub.s32 s0, s20  }
0x12: {  	s14 =	sadd.s32 s14, s13;
	s21 =	sadd.s32 s13, s21;
	s1 =	sshrl.u32 s1, $0x3  }
0x13: {  	s16 =	smul.u32 $0x2800, s5;
	s9 =	sadd.s32 s13, s9;
	s11 =	sadd.s32 s13, s11  }
0x14: {  	s19 =	sadd.s32 s13, s19;
	s22 =	sadd.s32 s13, s26;
	s20 =	sadd.s32 s13, s31  }
0x15: {  	s31 =	smul.u32 $0xA000, s5;
	s26 =	sadd.s32 $0x33E00, s7;
	s10 =	sshrl.u32 s10, $0x2  }
0x16: {  	s18 =	sshrl.u32 s14, $0x3;
	s23 =	sadd.s32 s1, s7;
	s6 =	sadd.s32 s10, s2  }
0x17: {  	s10 =	sadd.s32 s26, s18;
	s11 =	sshrl.u32 s11, $0x3;
	s15 =	sshrl.u32 s19, $0x3  }
0x18: {  	s18 =	sshrl.u32 s20, $0x3;
	s19 =	sshrl.u32 s21, $0x3;
	s20 =	smul.u32 $0xA000, s24  }
0x19: {  	s21 =	sshrl.u32 s28, $0x2;
	s17 =	sadd.s32 s1, s17;
	s24 =	simm.s32 $0x100  }
0x1a: {  	s28 =	simm.s32 $0x50;
	s16 =	sadd.s32 s13, s16;
	s13 =	sshrl.u32 s8, $0x2  }
0x1b: {  	s8 =	sshrl.u32 s31, $0x2;
	s31 =	sshrl.u32 s9, $0x3;
	[dreg:$0x4] =	wrdreg s10  }
0x1c: {  	s11 =	sadd.s32 s26, s11;
	s23 =	sadd.s32 $0x2E00, s23;
	s5 =	sadd.s32 s13, s2  }
0x1d: {  	s13 =	sshrl.u32 s12, $0x2;
	s8 =	sadd.s32 s8, s2;
	s14 =	sshrl.u32 s16, $0x3  }
0x1e: {  	s16 =	sshrl.u32 s22, $0x3;
	s22 =	smul.u32 $0xA000, s25;
	s25 =	simm.s32 $0x2  }
0x1f: {  	s7 =	sadd.s32 s13, s2;
	s13 =	sadd.s32 s26, s31;
	s12 =	sadd.s32 s26, s14  }
0x20: {  	s14 =	sadd.s32 s26, s16;
	s16 =	sadd.s32 s26, s19;
	s31 =	sshrl.u32 s20, $0x2  }
0x21: {  	[dreg:$0x5] =	wrdreg s13;
	s13 =	sadd.s32 s26, s15;
	s15 =	sadd.s32 s26, s18  }
0x22: {  	s18 =	sadd.s32 s21, s2;
	s26 =	sshrl.u32 s29, $0x2;
	s20 =	sadd.s32 s31, s2  }
0x23: {  	s1 =	sshrl.u32 s22, $0x2;
	s22 =	smax.u32 s0, $0x1;
	s29 =	simm.s32 $0x1  }
0x24: {  	v0 =	vimm.f32 $0.0e+00;
	s19 =	sadd.s32 s26, s2;
	s21 =	sadd.s32 s1, s2;
	s26 =	simm.s32 $0x80  }
.LBB2_1:
0x25: {  	s0 =	sand.u32 $0xFE00, s3  }
0x26: {  	s1 =	sand.u32 $0x70, s3;
	s0 =	sshrl.u32 s0, $0x2  }
0x27: {  	s31 =	simm.s32 $0x40;
	s0 =	sor.u32 s1, s0;
	s1 =	simm.s32 $0x0  }
.LBB2_2:
0x28: {  	p3 =	sne.s32 s31, $0x9FC0  }
0x29: {  	[tilespmem:s0+$0x100] =	vst v0;
	s1 =	sadd.s32 $0x10, s1;
	s0 =	smov.u32 s31;
	s31 =	sadd.s32 $0x40, s31  }
.Ltmp0:
0x2a: {  	(pc) =	sbr.rel @p3 .LBB2_2-.Ltmp0, $4  }
0x2b: {  	_ = 	snop  }
0x2c: {  	s0 =	sand.u32 $0xFE00, s0  }
0x2d: {  	s9 =	sand.u32 $0x70, s1;
	s0 =	sshrl.u32 s0, $0x2  }
0x2e: {  	s0 =	sor.u32 s9, s0  }
0x2f: {  	[tilespmem:s0+$0x100] =	vst v0  }
0x30: {  	[spmem:s5] =	stream.linear.scatter [tilespmem:s24], [sflag:$0x2], $0x2800, $0x38;
	[tilespmem:$0x16180] =	vst v63  }
0x31: {  	_ =	swait.ge [sflag:s25], $0x2800  }
0x32: {  	[sflag:s25] =	ssyncset.done $0x0  }
0x33: {  	[sflag:s25] =	ssyncadd.s32 $0xFFFFD800  }
0x34: {  	[spmem:s6] =	stream.linear.scatter [tilespmem:s24], [sflag:$0x2], $0x2800, $0x38;
	[tilespmem:$0x16180] =	vst v63  }
0x35: {  	_ =	swait.ge [sflag:s25], $0x2800  }
0x36: {  	[sflag:s25] =	ssyncset.done $0x0  }
0x37: {  	[sflag:s25] =	ssyncadd.s32 $0xFFFFD800  }
0x38: {  	[spmem:s7] =	stream.linear.scatter [tilespmem:s24], [sflag:$0x2], $0x2800, $0x38;
	[tilespmem:$0x16180] =	vst v63  }
0x39: {  	_ =	swait.ge [sflag:s25], $0x2800  }
0x3a: {  	[sflag:s25] =	ssyncset.done $0x0  }
0x3b: {  	[sflag:s25] =	ssyncadd.s32 $0xFFFFD800  }
0x3c: {  	[spmem:s8] =	stream.linear.scatter [tilespmem:s24], [sflag:$0x2], $0x2800, $0x38;
	[tilespmem:$0x16180] =	vst v63  }
0x3d: {  	_ =	swait.ge [sflag:s25], $0x2800  }
0x3e: {  	[sflag:s25] =	ssyncset.done $0x0  }
0x3f: {  	[sflag:s25] =	ssyncadd.s32 $0xFFFFD800  }
0x40: {  	[spmem:s18] =	stream.linear.scatter [tilespmem:s24], [sflag:$0x2], $0x2800, $0x38;
	[tilespmem:$0x16180] =	vst v63  }
0x41: {  	_ =	swait.ge [sflag:s25], $0x2800  }
0x42: {  	[sflag:s25] =	ssyncset.done $0x0  }
0x43: {  	s0 =	simm.s32 @!p0 $0x100;
	[sflag:s25] =	ssyncadd.s32 $0xFFFFD800  }
0x44: {  	[spmem:s19] =	stream.linear.scatter @!p0 [tilespmem:s0], [sflag:$0x2], $0x2800, $0x38;
	[tilespmem:$0x16180] =	vst v63  }
0x45: {  	s0 =	simm.s32 @!p0 $0x2  }
0x46: {  	_ =	swait.ge @!p0 [sflag:s0], $0x2800  }
0x47: {  	[sflag:s0] =	ssyncset.done @!p0 $0x0  }
0x48: {  	[sflag:s0] =	ssyncadd.s32 @!p0 $0xFFFFD800;
	s0 =	simm.s32 @!p1 $0x100  }
0x49: {  	[spmem:s20] =	stream.linear.scatter @!p1 [tilespmem:s0], [sflag:$0x2], $0x2800, $0x38;
	[tilespmem:$0x16180] =	vst v63  }
0x4a: {  	s0 =	simm.s32 @!p1 $0x2  }
0x4b: {  	_ =	swait.ge @!p1 [sflag:s0], $0x2800  }
0x4c: {  	[sflag:s0] =	ssyncset.done @!p1 $0x0  }
0x4d: {  	[sflag:s0] =	ssyncadd.s32 @!p1 $0xFFFFD800;
	s0 =	simm.s32 @!p2 $0x100  }
0x4e: {  	[spmem:s21] =	stream.linear.scatter @!p2 [tilespmem:s0], [sflag:$0x2], $0x2800, $0x38;
	[tilespmem:$0x16180] =	vst v63  }
0x4f: {  	s0 =	simm.s32 @!p2 $0x2  }
0x50: {  	_ =	swait.ge @!p2 [sflag:s0], $0x2800  }
0x51: {  	[sflag:s0] =	ssyncset.done @!p2 $0x0  }
0x52: {  	[sflag:s0] =	ssyncadd.s32 @!p2 $0xFFFFD800  }
0x53: {  	s9 =	sadd.s32 $0x0, s23;
	[bflag:$0x0] =	sbarrier.arrive $0xFFFF  }
0x54: {  	[tilespmem:s3], [sflag:$0x2] =	stream.linear.gather [hbm4b:s9+s3], $0x50, $0x38;
	[tilespmem:$0x16180] =	vst v63  }
0x55: {  	_ =	swait.ge [sflag:s25], $0x50  }
0x56: {  	[sflag:s25] =	ssyncset.done $0x0  }
0x57: {  	s10 =	sadd.s32 $0x0, s17;
	[sflag:s25] =	ssyncadd.s32 $0xFFFFFFB0  }
0x58: {  	[tilespmem:s26], [sflag:$0x2] =	stream.linear.gather [hbm4b:s10+s3], $0x50, $0x38;
	[tilespmem:$0x16180] =	vst v63  }
0x59: {  	_ =	swait.ge [sflag:s25], $0x50  }
0x5a: {  	[sflag:s25] =	ssyncset.done $0x0  }
0x5b: {  	[sflag:s25] =	ssyncadd.s32 $0xFFFFFFB0  }
0x5c: {  	[tilespmem:s24], [sflag:$0x1] =	stream.indirect.gather [hbm4b:s4+s28], $0x80, s3, s28, $0xb8;
	[tilespmem:$0x16180] =	vst v63  }
0x5d: {  	_ =	swait.ge [sflag:s29], $0x2800  }
0x5e: {  	[sflag:s29] =	ssyncset.done $0x0  }
0x5f: {  	[sflag:s29] =	ssyncadd.s32 $0xFFFFD800  }
0x60: {  	[spmem:s2] =	stream.indirect.scatter.add.f32 [tilespmem:s24], [sflag:$0x2], $0x80, s26, s28, $0xb8;
	[tilespmem:$0x16180] =	vst v63  }
0x61: {  	_ =	swait.ge [sflag:s25], $0x2800  }
0x62: {  	s31 =	simm.s32 $0xA;
	s1 =	simm.s32 $0x14;
	[sflag:s25] =	ssyncset.done $0x0  }
.LBB2_4:
0x63: {  	s0 =	sadd.s32 s31, s23  }
0x64: {  	[sflag:s25] =	ssyncadd.s32 $0xFFFFD800;
	s9 =	smov.u32 s1;
	s10 =	sadd.s32 $0xA, s1  }
0x65: {  	[tilespmem:s3], [sflag:$0x2] =	stream.linear.gather [hbm4b:s0+s3], $0x50, $0x38;
	[tilespmem:$0x16180] =	vst v63  }
0x66: {  	p3 =	sne.s32 s1, $0x4D8;
	_ =	swait.ge [sflag:s25], $0x50  }
0x67: {  	[sflag:s25] =	ssyncset.done $0x0  }
0x68: {  	s0 =	sadd.s32 s31, s17;
	s31 =	smov.u32 s9;
	[sflag:s25] =	ssyncadd.s32 $0xFFFFFFB0  }
0x69: {  	[tilespmem:s26], [sflag:$0x2] =	stream.linear.gather [hbm4b:s0+s3], $0x50, $0x38;
	[tilespmem:$0x16180] =	vst v63  }
0x6a: {  	_ =	swait.ge [sflag:s25], $0x50  }
0x6b: {  	[sflag:s25] =	ssyncset.done $0x0  }
0x6c: {  	[sflag:s25] =	ssyncadd.s32 $0xFFFFFFB0  }
0x6d: {  	[tilespmem:s24], [sflag:$0x1] =	stream.indirect.gather [hbm4b:s4+s28], $0x80, s3, s28, $0xb8;
	[tilespmem:$0x16180] =	vst v63  }
0x6e: {  	_ =	swait.ge [sflag:s29], $0x2800  }
.Ltmp1:
0x6f: {  	[sflag:s29] =	ssyncset.done $0x0;
	(pc) =	sbr.rel @p3 .LBB2_4-.Ltmp1, $4  }
0x70: {  	[sflag:s29] =	ssyncadd.s32 $0xFFFFD800  }
0x71: {  	[spmem:s2] =	stream.indirect.scatter.add.f32 [tilespmem:s24], [sflag:$0x2], $0x80, s26, s28, $0xb8;
	[tilespmem:$0x16180] =	vst v63  }
0x72: {  	_ =	swait.ge [sflag:s25], $0x2800  }
0x73: {  	s1 =	smov.u32 s10;
	[sflag:s25] =	ssyncset.done $0x0  }
0x74: {  	s0 =	sadd.s32 s31, s23;
	[sflag:s25] =	ssyncadd.s32 $0xFFFFD800  }
0x75: {  	[tilespmem:s3], [sflag:$0x2] =	stream.linear.gather [hbm4b:s0+s3], $0x50, $0x38;
	[tilespmem:$0x16180] =	vst v63  }
0x76: {  	_ =	swait.ge [sflag:s25], $0x50  }
0x77: {  	[sflag:s25] =	ssyncset.done $0x0  }
0x78: {  	s1 =	sadd.s32 s31, s17;
	[sflag:s25] =	ssyncadd.s32 $0xFFFFFFB0  }
0x79: {  	[tilespmem:s26], [sflag:$0x2] =	stream.linear.gather [hbm4b:s1+s3], $0x50, $0x38;
	[tilespmem:$0x16180] =	vst v63  }
0x7a: {  	_ =	swait.ge [sflag:s25], $0x50  }
0x7b: {  	[sflag:s25] =	ssyncset.done $0x0  }
0x7c: {  	[sflag:s25] =	ssyncadd.s32 $0xFFFFFFB0  }
0x7d: {  	[tilespmem:s24], [sflag:$0x1] =	stream.indirect.gather [hbm4b:s4+s28], $0x80, s3, s28, $0xb8;
	[tilespmem:$0x16180] =	vst v63  }
0x7e: {  	_ =	swait.ge [sflag:s29], $0x2800  }
0x7f: {  	[sflag:s29] =	ssyncset.done $0x0  }
0x80: {  	[sflag:s29] =	ssyncadd.s32 $0xFFFFD800  }
0x81: {  	[spmem:s2] =	stream.indirect.scatter.add.f32 [tilespmem:s24], [sflag:$0x2], $0x80, s26, s28, $0xb8;
	[tilespmem:$0x16180] =	vst v63  }
0x82: {  	_ =	swait.ge [sflag:s25], $0x2800  }
0x83: {  	[sflag:s25] =	ssyncset.done $0x0  }
0x84: {  	s9 =	stileid.u32;
	[sflag:s25] =	ssyncadd.s32 $0xFFFFD800  }
0x85: {  	s0 =	sshll.u32 s9, $0x6;
	[bflag:$0x0] =	sbarrier.arrive $0xFFFF  }
0x86: {  	s0 =	sor.u32 $0x1C02, s0;
	s1 =	sshrl.u32 s5, $0x3;
	s9 =	rddreg [dreg:$0x4]  }
0x87: {  	[hbm:s9], [sflag:s0] =	dma.local [spmem:s1], $0x500  }
0x88: {  	_ =	swait.ge [sflag:s25], $0x500  }
0x89: {  	[sflag:s25] =	ssyncset.done $0x0  }
0x8a: {  	s10 =	sshrl.u32 s6, $0x3;
	s31 =	rddreg [dreg:$0x5];
	[sflag:s25] =	ssyncadd.s32 $0xFFFFFB00  }
0x8b: {  	[hbm:s31], [sflag:s0] =	dma.local [spmem:s10], $0x500  }
0x8c: {  	_ =	swait.ge [sflag:s25], $0x500  }
0x8d: {  	[sflag:s25] =	ssyncset.done $0x0  }
0x8e: {  	s9 =	sshrl.u32 s7, $0x3;
	[sflag:s25] =	ssyncadd.s32 $0xFFFFFB00  }
0x8f: {  	[hbm:s11], [sflag:s0] =	dma.local [spmem:s9], $0x500  }
0x90: {  	_ =	swait.ge [sflag:s25], $0x500  }
0x91: {  	[sflag:s25] =	ssyncset.done $0x0  }
0x92: {  	s10 =	sshrl.u32 s8, $0x3;
	[sflag:s25] =	ssyncadd.s32 $0xFFFFFB00  }
0x93: {  	[hbm:s12], [sflag:s0] =	dma.local [spmem:s10], $0x500  }
0x94: {  	_ =	swait.ge [sflag:s25], $0x500  }
0x95: {  	[sflag:s25] =	ssyncset.done $0x0  }
0x96: {  	s31 =	sshrl.u32 s18, $0x3;
	[sflag:s25] =	ssyncadd.s32 $0xFFFFFB00  }
0x97: {  	[hbm:s13], [sflag:s0] =	dma.local [spmem:s31], $0x500  }
0x98: {  	_ =	swait.ge [sflag:s25], $0x500  }
0x99: {  	[sflag:s25] =	ssyncset.done $0x0  }
0x9a: {  	s1 =	sshrl.u32 @!p0 s19, $0x3;
	[sflag:s25] =	ssyncadd.s32 $0xFFFFFB00  }
0x9b: {  	[hbm:s14], [sflag:s0] =	dma.local @!p0 [spmem:s1], $0x500  }
0x9c: {  	s1 =	simm.s32 @!p0 $0x2  }
0x9d: {  	_ =	swait.ge @!p0 [sflag:s1], $0x500  }
0x9e: {  	[sflag:s1] =	ssyncset.done @!p0 $0x0  }
0x9f: {  	[sflag:s1] =	ssyncadd.s32 @!p0 $0xFFFFFB00;
	s1 =	sshrl.u32 @!p1 s20, $0x3  }
0xa0: {  	[hbm:s15], [sflag:s0] =	dma.local @!p1 [spmem:s1], $0x500  }
0xa1: {  	s1 =	simm.s32 @!p1 $0x2  }
0xa2: {  	_ =	swait.ge @!p1 [sflag:s1], $0x500  }
0xa3: {  	s30 =	sadd.s32 $0x1, s30;
	[sflag:s1] =	ssyncset.done @!p1 $0x0  }
0xa4: {  	p3 =	sne.s32 s30, s22;
	[sflag:s1] =	ssyncadd.s32 @!p1 $0xFFFFFB00;
	s1 =	sshrl.u32 @!p2 s21, $0x3  }
0xa5: {  	[hbm:s16], [sflag:s0] =	dma.local @!p2 [spmem:s1], $0x500  }
.Ltmp2:
0xa6: {  	_ = 	snop;
	(pc) =	sbr.rel @p3 .LBB2_1-.Ltmp2, $4  }
0xa7: {  	s0 =	simm.s32 @!p2 $0x2  }
0xa8: {  	_ =	swait.ge @!p2 [sflag:s0], $0x500  }
0xa9: {  	[sflag:s0] =	ssyncset.done @!p2 $0x0  }
0xaa: {  	[sflag:s0] =	ssyncadd.s32 @!p2 $0xFFFFFB00  }
0xab: {  	_ =	sfence.sel $0x180000  }
0xac: {  	[bflag:$0x0] =	sbarrier.arrive $0xFFFF  }
0xad: {  	_ =	strace $0x9000004A  }
0xae: {  	s0 =	stileid.u32;
	[bflag:$0x2] =	sbarrier.arrive $0xFFFF  }
0xaf: {  	p0 =	sne.s32 s0, $0x0;
	s0 =	rddreg [dreg:$0x3]  }
0xb0: {  	s0 =	sadd.s32 @!p0 $0x100000, s0  }
0xb1: {  	[sflag:s0] =	ssyncadd.tile.s32 @!p0 $0x1;
	_ =	shalt  }
.Lfunc_end2:
_tile_overlayer_lowered:
.L_overlay_start_2:
0xb2: {  	(tag) =	ssettag $0x2  }
0xb3: {  	s0 =	rddreg [dreg:$0x0];
	s2 =	stileid.u32  }
0xb4: {  	s1 =	rddreg [dreg:$0x1];
	p0 =	sne.s32 s2, $0x0  }
0xb5: {  	s3 =	rddreg [dreg:$0x2];
	[bflag:$0x3] =	sbarrier.arrive $0xFFFF;
	s2 =	simm.s32 @!p0 $0x1C02  }
0xb6: {  	[timem:s3], [sflag:s2] =	dma.local @!p0 [hbm:s0], s1  }
0xb7: {  	s0 =	simm.s32 @!p0 $0x2  }
0xb8: {  	_ =	swait.ge @!p0 [sflag:s0], s1  }
0xb9: {  	s1 =	ssub.s32 @!p0 $0x0, s1;
	[sflag:s0] =	ssyncset.done @!p0 $0x0  }
0xba: {  	[sflag:s0] =	ssyncadd.s32 @!p0 s1  }
0xbb: {  	[bflag:$0x3] =	sbarrier.arrive $0xFFFF  }
0xbc: {  	_ =	shalt  }

// kernel: kernel.15.cloned.1.call-start
scs
__scs_entry_jumppad:
0x0: {  	(pc) =	sbr.rel $0x88, $3  }
0x1: {  	(tag) =	ssettag $0x0;
	lr =	simm.s32 $0x1  }
0x2: {  	[smem:$0x3F98] =	sst lr;
	_ =	strace $0xD0000000  }
0x3: {  	_ = 	snop  }
0x4: {  	_ = 	snop  }
0x5: {  	_ = 	snop  }
0x6: {  	_ = 	snop  }
0x7: {  	_ = 	snop  }
__scs_overlays_trampoline_lowered:
0x8: {  	[smem:$0x3FA7] =	sst s0  }
0x9: {  	[smem:$0x3FA8] =	sst s1  }
0xa: {  	[smem:$0x3FA9] =	sst s2  }
0xb: {  	[smem:$0x3FAA] =	sst s3  }
0xc: {  	[smem:$0x3FAB] =	sst s4  }
0xd: {  	[smem:$0x3FAC] =	sst s5  }
0xe: {  	[smem:$0x3FAD] =	sst s6  }
0xf: {  	[smem:$0x3FAE] =	sst s7  }
0x10: {  	[smem:$0x3FAF] =	sst s8  }
0x11: {  	[smem:$0x3FB0] =	sst s9;
	s0 =	simm.s32 @!p0 $0x0  }
0x12: {  	s1 =	sld [smem:$0x3F96];
	s0 =	simm.s32 @p0 $0x1  }
0x13: {  	[smem:$0x3FB1] =	sst s0;
	s0 =	simm.s32 @!p1 $0x0  }
0x14: {  	s2 =	sld [smem:$0x3F95];
	s0 =	simm.s32 @p1 $0x1  }
0x15: {  	[smem:$0x3FB2] =	sst s0;
	s0 =	simm.s32 @!p2 $0x0  }
0x16: {  	s3 =	sld [smem:$0x3FDB];
	s0 =	simm.s32 @p2 $0x1  }
0x17: {  	s4 =	simm.s32 $0x1BF5;
	[smem:$0x3FB4] =	sst s0  }
0x18: {  	s0 =	sld [smem:$0x3F97];
	_ =	swait.ge [sflag:s4], $0x0  }
0x19: {  	s7 =	sld [smem:$0x3F98]  }
0x1a: {  	s8 =	sadd.s32 $0xFFFFE003, lr  }
0x1b: {  	s9 =	sadd.s32 $0xFFFFFEF7, lr;
	s5 =	simm.s32 $0xFFFFFFFF;
	p2 =	slt.u32 s8, $0xFFFFF086  }
0x1c: {  	p1 =	slt.u32 s9, $0xF7A;
	s5 =	simm.s32 @!p2 $0x0  }
0x1d: {  	s5 =	simm.s32 @p1 $0x1;
	p0 =	seq.s32 s7, s2  }
0x1e: {  	s7 =	smul.u32 @!p0 $0xF7A, s2;
	p2 =	seq.s32 @!p0 s5, $0x0  }
0x1f: {  	s9 =	smul.u32 $0xF7A, s1;
	s8 =	simm.s32 @!p0 $0x1BF5;
	p2 =	por !p2, p0  }
0x20: {  	[sflag:s8] =	ssyncset.s32 @!p0 $0xFFFFF086;
	s6 =	sadd.s32 @!p0 s3, s7;
	s7 =	simm.s32 @!p0 $0x108  }
0x21: {  	s3 =	sadd.s32 s3, s9;
	s6 =	sadd.s32 @!p0 $0x88, s6;
	s7 =	simm.s32 @p2 $0x1082  }
0x22: {  	[simem:s7], [sflag:s8] =	dma.local @!p0 [hbm:s6], $0xF7A  }
0x23: {  	s9 =	sor.u32 $0xD0000000, s2;
	s6 =	simm.s32 $0x108;
	_ =	swait.ge @!p0 [sflag:s8], $0x0  }
0x24: {  	s3 =	sadd.s32 $0x88, s3;
	s6 =	simm.s32 @!p1 $0x1082;
	[sflag:s4] =	ssyncset.s32 $0xFFFFF086  }
0x25: {  	[simem:s6], [sflag:s4] =	dma.local [hbm:s3], $0xF7A  }
0x26: {  	[smem:$0x3F98] =	sst s1;
	(tag) =	ssettag s2;
	_ =	strace s9  }
0x27: {  	s1 =	sld [smem:$0x3FA8]  }
0x28: {  	s2 =	sld [smem:$0x3FA9]  }
0x29: {  	s4 =	sld [smem:$0x3FAB]  }
0x2a: {  	p0 =	seq.s32 s5, $0x0;
	s5 =	sld [smem:$0x3FAC]  }
0x2b: {  	s6 =	sld [smem:$0x3FAD]  }
0x2c: {  	s7 =	sld [smem:$0x3FAE]  }
0x2d: {  	s3 =	simm.s32 $0x108;
	s8 =	sld [smem:$0x3FAF]  }
0x2e: {  	s3 =	simm.s32 @!p0 $0x1082;
	s9 =	sld [smem:$0x3FB0]  }
0x2f: {  	lr =	sadd.s32 s0, s3;
	s0 =	sld [smem:$0x3FA7]  }
0x30: {  	s3 =	sld [smem:$0x3FAA]  }
0x31: {  	[smem:$0x3FB3] =	sst s10  }
0x32: {  	s10 =	sld [smem:$0x3FB1];
	_ =	sdelay $0x3  }
0x33: {  	p0 =	seq.s32 s10, $0x1;
	s10 =	sld [smem:$0x3FB3];
	_ =	sdelay $0x3  }
0x34: {  	[smem:$0x3FB3] =	sst s10  }
0x35: {  	s10 =	sld [smem:$0x3FB2];
	_ =	sdelay $0x3  }
0x36: {  	p1 =	seq.s32 s10, $0x1;
	s10 =	sld [smem:$0x3FB3];
	_ =	sdelay $0x3  }
0x37: {  	[smem:$0x3FB3] =	sst s10  }
0x38: {  	s10 =	sld [smem:$0x3FB4]  }
0x39: {  	_ = 	snop;
	(pc) =	sbr.ind lr, $3  }
0x3a: {  	_ = 	snop  }
0x3b: {  	_ = 	snop  }
0x3c: {  	p2 =	seq.s32 s10, $0x1;
	s10 =	sld [smem:$0x3FB3]  }
0x3d: {  	_ =	shalt  }
0x3e: {  	_ =	shalt  }
0x3f: {  	_ =	shalt  }
0x40: {  	_ =	shalt  }
0x41: {  	_ =	shalt  }
0x42: {  	_ =	shalt  }
0x43: {  	_ =	shalt  }
0x44: {  	_ =	shalt  }
0x45: {  	_ =	shalt  }
0x46: {  	_ =	shalt  }
0x47: {  	_ =	shalt  }
0x48: {  	_ =	shalt  }
0x49: {  	_ =	shalt  }
0x4a: {  	_ =	shalt  }
0x4b: {  	_ =	shalt  }
0x4c: {  	_ =	shalt  }
0x4d: {  	_ =	shalt  }
0x4e: {  	_ =	shalt  }
0x4f: {  	_ =	shalt  }
0x50: {  	_ =	shalt  }
0x51: {  	_ =	shalt  }
0x52: {  	_ =	shalt  }
0x53: {  	_ =	shalt  }
0x54: {  	_ =	shalt  }
0x55: {  	_ =	shalt  }
0x56: {  	_ =	shalt  }
0x57: {  	_ =	shalt  }
0x58: {  	_ =	shalt  }
0x59: {  	_ =	shalt  }
0x5a: {  	_ =	shalt  }
0x5b: {  	_ =	shalt  }
0x5c: {  	_ =	shalt  }
0x5d: {  	_ =	shalt  }
0x5e: {  	_ =	shalt  }
0x5f: {  	_ =	shalt  }
0x60: {  	_ =	shalt  }
0x61: {  	_ =	shalt  }
0x62: {  	_ =	shalt  }
0x63: {  	_ =	shalt  }
0x64: {  	_ =	shalt  }
0x65: {  	_ =	shalt  }
0x66: {  	_ =	shalt  }
0x67: {  	_ =	shalt  }
0x68: {  	_ =	shalt  }
0x69: {  	_ =	shalt  }
0x6a: {  	_ =	shalt  }
0x6b: {  	_ =	shalt  }
0x6c: {  	_ =	shalt  }
0x6d: {  	_ =	shalt  }
0x6e: {  	_ =	shalt  }
0x6f: {  	_ =	shalt  }
0x70: {  	_ =	shalt  }
0x71: {  	_ =	shalt  }
0x72: {  	_ =	shalt  }
0x73: {  	_ =	shalt  }
0x74: {  	_ =	shalt  }
0x75: {  	_ =	shalt  }
0x76: {  	_ =	shalt  }
0x77: {  	_ =	shalt  }
0x78: {  	_ =	shalt  }
0x79: {  	_ =	shalt  }
0x7a: {  	_ =	shalt  }
0x7b: {  	_ =	shalt  }
0x7c: {  	_ =	shalt  }
0x7d: {  	_ =	shalt  }
0x7e: {  	_ =	shalt  }
0x7f: {  	_ =	shalt  }
0x80: {  	_ =	shalt  }
0x81: {  	_ =	shalt  }
0x82: {  	_ =	shalt  }
0x83: {  	_ =	shalt  }
0x84: {  	_ =	shalt  }
0x85: {  	_ =	shalt  }
0x86: {  	_ =	shalt  }
0x87: {  	_ =	shalt  }
.Lfunc_end0:
.L_simem_size_0:
called_computation.2_lowered:
.L_overlay_start_0:
0x88: {  	s2 =	sld [smem:$0x3FD9]  }
0x89: {  	s3 =	sld [smem:$0x3FFE];
	_ =	sdelay $0x1  }
0x8a: {  	s1 =	srdreg.scid  }
0x8b: {  	s0 =	sand.u32 $0x1, s1  }
0x8c: {  	s17 =	sshll.u32 s0, $0xA;
	s2 =	sadd.s32 s3, s2  }
0x8d: {  	s2 =	sadd.s32 s2, s17  }
0x8e: {  	[smem:$0x3FBF] =	sst s2  }
0x8f: {  	_ = 	snop  }
0x90: {  	s2 =	sld [smem:$0x3FC7];
	(tm) =	ssettm $0x1  }
0x91: {  	s18 =	sld [smem:$0x3FFB];
	_ =	sdelay $0x3  }
0x92: {  	_ =	strace s18  }
0x93: {  	s3 =	sld [smem:$0x3FFC];
	_ =	sdelay $0x3  }
0x94: {  	_ =	strace s3  }
0x95: {  	s3 =	sld [smem:$0x3FFD];
	_ =	sdelay $0x3  }
0x96: {  	_ =	strace s3  }
0x97: {  	_ =	strace $0x8FFFFFFF  }
0x98: {  	s19 =	sld [smem:$0x3FDB];
	_ =	sdelay $0x1  }
0x99: {  	s4 =	simm.s32 $_scs_section_size  }
0x9a: {  	s5 =	simm.s32 $_size__tile_overlayer_lowered;
	s6 =	simm.s32 $_tile_overlayer_lowered  }
0x9b: {  	s22 =	simm.s32 $0x1BFF;
	s21 =	sshll.u32 s6, $0x1;
	s3 =	sadd.s32 s4, s19  }
0x9c: {  	s7 =	simm.s32 $0x0;
	s20 =	sshll.u32 s5, $0x1;
	s5 =	sadd.s32 s21, s3  }
0x9d: {  	[timem:s7], [sflag:s22] =	dma.local [hbm:s5], s20  }
0x9e: {  	_ =	swait.ge [sflag:s22], s20  }
0x9f: {  	s4 =	ssub.s32 $0x0, s20;
	[sflag:s22] =	ssyncset.done $0x0  }
0xa0: {  	[sflag:s22] =	ssyncadd.s32 s4;
	_ =	sdelay $0x1  }
0xa1: {  	s23 =	simm.s32 $0x1B8B  }
0xa2: {  	_ =	swait.ge [sflag:s23], $0x1  }
0xa3: {  	[sflag:s23] =	ssyncset.done $0x0  }
0xa4: {  	s25 =	simm.s32 $0x1B8E;
	s24 =	sld [smem:$0x3FFE];
	[sflag:s23] =	ssyncadd.s32 $0xFFFFFFFF  }
0xa5: {  	s26 =	simm.s32 $execute0_lowered;
	[smem:$0x3FD2] =	sst s25  }
0xa6: {  	s5 =	sshll.u32 s26, $0x1;
	_ =	strace $0x8000004C;
	[dreg:$0x1] =	wrdreg $0xFFFFFFFF  }
0xa7: {  	s28 =	simm.s32 $_size_execute0_lowered;
	s3 =	sadd.s32 s3, s5;
	[dreg:$0x0] =	wrdreg $0x0  }
0xa8: {  	s5 =	sshll.u32 s28, $0x1;
	[dreg:$0x2] =	wrdreg s3  }
0xa9: {  	[dreg:$0x3] =	wrdreg s5  }
0xaa: {  	[dreg:$0x4] =	wrdreg $0xC0  }
0xab: {  	_ =	task [dreg:s7], $0x5FFFF  }
0xac: {  	[dreg:$0x1] =	wrdreg $0xFFFFFFFF  }
0xad: {  	[dreg:$0x0] =	wrdreg $0x60  }
0xae: {  	[dreg:$0x2] =	wrdreg s24  }
0xaf: {  	[dreg:$0x3] =	wrdreg s2  }
0xb0: {  	[dreg:$0x4] =	wrdreg $0x28800  }
0xb1: {  	[dreg:$0x5] =	wrdreg $0x9  }
0xb2: {  	_ =	task.clear_ibuf [dreg:s7], $0x6FFFF;
	_ =	strace $0x9000004C  }
0xb3: {  	s29 =	simm.s32 $0x9;
	_ =	strace $0x8000004E  }
0xb4: {  	_ =	swait.ge [sflag:s29], $0x1  }
0xb5: {  	[sflag:s29] =	ssyncadd.s32 $0xFFFFFFFF  }
0xb6: {  	_ =	strace $0x9000004E  }
0xb7: {  	_ =	sfence  }
0xb8: {  	s30 =	sld [smem:$0x0];
	_ =	sdelay $0x2  }
0xb9: {  	s31 =	sshll.u32 s1, $0xD;
	s1 =	sshrl.u32 s1, $0x2  }
0xba: {  	s3 =	sand.u32 $0x4000, s31;
	s1 =	sadd.s32 s1, s30  }
0xbb: {  	s0 =	sor.u32 s3, s0;
	s1 =	sshll.u32 s1, $0x11  }
0xbc: {  	s0 =	sor.u32 s1, s0  }
0xbd: {  	s0 =	sadd.s32 $0x8F2B, s0  }
0xbe: {  	[sflag:s0] =	ssyncadd.remote.s32 $0x1  }
0xbf: {  	_ =	sfence.sel $0xFFFF  }
0xc0: {  	[dreg:$0x0] =	wrdreg $0xFFFFFFFF;
	(pc) =	sbr.abs _section_cstart, $3  }
0xc1: {  	[dreg:$0x1] =	wrdreg $0xFFFFFFFF  }
0xc2: {  	_ =	task.clear_ibuf [dreg:s7], $0x2FFFF;
	_ =	strace $0x9FFFFFFF  }
0xc3: {  	(tm) =	ssettm $0x7FFFFFFF  }
tec
execute0_lowered:
.L_overlay_start_1:
0x0: {  	(tag) =	ssettag $0x1  }
0x1: {  	s0 =	srdreg.scid;
	s17 =	stileid.u32  }
0x2: {  	s1 =	stileid.u32;
	s3 =	sand.u32 $0x1, s0;
	s15 =	sshll.u32 s17, $0x3  }
0x3: {  	s17 =	smul.u32 $0x14000, s17;
	s0 =	sshll.u32 s3, $0x4;
	s19 =	sor.u32 $0x1, s15  }
0x4: {  	s9 =	rddreg [dreg:$0x0];
	s1 =	sor.u32 s1, s0;
	s24 =	smul.u32 $0x2800, s19  }
0x5: {  	s8 =	rddreg [dreg:$0x1];
	s4 =	smul.u32 $0x28, s1  }
0x6: {  	s12 =	sadd.s32 $0x2E00, s9;
	s5 =	smul.u32 $0x1400, s1;
	s18 =	sshllo.u32 s1, $0x2  }
0x7: {  	s31 =	sadd.s32 $0x2A000, s9;
	s0 =	sshll.u32 s1, $0x2;
	s13 =	smul.u32 $0xA, s18  }
0x8: {  	s26 =	ssub.s32 $0x2, s3;
	s2 =	sor.u32 $0x1, s0;
	s16 =	smul.u32 $0x500, s18  }
0x9: {  	s20 =	sor.u32 $0x2, s15;
	s21 =	sor.u32 $0x3, s15;
	s6 =	smul.u32 $0xA, s2  }
0xa: {  	s22 =	sor.u32 $0x4, s15;
	s14 =	sshrl.u32 s26, $0x1;
	s7 =	smul.u32 $0x500, s2  }
0xb: {  	s2 =	sor.u32 $0x2, s0;
	s0 =	ssub.s32 s26, s14;
	s14 =	smul.u32 $0x138800, s3  }
0xc: {  	s23 =	sor.u32 $0x5, s15;
	p0 =	seq.s32 s1, $0x1F;
	s10 =	smul.u32 $0xA, s2  }
0xd: {  	s4 =	sadd.s32 s8, s4;
	s11 =	smul.u32 $0x500, s2;
	[dreg:$0xa] =	wrdreg s0  }
0xe: {  	p2 =	sgt.u32 s18, $0x7C;
	s0 =	stileid.u32;
	[dreg:$0x4] =	wrdreg s4  }
0xf: {  	s4 =	sadd.s32 s8, s13;
	s13 =	smul.u32 $0x2800, s22;
	p1 =	sgt.u32 s2, $0x7C  }
0x10: {  	s25 =	sadd.s32 s8, s6;
	[dreg:$0x7] =	wrdreg s4;
	s28 =	sshllo.u32 s0, $0x3  }
0x11: {  	s6 =	sadd.s32 s12, s5;
	[dreg:$0x5] =	wrdreg s25;
	s25 =	smul.u32 $0x2800, s20  }
0x12: {  	s3 =	sadd.s32 s14, s24;
	s26 =	sadd.s32 s8, s10;
	s10 =	smul.u32 $0x2800, s21  }
0x13: {  	s8 =	sadd.s32 s12, s7;
	s7 =	sadd.s32 s12, s11;
	s11 =	smul.u32 $0x2800, s23  }
0x14: {  	p5 =	seq.s32 s0, $0xF;
	[dreg:$0x8] =	wrdreg s6;
	s4 =	smul.u32 $0x2800, s28  }
0x15: {  	s13 =	sadd.s32 s14, s13;
	p4 =	sgt.u32 s28, $0x7C;
	[dreg:$0x6] =	wrdreg s26  }
0x16: {  	s26 =	sor.u32 $0x6, s15;
	[dreg:$0x9] =	wrdreg s8;
	s8 =	sadd.s32 s12, s16  }
0x17: {  	s16 =	sadd.s32 s17, s14;
	s13 =	sshrl.u32 s13, $0x3;
	s15 =	smul.u32 $0x2800, s26  }
0x18: {  	s5 =	sadd.s32 s14, s25;
	s6 =	sadd.s32 s14, s10;
	s29 =	sadd.s32 s14, s11  }
0x19: {  	s17 =	sadd.s32 s14, s4;
	s13 =	sadd.s32 s31, s13;
	p3 =	sgt.u32 s26, $0x7C  }
0x1a: {  	s26 =	smul.u32 $0xA000, s26;
	s24 =	sshrl.u32 s5, $0x3;
	s25 =	sshrl.u32 s6, $0x3  }
0x1b: {  	s5 =	sshrl.u32 s17, $0x3;
	s17 =	simm.s32 $0x0;
	s6 =	smul.u32 $0xA000, s19  }
0x1c: {  	s19 =	rddreg [dreg:$0x2];
	s30 =	sadd.s32 s14, s15;
	s15 =	sshrl.u32 s16, $0x3  }
0x1d: {  	s16 =	sshrl.u32 s3, $0x3;
	s11 =	sadd.s32 s31, s24;
	s12 =	sadd.s32 s31, s25  }
0x1e: {  	s3 =	sshrl.u32 s29, $0x3;
	[smem:$0x7FF] =	sst s17;
	s24 =	smul.u32 $0x50000, s0  }
0x1f: {  	s25 =	smul.u32 $0xA000, s20;
	s0 =	simm.s32 $0x0;
	s9 =	sadd.s32 s31, s15  }
0x20: {  	s10 =	sadd.s32 s31, s16;
	s14 =	sadd.s32 s31, s3;
	s4 =	sshrl.u32 s30, $0x3  }
0x21: {  	s16 =	sadd.s32 s31, s5;
	_ =	strace $0x8000004D;
	s3 =	smul.u32 $0xA000, s21  }
0x22: {  	s1 =	sshrl.u32 s6, $0x2;
	s6 =	smul.u32 $0xA000, s23;
	s30 =	simm.s32 $0x80  }
0x23: {  	s15 =	sadd.s32 s31, s4;
	s2 =	sshrl.u32 s24, $0x2;
	s4 =	smul.u32 $0xA000, s22  }
0x24: {  	s21 =	sadd.s32 s1, s19;
	s5 =	sshrl.u32 s25, $0x2;
	s18 =	rddreg [dreg:$0xa]  }
0x25: {  	s31 =	simm.s32 $0x1;
	s20 =	sadd.s32 s2, s19;
	s25 =	sshrl.u32 s3, $0x2  }
0x26: {  	s3 =	smul.u32 $0xA000, s28;
	s22 =	sadd.s32 s5, s19;
	s5 =	sshrl.u32 s26, $0x2  }
0x27: {  	s29 =	smax.u32 s18, $0x1;
	s2 =	sshrl.u32 s4, $0x2;
	s23 =	sadd.s32 s25, s19  }
0x28: {  	s4 =	sshrl.u32 s6, $0x2;
	s26 =	sadd.s32 s5, s19;
	s6 =	sshrl.u32 s3, $0x2  }
0x29: {  	v0 =	vimm.f32 $0.0e+00;
	s24 =	sadd.s32 s2, s19;
	s25 =	sadd.s32 s4, s19;
	s28 =	sadd.s32 s6, s19  }
.LBB2_1:
0x2a: {  	s1 =	sand.u32 $0xFE00, s17  }
0x2b: {  	s2 =	sand.u32 $0x70, s17;
	s18 =	sshrl.u32 s1, $0x2  }
0x2c: {  	s1 =	simm.s32 $0x40;
	s18 =	sor.u32 s2, s18;
	s2 =	simm.s32 $0x0  }
.LBB2_2:
0x2d: {  	p6 =	sne.s32 s1, $0x9FC0  }
0x2e: {  	[tilespmem:s18+$0x80] =	vst v0;
	s2 =	sadd.s32 $0x10, s2;
	s18 =	smov.u32 s1;
	s1 =	sadd.s32 $0x40, s1  }
.Ltmp0:
0x2f: {  	(pc) =	sbr.rel @p6 .LBB2_2-.Ltmp0, $4  }
0x30: {  	_ = 	snop  }
0x31: {  	s18 =	sand.u32 $0xFE00, s18  }
0x32: {  	s3 =	sand.u32 $0x70, s2;
	s18 =	sshrl.u32 s18, $0x2  }
0x33: {  	s18 =	sor.u32 s3, s18  }
0x34: {  	[tilespmem:s18+$0x80] =	vst v0  }
0x35: {  	[spmem:s20] =	stream.linear.scatter [tilespmem:s30], [sflag:$0x1], $0x2800, $0x38;
	[tilespmem:$0x16100] =	vst v63  }
0x36: {  	_ =	swait.ge [sflag:s31], $0x2800  }
0x37: {  	[sflag:s31] =	ssyncset.done $0x0  }
0x38: {  	[sflag:s31] =	ssyncadd.s32 $0xFFFFD800  }
0x39: {  	[spmem:s21] =	stream.linear.scatter [tilespmem:s30], [sflag:$0x1], $0x2800, $0x38;
	[tilespmem:$0x16100] =	vst v63  }
0x3a: {  	_ =	swait.ge [sflag:s31], $0x2800  }
0x3b: {  	[sflag:s31] =	ssyncset.done $0x0  }
0x3c: {  	[sflag:s31] =	ssyncadd.s32 $0xFFFFD800  }
0x3d: {  	[spmem:s22] =	stream.linear.scatter [tilespmem:s30], [sflag:$0x1], $0x2800, $0x38;
	[tilespmem:$0x16100] =	vst v63  }
0x3e: {  	_ =	swait.ge [sflag:s31], $0x2800  }
0x3f: {  	[sflag:s31] =	ssyncset.done $0x0  }
0x40: {  	[sflag:s31] =	ssyncadd.s32 $0xFFFFD800  }
0x41: {  	[spmem:s23] =	stream.linear.scatter [tilespmem:s30], [sflag:$0x1], $0x2800, $0x38;
	[tilespmem:$0x16100] =	vst v63  }
0x42: {  	_ =	swait.ge [sflag:s31], $0x2800  }
0x43: {  	[sflag:s31] =	ssyncset.done $0x0  }
0x44: {  	[sflag:s31] =	ssyncadd.s32 $0xFFFFD800  }
0x45: {  	[spmem:s24] =	stream.linear.scatter [tilespmem:s30], [sflag:$0x1], $0x2800, $0x38;
	[tilespmem:$0x16100] =	vst v63  }
0x46: {  	_ =	swait.ge [sflag:s31], $0x2800  }
0x47: {  	[sflag:s31] =	ssyncset.done $0x0  }
0x48: {  	s1 =	simm.s32 @!p5 $0x80;
	s18 =	simm.s32 @!p5 $0x1;
	[sflag:s31] =	ssyncadd.s32 $0xFFFFD800  }
0x49: {  	[spmem:s25] =	stream.linear.scatter @!p5 [tilespmem:s1], [sflag:$0x1], $0x2800, $0x38;
	[tilespmem:$0x16100] =	vst v63  }
0x4a: {  	_ =	swait.ge @!p5 [sflag:s18], $0x2800  }
0x4b: {  	[sflag:s18] =	ssyncset.done @!p5 $0x0  }
0x4c: {  	s2 =	simm.s32 @!p3 $0x1;
	s1 =	simm.s32 @!p3 $0x80;
	[sflag:s18] =	ssyncadd.s32 @!p5 $0xFFFFD800  }
0x4d: {  	[spmem:s26] =	stream.linear.scatter @!p3 [tilespmem:s1], [sflag:$0x1], $0x2800, $0x38;
	[tilespmem:$0x16100] =	vst v63  }
0x4e: {  	_ =	swait.ge @!p3 [sflag:s2], $0x2800  }
0x4f: {  	[sflag:s2] =	ssyncset.done @!p3 $0x0  }
0x50: {  	s1 =	simm.s32 @!p4 $0x80;
	[sflag:s2] =	ssyncadd.s32 @!p3 $0xFFFFD800  }
0x51: {  	[spmem:s28] =	stream.linear.scatter @!p4 [tilespmem:s1], [sflag:$0x1], $0x2800, $0x38;
	[tilespmem:$0x16100] =	vst v63  }
0x52: {  	s1 =	simm.s32 @!p4 $0x1  }
0x53: {  	_ =	swait.ge @!p4 [sflag:s1], $0x2800  }
0x54: {  	[sflag:s1] =	ssyncset.done @!p4 $0x0  }
0x55: {  	[sflag:s1] =	ssyncadd.s32 @!p4 $0xFFFFD800  }
0x56: {  	[bflag:$0x0] =	sbarrier.arrive $0xFFFF  }
0x57: {  	s3 =	rddreg [dreg:$0x4]  }
0x58: {  	[tilespmem:s17], [sflag:$0x1] =	stream.linear.gather [hbm4b:s3+s17], $0x50, $0x38;
	[tilespmem:$0x16100] =	vst v63  }
0x59: {  	_ =	swait.ge [sflag:s31], $0x50  }
0x5a: {  	[sflag:s31] =	ssyncset.done $0x0  }
0x5b: {  	s6 =	rddreg [dreg:$0x8];
	[sflag:s31] =	ssyncadd.s32 $0xFFFFFFB0  }
0x5c: {  	[tilespmem:s30], [sflag:$0x1] =	stream.linear.gather [hbm4b:s6+s17], $0x2800, $0x38;
	[tilespmem:$0x16100] =	vst v63  }
0x5d: {  	_ =	swait.ge [sflag:s31], $0x2800  }
0x5e: {  	[sflag:s31] =	ssyncset.done $0x0  }
0x5f: {  	s4 =	simm.s32 $0x50;
	[sflag:s31] =	ssyncadd.s32 $0xFFFFD800  }
0x60: {  	[spmem:s19] =	stream.indirect.scatter.add.f32 [tilespmem:s30], [sflag:$0x1], $0x80, s17, s4, $0xb8;
	[tilespmem:$0x16100] =	vst v63  }
0x61: {  	_ =	swait.ge [sflag:s31], $0x2800  }
0x62: {  	[sflag:s31] =	ssyncset.done $0x0  }
0x63: {  	s3 =	simm.s32 @!p0 $0x0;
	s4 =	rddreg [dreg:$0x5];
	[sflag:s31] =	ssyncadd.s32 $0xFFFFD800  }
0x64: {  	[tilespmem:s3], [sflag:$0x1] =	stream.linear.gather @!p0 [hbm4b:s4+s3], $0x50, $0x38;
	[tilespmem:$0x16100] =	vst v63  }
0x65: {  	s4 =	simm.s32 @!p0 $0x1  }
0x66: {  	_ =	swait.ge @!p0 [sflag:s4], $0x50  }
0x67: {  	[sflag:s4] =	ssyncset.done @!p0 $0x0  }
0x68: {  	s5 =	simm.s32 @!p0 $0x80;
	s6 =	rddreg [dreg:$0x9];
	[sflag:s4] =	ssyncadd.s32 @!p0 $0xFFFFFFB0  }
0x69: {  	[tilespmem:s5], [sflag:$0x1] =	stream.linear.gather @!p0 [hbm4b:s6+s3], $0x2800, $0x38;
	[tilespmem:$0x16100] =	vst v63  }
0x6a: {  	_ =	swait.ge @!p0 [sflag:s4], $0x2800  }
0x6b: {  	[sflag:s4] =	ssyncset.done @!p0 $0x0  }
0x6c: {  	s6 =	simm.s32 @!p0 $0x50;
	[sflag:s4] =	ssyncadd.s32 @!p0 $0xFFFFD800  }
0x6d: {  	[spmem:s19] =	stream.indirect.scatter.add.f32 @!p0 [tilespmem:s5], [sflag:$0x1], $0x80, s3, s6, $0xb8;
	[tilespmem:$0x16100] =	vst v63  }
0x6e: {  	_ =	swait.ge @!p0 [sflag:s4], $0x2800  }
0x6f: {  	[sflag:s4] =	ssyncset.done @!p0 $0x0  }
0x70: {  	s3 =	simm.s32 @!p1 $0x0;
	[sflag:s4] =	ssyncadd.s32 @!p0 $0xFFFFD800;
	s4 =	rddreg [dreg:$0x6]  }
0x71: {  	[tilespmem:s3], [sflag:$0x1] =	stream.linear.gather @!p1 [hbm4b:s4+s3], $0x50, $0x38;
	[tilespmem:$0x16100] =	vst v63  }
0x72: {  	s4 =	simm.s32 @!p1 $0x1  }
0x73: {  	_ =	swait.ge @!p1 [sflag:s4], $0x50  }
0x74: {  	[sflag:s4] =	ssyncset.done @!p1 $0x0  }
0x75: {  	s5 =	simm.s32 @!p1 $0x80;
	[sflag:s4] =	ssyncadd.s32 @!p1 $0xFFFFFFB0  }
0x76: {  	[tilespmem:s5], [sflag:$0x1] =	stream.linear.gather @!p1 [hbm4b:s7+s3], $0x2800, $0x38;
	[tilespmem:$0x16100] =	vst v63  }
0x77: {  	_ =	swait.ge @!p1 [sflag:s4], $0x2800  }
0x78: {  	[sflag:s4] =	ssyncset.done @!p1 $0x0  }
0x79: {  	s6 =	simm.s32 @!p1 $0x50;
	[sflag:s4] =	ssyncadd.s32 @!p1 $0xFFFFD800  }
0x7a: {  	[spmem:s19] =	stream.indirect.scatter.add.f32 @!p1 [tilespmem:s5], [sflag:$0x1], $0x80, s3, s6, $0xb8;
	[tilespmem:$0x16100] =	vst v63  }
0x7b: {  	_ =	swait.ge @!p1 [sflag:s4], $0x2800  }
0x7c: {  	[sflag:s4] =	ssyncset.done @!p1 $0x0  }
0x7d: {  	s3 =	simm.s32 @!p2 $0x0;
	[sflag:s4] =	ssyncadd.s32 @!p1 $0xFFFFD800;
	s4 =	rddreg [dreg:$0x7]  }
0x7e: {  	[tilespmem:s3], [sflag:$0x1] =	stream.linear.gather @!p2 [hbm4b:s4+s3], $0x50, $0x38;
	[tilespmem:$0x16100] =	vst v63  }
0x7f: {  	s4 =	simm.s32 @!p2 $0x1  }
0x80: {  	_ =	swait.ge @!p2 [sflag:s4], $0x50  }
0x81: {  	[sflag:s4] =	ssyncset.done @!p2 $0x0  }
0x82: {  	s5 =	simm.s32 @!p2 $0x80;
	[sflag:s4] =	ssyncadd.s32 @!p2 $0xFFFFFFB0  }
0x83: {  	[tilespmem:s5], [sflag:$0x1] =	stream.linear.gather @!p2 [hbm4b:s8+s3], $0x2800, $0x38;
	[tilespmem:$0x16100] =	vst v63  }
0x84: {  	_ =	swait.ge @!p2 [sflag:s4], $0x2800  }
0x85: {  	[sflag:s4] =	ssyncset.done @!p2 $0x0  }
0x86: {  	s6 =	simm.s32 @!p2 $0x50;
	[sflag:s4] =	ssyncadd.s32 @!p2 $0xFFFFD800  }
0x87: {  	[spmem:s19] =	stream.indirect.scatter.add.f32 @!p2 [tilespmem:s5], [sflag:$0x1], $0x80, s3, s6, $0xb8;
	[tilespmem:$0x16100] =	vst v63  }
0x88: {  	_ =	swait.ge @!p2 [sflag:s4], $0x2800  }
0x89: {  	s5 =	stileid.u32;
	[sflag:s4] =	ssyncset.done @!p2 $0x0  }
0x8a: {  	s3 =	sshll.u32 s5, $0x6;
	[sflag:s4] =	ssyncadd.s32 @!p2 $0xFFFFD800  }
0x8b: {  	s6 =	sshrl.u32 s20, $0x3;
	s3 =	sor.u32 $0x1C01, s3;
	[bflag:$0x0] =	sbarrier.arrive $0xFFFF  }
0x8c: {  	[hbm:s9], [sflag:s3] =	dma.local [spmem:s6], $0x500  }
0x8d: {  	_ =	swait.ge [sflag:s31], $0x500  }
0x8e: {  	[sflag:s31] =	ssyncset.done $0x0  }
0x8f: {  	s5 =	sshrl.u32 s21, $0x3;
	[sflag:s31] =	ssyncadd.s32 $0xFFFFFB00  }
0x90: {  	[hbm:s10], [sflag:s3] =	dma.local [spmem:s5], $0x500  }
0x91: {  	_ =	swait.ge [sflag:s31], $0x500  }
0x92: {  	[sflag:s31] =	ssyncset.done $0x0  }
0x93: {  	s6 =	sshrl.u32 s22, $0x3;
	[sflag:s31] =	ssyncadd.s32 $0xFFFFFB00  }
0x94: {  	[hbm:s11], [sflag:s3] =	dma.local [spmem:s6], $0x500  }
0x95: {  	_ =	swait.ge [sflag:s31], $0x500  }
0x96: {  	[sflag:s31] =	ssyncset.done $0x0  }
0x97: {  	s5 =	sshrl.u32 s23, $0x3;
	[sflag:s31] =	ssyncadd.s32 $0xFFFFFB00  }
0x98: {  	[hbm:s12], [sflag:s3] =	dma.local [spmem:s5], $0x500  }
0x99: {  	_ =	swait.ge [sflag:s31], $0x500  }
0x9a: {  	[sflag:s31] =	ssyncset.done $0x0  }
0x9b: {  	s6 =	sshrl.u32 s24, $0x3;
	[sflag:s31] =	ssyncadd.s32 $0xFFFFFB00  }
0x9c: {  	[hbm:s13], [sflag:s3] =	dma.local [spmem:s6], $0x500  }
0x9d: {  	_ =	swait.ge [sflag:s31], $0x500  }
0x9e: {  	[sflag:s31] =	ssyncset.done $0x0  }
0x9f: {  	s4 =	sshrl.u32 @!p5 s25, $0x3;
	[sflag:s31] =	ssyncadd.s32 $0xFFFFFB00  }
0xa0: {  	[hbm:s14], [sflag:s3] =	dma.local @!p5 [spmem:s4], $0x500  }
0xa1: {  	_ =	swait.ge @!p5 [sflag:s18], $0x500  }
0xa2: {  	[sflag:s18] =	ssyncset.done @!p5 $0x0  }
0xa3: {  	s4 =	sshrl.u32 @!p3 s26, $0x3;
	[sflag:s18] =	ssyncadd.s32 @!p5 $0xFFFFFB00  }
0xa4: {  	[hbm:s15], [sflag:s3] =	dma.local @!p3 [spmem:s4], $0x500  }
0xa5: {  	s0 =	sadd.s32 $0x1, s0;
	_ =	swait.ge @!p3 [sflag:s2], $0x500  }
0xa6: {  	p6 =	sne.s32 s0, s29;
	[sflag:s2] =	ssyncset.done @!p3 $0x0  }
.Ltmp1:
0xa7: {  	[sflag:s2] =	ssyncadd.s32 @!p3 $0xFFFFFB00;
	s2 =	sshrl.u32 @!p4 s28, $0x3;
	(pc) =	sbr.rel @p6 .LBB2_1-.Ltmp1, $4  }
0xa8: {  	[hbm:s16], [sflag:s3] =	dma.local @!p4 [spmem:s2], $0x500  }
0xa9: {  	_ =	swait.ge @!p4 [sflag:s1], $0x500  }
0xaa: {  	[sflag:s1] =	ssyncset.done @!p4 $0x0  }
0xab: {  	[sflag:s1] =	ssyncadd.s32 @!p4 $0xFFFFFB00  }
0xac: {  	_ =	sfence.sel $0x180000  }
0xad: {  	[bflag:$0x0] =	sbarrier.arrive $0xFFFF  }
0xae: {  	_ =	strace $0x9000004D  }
0xaf: {  	s0 =	stileid.u32;
	[bflag:$0x2] =	sbarrier.arrive $0xFFFF  }
0xb0: {  	p0 =	sne.s32 s0, $0x0;
	s0 =	rddreg [dreg:$0x3]  }
0xb1: {  	s0 =	sadd.s32 @!p0 $0x100000, s0  }
0xb2: {  	[sflag:s0] =	ssyncadd.tile.s32 @!p0 $0x1;
	_ =	shalt  }
.Lfunc_end2:
_tile_overlayer_lowered:
.L_overlay_start_2:
0xb3: {  	(tag) =	ssettag $0x2  }
0xb4: {  	s0 =	rddreg [dreg:$0x0];
	s2 =	stileid.u32  }
0xb5: {  	s1 =	rddreg [dreg:$0x1];
	p0 =	sne.s32 s2, $0x0  }
0xb6: {  	s3 =	rddreg [dreg:$0x2];
	[bflag:$0x3] =	sbarrier.arrive $0xFFFF;
	s2 =	simm.s32 @!p0 $0x1C01  }
0xb7: {  	[timem:s3], [sflag:s2] =	dma.local @!p0 [hbm:s0], s1  }
0xb8: {  	s0 =	simm.s32 @!p0 $0x1  }
0xb9: {  	_ =	swait.ge @!p0 [sflag:s0], s1  }
0xba: {  	s1 =	ssub.s32 @!p0 $0x0, s1;
	[sflag:s0] =	ssyncset.done @!p0 $0x0  }
0xbb: {  	[sflag:s0] =	ssyncadd.s32 @!p0 s1  }
0xbc: {  	[bflag:$0x3] =	sbarrier.arrive $0xFFFF  }
0xbd: {  	_ =	shalt  }

// kernel: kernel.9.cloned.1.call-start
scs
__scs_entry_jumppad:
0x0: {  	(pc) =	sbr.rel $0x88, $3  }
0x1: {  	(tag) =	ssettag $0x0;
	lr =	simm.s32 $0x1  }
0x2: {  	[smem:$0x3F98] =	sst lr;
	_ =	strace $0xD0000000  }
0x3: {  	_ = 	snop  }
0x4: {  	_ = 	snop  }
0x5: {  	_ = 	snop  }
0x6: {  	_ = 	snop  }
0x7: {  	_ = 	snop  }
__scs_overlays_trampoline_lowered:
0x8: {  	[smem:$0x3FA7] =	sst s0  }
0x9: {  	[smem:$0x3FA8] =	sst s1  }
0xa: {  	[smem:$0x3FA9] =	sst s2  }
0xb: {  	[smem:$0x3FAA] =	sst s3  }
0xc: {  	[smem:$0x3FAB] =	sst s4  }
0xd: {  	[smem:$0x3FAC] =	sst s5  }
0xe: {  	[smem:$0x3FAD] =	sst s6  }
0xf: {  	[smem:$0x3FAE] =	sst s7  }
0x10: {  	[smem:$0x3FAF] =	sst s8  }
0x11: {  	[smem:$0x3FB0] =	sst s9;
	s0 =	simm.s32 @!p0 $0x0  }
0x12: {  	s1 =	sld [smem:$0x3F96];
	s0 =	simm.s32 @p0 $0x1  }
0x13: {  	[smem:$0x3FB1] =	sst s0;
	s0 =	simm.s32 @!p1 $0x0  }
0x14: {  	s2 =	sld [smem:$0x3F95];
	s0 =	simm.s32 @p1 $0x1  }
0x15: {  	[smem:$0x3FB2] =	sst s0;
	s0 =	simm.s32 @!p2 $0x0  }
0x16: {  	s3 =	sld [smem:$0x3FDB];
	s0 =	simm.s32 @p2 $0x1  }
0x17: {  	s4 =	simm.s32 $0x1BF5;
	[smem:$0x3FB4] =	sst s0  }
0x18: {  	s0 =	sld [smem:$0x3F97];
	_ =	swait.ge [sflag:s4], $0x0  }
0x19: {  	s7 =	sld [smem:$0x3F98]  }
0x1a: {  	s8 =	sadd.s32 $0xFFFFE003, lr  }
0x1b: {  	s9 =	sadd.s32 $0xFFFFFEF7, lr;
	s5 =	simm.s32 $0xFFFFFFFF;
	p2 =	slt.u32 s8, $0xFFFFF086  }
0x1c: {  	p1 =	slt.u32 s9, $0xF7A;
	s5 =	simm.s32 @!p2 $0x0  }
0x1d: {  	s5 =	simm.s32 @p1 $0x1;
	p0 =	seq.s32 s7, s2  }
0x1e: {  	s7 =	smul.u32 @!p0 $0xF7A, s2;
	p2 =	seq.s32 @!p0 s5, $0x0  }
0x1f: {  	s9 =	smul.u32 $0xF7A, s1;
	s8 =	simm.s32 @!p0 $0x1BF5;
	p2 =	por !p2, p0  }
0x20: {  	[sflag:s8] =	ssyncset.s32 @!p0 $0xFFFFF086;
	s6 =	sadd.s32 @!p0 s3, s7;
	s7 =	simm.s32 @!p0 $0x108  }
0x21: {  	s3 =	sadd.s32 s3, s9;
	s6 =	sadd.s32 @!p0 $0x88, s6;
	s7 =	simm.s32 @p2 $0x1082  }
0x22: {  	[simem:s7], [sflag:s8] =	dma.local @!p0 [hbm:s6], $0xF7A  }
0x23: {  	s9 =	sor.u32 $0xD0000000, s2;
	s6 =	simm.s32 $0x108;
	_ =	swait.ge @!p0 [sflag:s8], $0x0  }
0x24: {  	s3 =	sadd.s32 $0x88, s3;
	s6 =	simm.s32 @!p1 $0x1082;
	[sflag:s4] =	ssyncset.s32 $0xFFFFF086  }
0x25: {  	[simem:s6], [sflag:s4] =	dma.local [hbm:s3], $0xF7A  }
0x26: {  	[smem:$0x3F98] =	sst s1;
	(tag) =	ssettag s2;
	_ =	strace s9  }
0x27: {  	s1 =	sld [smem:$0x3FA8]  }
0x28: {  	s2 =	sld [smem:$0x3FA9]  }
0x29: {  	s4 =	sld [smem:$0x3FAB]  }
0x2a: {  	p0 =	seq.s32 s5, $0x0;
	s5 =	sld [smem:$0x3FAC]  }
0x2b: {  	s6 =	sld [smem:$0x3FAD]  }
0x2c: {  	s7 =	sld [smem:$0x3FAE]  }
0x2d: {  	s3 =	simm.s32 $0x108;
	s8 =	sld [smem:$0x3FAF]  }
0x2e: {  	s3 =	simm.s32 @!p0 $0x1082;
	s9 =	sld [smem:$0x3FB0]  }
0x2f: {  	lr =	sadd.s32 s0, s3;
	s0 =	sld [smem:$0x3FA7]  }
0x30: {  	s3 =	sld [smem:$0x3FAA]  }
0x31: {  	[smem:$0x3FB3] =	sst s10  }
0x32: {  	s10 =	sld [smem:$0x3FB1];
	_ =	sdelay $0x3  }
0x33: {  	p0 =	seq.s32 s10, $0x1;
	s10 =	sld [smem:$0x3FB3];
	_ =	sdelay $0x3  }
0x34: {  	[smem:$0x3FB3] =	sst s10  }
0x35: {  	s10 =	sld [smem:$0x3FB2];
	_ =	sdelay $0x3  }
0x36: {  	p1 =	seq.s32 s10, $0x1;
	s10 =	sld [smem:$0x3FB3];
	_ =	sdelay $0x3  }
0x37: {  	[smem:$0x3FB3] =	sst s10  }
0x38: {  	s10 =	sld [smem:$0x3FB4]  }
0x39: {  	_ = 	snop;
	(pc) =	sbr.ind lr, $3  }
0x3a: {  	_ = 	snop  }
0x3b: {  	_ = 	snop  }
0x3c: {  	p2 =	seq.s32 s10, $0x1;
	s10 =	sld [smem:$0x3FB3]  }
0x3d: {  	_ =	shalt  }
0x3e: {  	_ =	shalt  }
0x3f: {  	_ =	shalt  }
0x40: {  	_ =	shalt  }
0x41: {  	_ =	shalt  }
0x42: {  	_ =	shalt  }
0x43: {  	_ =	shalt  }
0x44: {  	_ =	shalt  }
0x45: {  	_ =	shalt  }
0x46: {  	_ =	shalt  }
0x47: {  	_ =	shalt  }
0x48: {  	_ =	shalt  }
0x49: {  	_ =	shalt  }
0x4a: {  	_ =	shalt  }
0x4b: {  	_ =	shalt  }
0x4c: {  	_ =	shalt  }
0x4d: {  	_ =	shalt  }
0x4e: {  	_ =	shalt  }
0x4f: {  	_ =	shalt  }
0x50: {  	_ =	shalt  }
0x51: {  	_ =	shalt  }
0x52: {  	_ =	shalt  }
0x53: {  	_ =	shalt  }
0x54: {  	_ =	shalt  }
0x55: {  	_ =	shalt  }
0x56: {  	_ =	shalt  }
0x57: {  	_ =	shalt  }
0x58: {  	_ =	shalt  }
0x59: {  	_ =	shalt  }
0x5a: {  	_ =	shalt  }
0x5b: {  	_ =	shalt  }
0x5c: {  	_ =	shalt  }
0x5d: {  	_ =	shalt  }
0x5e: {  	_ =	shalt  }
0x5f: {  	_ =	shalt  }
0x60: {  	_ =	shalt  }
0x61: {  	_ =	shalt  }
0x62: {  	_ =	shalt  }
0x63: {  	_ =	shalt  }
0x64: {  	_ =	shalt  }
0x65: {  	_ =	shalt  }
0x66: {  	_ =	shalt  }
0x67: {  	_ =	shalt  }
0x68: {  	_ =	shalt  }
0x69: {  	_ =	shalt  }
0x6a: {  	_ =	shalt  }
0x6b: {  	_ =	shalt  }
0x6c: {  	_ =	shalt  }
0x6d: {  	_ =	shalt  }
0x6e: {  	_ =	shalt  }
0x6f: {  	_ =	shalt  }
0x70: {  	_ =	shalt  }
0x71: {  	_ =	shalt  }
0x72: {  	_ =	shalt  }
0x73: {  	_ =	shalt  }
0x74: {  	_ =	shalt  }
0x75: {  	_ =	shalt  }
0x76: {  	_ =	shalt  }
0x77: {  	_ =	shalt  }
0x78: {  	_ =	shalt  }
0x79: {  	_ =	shalt  }
0x7a: {  	_ =	shalt  }
0x7b: {  	_ =	shalt  }
0x7c: {  	_ =	shalt  }
0x7d: {  	_ =	shalt  }
0x7e: {  	_ =	shalt  }
0x7f: {  	_ =	shalt  }
0x80: {  	_ =	shalt  }
0x81: {  	_ =	shalt  }
0x82: {  	_ =	shalt  }
0x83: {  	_ =	shalt  }
0x84: {  	_ =	shalt  }
0x85: {  	_ =	shalt  }
0x86: {  	_ =	shalt  }
0x87: {  	_ =	shalt  }
.Lfunc_end0:
.L_simem_size_0:
called_computation_lowered:
.L_overlay_start_0:
0x88: {  	s2 =	sld [smem:$0x3FD9]  }
0x89: {  	s3 =	sld [smem:$0x3FFE];
	_ =	sdelay $0x1  }
0x8a: {  	s1 =	srdreg.scid  }
0x8b: {  	s0 =	sand.u32 $0x1, s1  }
0x8c: {  	s17 =	sshll.u32 s0, $0xA;
	s2 =	sadd.s32 s3, s2  }
0x8d: {  	s2 =	sadd.s32 s2, s17  }
0x8e: {  	[smem:$0x3FBF] =	sst s2  }
0x8f: {  	_ = 	snop  }
0x90: {  	s2 =	sld [smem:$0x3FD0];
	(tm) =	ssettm $0x1  }
0x91: {  	s18 =	sld [smem:$0x3FFB];
	_ =	sdelay $0x3  }
0x92: {  	_ =	strace s18  }
0x93: {  	s3 =	sld [smem:$0x3FFC];
	_ =	sdelay $0x3  }
0x94: {  	_ =	strace s3  }
0x95: {  	s3 =	sld [smem:$0x3FFD];
	_ =	sdelay $0x3  }
0x96: {  	_ =	strace s3  }
0x97: {  	_ =	strace $0x8FFFFFFF  }
0x98: {  	s19 =	sld [smem:$0x3FDB];
	_ =	sdelay $0x1  }
0x99: {  	s4 =	simm.s32 $_scs_section_size  }
0x9a: {  	s5 =	simm.s32 $_size__tile_overlayer_lowered;
	s6 =	simm.s32 $_tile_overlayer_lowered  }
0x9b: {  	s22 =	simm.s32 $0x1BFF;
	s21 =	sshll.u32 s6, $0x1;
	s3 =	sadd.s32 s4, s19  }
0x9c: {  	s7 =	simm.s32 $0x0;
	s20 =	sshll.u32 s5, $0x1;
	s5 =	sadd.s32 s21, s3  }
0x9d: {  	[timem:s7], [sflag:s22] =	dma.local [hbm:s5], s20  }
0x9e: {  	_ =	swait.ge [sflag:s22], s20  }
0x9f: {  	s4 =	ssub.s32 $0x0, s20;
	[sflag:s22] =	ssyncset.done $0x0  }
0xa0: {  	[sflag:s22] =	ssyncadd.s32 s4;
	_ =	sdelay $0x1  }
0xa1: {  	s23 =	simm.s32 $0x1B8B  }
0xa2: {  	_ =	swait.ge [sflag:s23], $0x1  }
0xa3: {  	[sflag:s23] =	ssyncset.done $0x0  }
0xa4: {  	s25 =	simm.s32 $0x1B8E;
	s24 =	sld [smem:$0x3FFE];
	[sflag:s23] =	ssyncadd.s32 $0xFFFFFFFF  }
0xa5: {  	s26 =	simm.s32 $execute0_lowered;
	[smem:$0x3FD2] =	sst s25  }
0xa6: {  	s5 =	sshll.u32 s26, $0x1;
	_ =	strace $0x80000046;
	[dreg:$0x1] =	wrdreg $0xFFFFFFFF  }
0xa7: {  	s28 =	simm.s32 $_size_execute0_lowered;
	s3 =	sadd.s32 s3, s5;
	[dreg:$0x0] =	wrdreg $0x0  }
0xa8: {  	s5 =	sshll.u32 s28, $0x1;
	[dreg:$0x2] =	wrdreg s3  }
0xa9: {  	[dreg:$0x3] =	wrdreg s5  }
0xaa: {  	[dreg:$0x4] =	wrdreg $0xC0  }
0xab: {  	_ =	task [dreg:s7], $0x5FFFF  }
0xac: {  	[dreg:$0x1] =	wrdreg $0xFFFFFFFF  }
0xad: {  	[dreg:$0x0] =	wrdreg $0x60  }
0xae: {  	[dreg:$0x2] =	wrdreg s24  }
0xaf: {  	[dreg:$0x3] =	wrdreg s2  }
0xb0: {  	[dreg:$0x4] =	wrdreg $0x29000  }
0xb1: {  	[dreg:$0x5] =	wrdreg $0x9  }
0xb2: {  	_ =	task.clear_ibuf [dreg:s7], $0x6FFFF;
	_ =	strace $0x90000046  }
0xb3: {  	s29 =	simm.s32 $0x9;
	_ =	strace $0x80000048  }
0xb4: {  	_ =	swait.ge [sflag:s29], $0x1  }
0xb5: {  	[sflag:s29] =	ssyncadd.s32 $0xFFFFFFFF  }
0xb6: {  	_ =	strace $0x90000048  }
0xb7: {  	_ =	sfence  }
0xb8: {  	s30 =	sld [smem:$0x0];
	_ =	sdelay $0x2  }
0xb9: {  	s31 =	sshll.u32 s1, $0xD;
	s1 =	sshrl.u32 s1, $0x2  }
0xba: {  	s3 =	sand.u32 $0x4000, s31;
	s1 =	sadd.s32 s1, s30  }
0xbb: {  	s0 =	sor.u32 s3, s0;
	s1 =	sshll.u32 s1, $0x11  }
0xbc: {  	s0 =	sor.u32 s1, s0  }
0xbd: {  	s0 =	sadd.s32 $0x8F2B, s0  }
0xbe: {  	[sflag:s0] =	ssyncadd.remote.s32 $0x1  }
0xbf: {  	_ =	sfence.sel $0xFFFF  }
0xc0: {  	[dreg:$0x0] =	wrdreg $0xFFFFFFFF;
	(pc) =	sbr.abs _section_cstart, $3  }
0xc1: {  	[dreg:$0x1] =	wrdreg $0xFFFFFFFF  }
0xc2: {  	_ =	task.clear_ibuf [dreg:s7], $0x2FFFF;
	_ =	strace $0x9FFFFFFF  }
0xc3: {  	(tm) =	ssettm $0x7FFFFFFF  }
tec
execute0_lowered:
.L_overlay_start_1:
0x0: {  	(tag) =	ssettag $0x1  }
0x1: {  	s30 =	stileid.u32  }
0x2: {  	s5 =	smul.u32 $0x2710, s30  }
0x3: {  	s0 =	srdreg.scid;
	s8 =	smul.u32 $0x50000, s30  }
0x4: {  	s0 =	sand.u32 $0x1, s0;
	s14 =	smul.u32 $0x14000, s30  }
0x5: {  	s1 =	smul.u32 $0x27100, s0  }
0x6: {  	s6 =	sshll.u32 s30, $0x3;
	s25 =	sshllo.u32 s30, $0x3;
	s13 =	smul.u32 $0x138800, s0  }
0x7: {  	s9 =	sor.u32 $0x1, s6;
	s21 =	smul.u32 $0x2800, s25  }
0x8: {  	s7 =	rddreg [dreg:$0x0];
	s11 =	sor.u32 $0x2, s6;
	s10 =	smul.u32 $0xA000, s9  }
0x9: {  	s17 =	rddreg [dreg:$0x1];
	s12 =	smul.u32 $0xA000, s11  }
0xa: {  	s2 =	rddreg [dreg:$0x2];
	s3 =	simm.s32 $0x0;
	s9 =	smul.u32 $0x2800, s9  }
0xb: {  	[smem:$0x7FF] =	sst s3;
	s15 =	sor.u32 $0x4, s6;
	s11 =	smul.u32 $0x2800, s11  }
0xc: {  	s4 =	sadd.s32 $0xCC00, s7;
	s18 =	sor.u32 $0x5, s6;
	s19 =	smul.u32 $0x2800, s15  }
0xd: {  	p0 =	seq.s32 s30, $0xF;
	s24 =	sor.u32 $0x6, s6;
	s26 =	smul.u32 $0x2800, s18  }
0xe: {  	s30 =	simm.s32 $0x0;
	_ =	strace $0x80000047;
	s31 =	smul.u32 $0x2800, s24  }
0xf: {  	s0 =	ssub.s32 $0x2, s0;
	p2 =	sgt.u32 s25, $0x7C;
	s28 =	smul.u32 $0xA000, s15  }
0x10: {  	s20 =	sshrl.u32 s0, $0x1;
	s29 =	smul.u32 $0xA000, s18;
	p1 =	sgt.u32 s24, $0x7C  }
0x11: {  	s1 =	sadd.s32 s5, s1;
	s5 =	sor.u32 $0x3, s6;
	s0 =	ssub.s32 s0, s20  }
0x12: {  	s14 =	sadd.s32 s14, s13;
	s21 =	sadd.s32 s13, s21;
	s1 =	sshrl.u32 s1, $0x3  }
0x13: {  	s16 =	smul.u32 $0x2800, s5;
	s9 =	sadd.s32 s13, s9;
	s11 =	sadd.s32 s13, s11  }
0x14: {  	s19 =	sadd.s32 s13, s19;
	s22 =	sadd.s32 s13, s26;
	s20 =	sadd.s32 s13, s31  }
0x15: {  	s31 =	smul.u32 $0xA000, s5;
	s26 =	sadd.s32 $0x33E00, s7;
	s10 =	sshrl.u32 s10, $0x2  }
0x16: {  	s18 =	sshrl.u32 s14, $0x3;
	s23 =	sadd.s32 s1, s7;
	s6 =	sadd.s32 s10, s2  }
0x17: {  	s10 =	sadd.s32 s26, s18;
	s11 =	sshrl.u32 s11, $0x3;
	s15 =	sshrl.u32 s19, $0x3  }
0x18: {  	s18 =	sshrl.u32 s20, $0x3;
	s19 =	sshrl.u32 s21, $0x3;
	s20 =	smul.u32 $0xA000, s24  }
0x19: {  	s21 =	sshrl.u32 s28, $0x2;
	s17 =	sadd.s32 s1, s17;
	s24 =	simm.s32 $0x100  }
0x1a: {  	s28 =	simm.s32 $0x50;
	s16 =	sadd.s32 s13, s16;
	s13 =	sshrl.u32 s8, $0x2  }
0x1b: {  	s8 =	sshrl.u32 s31, $0x2;
	s31 =	sshrl.u32 s9, $0x3;
	[dreg:$0x4] =	wrdreg s10  }
0x1c: {  	s11 =	sadd.s32 s26, s11;
	s23 =	sadd.s32 $0x2E00, s23;
	s5 =	sadd.s32 s13, s2  }
0x1d: {  	s13 =	sshrl.u32 s12, $0x2;
	s8 =	sadd.s32 s8, s2;
	s14 =	sshrl.u32 s16, $0x3  }
0x1e: {  	s16 =	sshrl.u32 s22, $0x3;
	s22 =	smul.u32 $0xA000, s25;
	s25 =	simm.s32 $0x2  }
0x1f: {  	s7 =	sadd.s32 s13, s2;
	s13 =	sadd.s32 s26, s31;
	s12 =	sadd.s32 s26, s14  }
0x20: {  	s14 =	sadd.s32 s26, s16;
	s16 =	sadd.s32 s26, s19;
	s31 =	sshrl.u32 s20, $0x2  }
0x21: {  	[dreg:$0x5] =	wrdreg s13;
	s13 =	sadd.s32 s26, s15;
	s15 =	sadd.s32 s26, s18  }
0x22: {  	s18 =	sadd.s32 s21, s2;
	s26 =	sshrl.u32 s29, $0x2;
	s20 =	sadd.s32 s31, s2  }
0x23: {  	s1 =	sshrl.u32 s22, $0x2;
	s22 =	smax.u32 s0, $0x1;
	s29 =	simm.s32 $0x1  }
0x24: {  	v0 =	vimm.f32 $0.0e+00;
	s19 =	sadd.s32 s26, s2;
	s21 =	sadd.s32 s1, s2;
	s26 =	simm.s32 $0x80  }
.LBB2_1:
0x25: {  	s0 =	sand.u32 $0xFE00, s3  }
0x26: {  	s1 =	sand.u32 $0x70, s3;
	s0 =	sshrl.u32 s0, $0x2  }
0x27: {  	s31 =	simm.s32 $0x40;
	s0 =	sor.u32 s1, s0;
	s1 =	simm.s32 $0x0  }
.LBB2_2:
0x28: {  	p3 =	sne.s32 s31, $0x9FC0  }
0x29: {  	[tilespmem:s0+$0x100] =	vst v0;
	s1 =	sadd.s32 $0x10, s1;
	s0 =	smov.u32 s31;
	s31 =	sadd.s32 $0x40, s31  }
.Ltmp0:
0x2a: {  	(pc) =	sbr.rel @p3 .LBB2_2-.Ltmp0, $4  }
0x2b: {  	_ = 	snop  }
0x2c: {  	s0 =	sand.u32 $0xFE00, s0  }
0x2d: {  	s9 =	sand.u32 $0x70, s1;
	s0 =	sshrl.u32 s0, $0x2  }
0x2e: {  	s0 =	sor.u32 s9, s0  }
0x2f: {  	[tilespmem:s0+$0x100] =	vst v0  }
0x30: {  	[spmem:s5] =	stream.linear.scatter [tilespmem:s24], [sflag:$0x2], $0x2800, $0x38;
	[tilespmem:$0x16180] =	vst v63  }
0x31: {  	_ =	swait.ge [sflag:s25], $0x2800  }
0x32: {  	[sflag:s25] =	ssyncset.done $0x0  }
0x33: {  	[sflag:s25] =	ssyncadd.s32 $0xFFFFD800  }
0x34: {  	[spmem:s6] =	stream.linear.scatter [tilespmem:s24], [sflag:$0x2], $0x2800, $0x38;
	[tilespmem:$0x16180] =	vst v63  }
0x35: {  	_ =	swait.ge [sflag:s25], $0x2800  }
0x36: {  	[sflag:s25] =	ssyncset.done $0x0  }
0x37: {  	[sflag:s25] =	ssyncadd.s32 $0xFFFFD800  }
0x38: {  	[spmem:s7] =	stream.linear.scatter [tilespmem:s24], [sflag:$0x2], $0x2800, $0x38;
	[tilespmem:$0x16180] =	vst v63  }
0x39: {  	_ =	swait.ge [sflag:s25], $0x2800  }
0x3a: {  	[sflag:s25] =	ssyncset.done $0x0  }
0x3b: {  	[sflag:s25] =	ssyncadd.s32 $0xFFFFD800  }
0x3c: {  	[spmem:s8] =	stream.linear.scatter [tilespmem:s24], [sflag:$0x2], $0x2800, $0x38;
	[tilespmem:$0x16180] =	vst v63  }
0x3d: {  	_ =	swait.ge [sflag:s25], $0x2800  }
0x3e: {  	[sflag:s25] =	ssyncset.done $0x0  }
0x3f: {  	[sflag:s25] =	ssyncadd.s32 $0xFFFFD800  }
0x40: {  	[spmem:s18] =	stream.linear.scatter [tilespmem:s24], [sflag:$0x2], $0x2800, $0x38;
	[tilespmem:$0x16180] =	vst v63  }
0x41: {  	_ =	swait.ge [sflag:s25], $0x2800  }
0x42: {  	[sflag:s25] =	ssyncset.done $0x0  }
0x43: {  	s0 =	simm.s32 @!p0 $0x100;
	[sflag:s25] =	ssyncadd.s32 $0xFFFFD800  }
0x44: {  	[spmem:s19] =	stream.linear.scatter @!p0 [tilespmem:s0], [sflag:$0x2], $0x2800, $0x38;
	[tilespmem:$0x16180] =	vst v63  }
0x45: {  	s0 =	simm.s32 @!p0 $0x2  }
0x46: {  	_ =	swait.ge @!p0 [sflag:s0], $0x2800  }
0x47: {  	[sflag:s0] =	ssyncset.done @!p0 $0x0  }
0x48: {  	[sflag:s0] =	ssyncadd.s32 @!p0 $0xFFFFD800;
	s0 =	simm.s32 @!p1 $0x100  }
0x49: {  	[spmem:s20] =	stream.linear.scatter @!p1 [tilespmem:s0], [sflag:$0x2], $0x2800, $0x38;
	[tilespmem:$0x16180] =	vst v63  }
0x4a: {  	s0 =	simm.s32 @!p1 $0x2  }
0x4b: {  	_ =	swait.ge @!p1 [sflag:s0], $0x2800  }
0x4c: {  	[sflag:s0] =	ssyncset.done @!p1 $0x0  }
0x4d: {  	[sflag:s0] =	ssyncadd.s32 @!p1 $0xFFFFD800;
	s0 =	simm.s32 @!p2 $0x100  }
0x4e: {  	[spmem:s21] =	stream.linear.scatter @!p2 [tilespmem:s0], [sflag:$0x2], $0x2800, $0x38;
	[tilespmem:$0x16180] =	vst v63  }
0x4f: {  	s0 =	simm.s32 @!p2 $0x2  }
0x50: {  	_ =	swait.ge @!p2 [sflag:s0], $0x2800  }
0x51: {  	[sflag:s0] =	ssyncset.done @!p2 $0x0  }
0x52: {  	[sflag:s0] =	ssyncadd.s32 @!p2 $0xFFFFD800  }
0x53: {  	s9 =	sadd.s32 $0x0, s23;
	[bflag:$0x0] =	sbarrier.arrive $0xFFFF  }
0x54: {  	[tilespmem:s3], [sflag:$0x2] =	stream.linear.gather [hbm4b:s9+s3], $0x50, $0x38;
	[tilespmem:$0x16180] =	vst v63  }
0x55: {  	_ =	swait.ge [sflag:s25], $0x50  }
0x56: {  	[sflag:s25] =	ssyncset.done $0x0  }
0x57: {  	s10 =	sadd.s32 $0x0, s17;
	[sflag:s25] =	ssyncadd.s32 $0xFFFFFFB0  }
0x58: {  	[tilespmem:s26], [sflag:$0x2] =	stream.linear.gather [hbm4b:s10+s3], $0x50, $0x38;
	[tilespmem:$0x16180] =	vst v63  }
0x59: {  	_ =	swait.ge [sflag:s25], $0x50  }
0x5a: {  	[sflag:s25] =	ssyncset.done $0x0  }
0x5b: {  	[sflag:s25] =	ssyncadd.s32 $0xFFFFFFB0  }
0x5c: {  	[tilespmem:s24], [sflag:$0x1] =	stream.indirect.gather [hbm4b:s4+s28], $0x80, s3, s28, $0xb8;
	[tilespmem:$0x16180] =	vst v63  }
0x5d: {  	_ =	swait.ge [sflag:s29], $0x2800  }
0x5e: {  	[sflag:s29] =	ssyncset.done $0x0  }
0x5f: {  	[sflag:s29] =	ssyncadd.s32 $0xFFFFD800  }
0x60: {  	[spmem:s2] =	stream.indirect.scatter.add.f32 [tilespmem:s24], [sflag:$0x2], $0x80, s26, s28, $0xb8;
	[tilespmem:$0x16180] =	vst v63  }
0x61: {  	_ =	swait.ge [sflag:s25], $0x2800  }
0x62: {  	s31 =	simm.s32 $0xA;
	s1 =	simm.s32 $0x14;
	[sflag:s25] =	ssyncset.done $0x0  }
.LBB2_4:
0x63: {  	s0 =	sadd.s32 s31, s23  }
0x64: {  	[sflag:s25] =	ssyncadd.s32 $0xFFFFD800;
	s9 =	smov.u32 s1;
	s10 =	sadd.s32 $0xA, s1  }
0x65: {  	[tilespmem:s3], [sflag:$0x2] =	stream.linear.gather [hbm4b:s0+s3], $0x50, $0x38;
	[tilespmem:$0x16180] =	vst v63  }
0x66: {  	p3 =	sne.s32 s1, $0x4D8;
	_ =	swait.ge [sflag:s25], $0x50  }
0x67: {  	[sflag:s25] =	ssyncset.done $0x0  }
0x68: {  	s0 =	sadd.s32 s31, s17;
	s31 =	smov.u32 s9;
	[sflag:s25] =	ssyncadd.s32 $0xFFFFFFB0  }
0x69: {  	[tilespmem:s26], [sflag:$0x2] =	stream.linear.gather [hbm4b:s0+s3], $0x50, $0x38;
	[tilespmem:$0x16180] =	vst v63  }
0x6a: {  	_ =	swait.ge [sflag:s25], $0x50  }
0x6b: {  	[sflag:s25] =	ssyncset.done $0x0  }
0x6c: {  	[sflag:s25] =	ssyncadd.s32 $0xFFFFFFB0  }
0x6d: {  	[tilespmem:s24], [sflag:$0x1] =	stream.indirect.gather [hbm4b:s4+s28], $0x80, s3, s28, $0xb8;
	[tilespmem:$0x16180] =	vst v63  }
0x6e: {  	_ =	swait.ge [sflag:s29], $0x2800  }
.Ltmp1:
0x6f: {  	[sflag:s29] =	ssyncset.done $0x0;
	(pc) =	sbr.rel @p3 .LBB2_4-.Ltmp1, $4  }
0x70: {  	[sflag:s29] =	ssyncadd.s32 $0xFFFFD800  }
0x71: {  	[spmem:s2] =	stream.indirect.scatter.add.f32 [tilespmem:s24], [sflag:$0x2], $0x80, s26, s28, $0xb8;
	[tilespmem:$0x16180] =	vst v63  }
0x72: {  	_ =	swait.ge [sflag:s25], $0x2800  }
0x73: {  	s1 =	smov.u32 s10;
	[sflag:s25] =	ssyncset.done $0x0  }
0x74: {  	s0 =	sadd.s32 s31, s23;
	[sflag:s25] =	ssyncadd.s32 $0xFFFFD800  }
0x75: {  	[tilespmem:s3], [sflag:$0x2] =	stream.linear.gather [hbm4b:s0+s3], $0x50, $0x38;
	[tilespmem:$0x16180] =	vst v63  }
0x76: {  	_ =	swait.ge [sflag:s25], $0x50  }
0x77: {  	[sflag:s25] =	ssyncset.done $0x0  }
0x78: {  	s1 =	sadd.s32 s31, s17;
	[sflag:s25] =	ssyncadd.s32 $0xFFFFFFB0  }
0x79: {  	[tilespmem:s26], [sflag:$0x2] =	stream.linear.gather [hbm4b:s1+s3], $0x50, $0x38;
	[tilespmem:$0x16180] =	vst v63  }
0x7a: {  	_ =	swait.ge [sflag:s25], $0x50  }
0x7b: {  	[sflag:s25] =	ssyncset.done $0x0  }
0x7c: {  	[sflag:s25] =	ssyncadd.s32 $0xFFFFFFB0  }
0x7d: {  	[tilespmem:s24], [sflag:$0x1] =	stream.indirect.gather [hbm4b:s4+s28], $0x80, s3, s28, $0xb8;
	[tilespmem:$0x16180] =	vst v63  }
0x7e: {  	_ =	swait.ge [sflag:s29], $0x2800  }
0x7f: {  	[sflag:s29] =	ssyncset.done $0x0  }
0x80: {  	[sflag:s29] =	ssyncadd.s32 $0xFFFFD800  }
0x81: {  	[spmem:s2] =	stream.indirect.scatter.add.f32 [tilespmem:s24], [sflag:$0x2], $0x80, s26, s28, $0xb8;
	[tilespmem:$0x16180] =	vst v63  }
0x82: {  	_ =	swait.ge [sflag:s25], $0x2800  }
0x83: {  	[sflag:s25] =	ssyncset.done $0x0  }
0x84: {  	s9 =	stileid.u32;
	[sflag:s25] =	ssyncadd.s32 $0xFFFFD800  }
0x85: {  	s0 =	sshll.u32 s9, $0x6;
	[bflag:$0x0] =	sbarrier.arrive $0xFFFF  }
0x86: {  	s0 =	sor.u32 $0x1C02, s0;
	s1 =	sshrl.u32 s5, $0x3;
	s9 =	rddreg [dreg:$0x4]  }
0x87: {  	[hbm:s9], [sflag:s0] =	dma.local [spmem:s1], $0x500  }
0x88: {  	_ =	swait.ge [sflag:s25], $0x500  }
0x89: {  	[sflag:s25] =	ssyncset.done $0x0  }
0x8a: {  	s10 =	sshrl.u32 s6, $0x3;
	s31 =	rddreg [dreg:$0x5];
	[sflag:s25] =	ssyncadd.s32 $0xFFFFFB00  }
0x8b: {  	[hbm:s31], [sflag:s0] =	dma.local [spmem:s10], $0x500  }
0x8c: {  	_ =	swait.ge [sflag:s25], $0x500  }
0x8d: {  	[sflag:s25] =	ssyncset.done $0x0  }
0x8e: {  	s9 =	sshrl.u32 s7, $0x3;
	[sflag:s25] =	ssyncadd.s32 $0xFFFFFB00  }
0x8f: {  	[hbm:s11], [sflag:s0] =	dma.local [spmem:s9], $0x500  }
0x90: {  	_ =	swait.ge [sflag:s25], $0x500  }
0x91: {  	[sflag:s25] =	ssyncset.done $0x0  }
0x92: {  	s10 =	sshrl.u32 s8, $0x3;
	[sflag:s25] =	ssyncadd.s32 $0xFFFFFB00  }
0x93: {  	[hbm:s12], [sflag:s0] =	dma.local [spmem:s10], $0x500  }
0x94: {  	_ =	swait.ge [sflag:s25], $0x500  }
0x95: {  	[sflag:s25] =	ssyncset.done $0x0  }
0x96: {  	s31 =	sshrl.u32 s18, $0x3;
	[sflag:s25] =	ssyncadd.s32 $0xFFFFFB00  }
0x97: {  	[hbm:s13], [sflag:s0] =	dma.local [spmem:s31], $0x500  }
0x98: {  	_ =	swait.ge [sflag:s25], $0x500  }
0x99: {  	[sflag:s25] =	ssyncset.done $0x0  }
0x9a: {  	s1 =	sshrl.u32 @!p0 s19, $0x3;
	[sflag:s25] =	ssyncadd.s32 $0xFFFFFB00  }
0x9b: {  	[hbm:s14], [sflag:s0] =	dma.local @!p0 [spmem:s1], $0x500  }
0x9c: {  	s1 =	simm.s32 @!p0 $0x2  }
0x9d: {  	_ =	swait.ge @!p0 [sflag:s1], $0x500  }
0x9e: {  	[sflag:s1] =	ssyncset.done @!p0 $0x0  }
0x9f: {  	[sflag:s1] =	ssyncadd.s32 @!p0 $0xFFFFFB00;
	s1 =	sshrl.u32 @!p1 s20, $0x3  }
0xa0: {  	[hbm:s15], [sflag:s0] =	dma.local @!p1 [spmem:s1], $0x500  }
0xa1: {  	s1 =	simm.s32 @!p1 $0x2  }
0xa2: {  	_ =	swait.ge @!p1 [sflag:s1], $0x500  }
0xa3: {  	s30 =	sadd.s32 $0x1, s30;
	[sflag:s1] =	ssyncset.done @!p1 $0x0  }
0xa4: {  	p3 =	sne.s32 s30, s22;
	[sflag:s1] =	ssyncadd.s32 @!p1 $0xFFFFFB00;
	s1 =	sshrl.u32 @!p2 s21, $0x3  }
0xa5: {  	[hbm:s16], [sflag:s0] =	dma.local @!p2 [spmem:s1], $0x500  }
.Ltmp2:
0xa6: {  	_ = 	snop;
	(pc) =	sbr.rel @p3 .LBB2_1-.Ltmp2, $4  }
0xa7: {  	s0 =	simm.s32 @!p2 $0x2  }
0xa8: {  	_ =	swait.ge @!p2 [sflag:s0], $0x500  }
0xa9: {  	[sflag:s0] =	ssyncset.done @!p2 $0x0  }
0xaa: {  	[sflag:s0] =	ssyncadd.s32 @!p2 $0xFFFFFB00  }
0xab: {  	_ =	sfence.sel $0x180000  }
0xac: {  	[bflag:$0x0] =	sbarrier.arrive $0xFFFF  }
0xad: {  	_ =	strace $0x90000047  }
0xae: {  	s0 =	stileid.u32;
	[bflag:$0x2] =	sbarrier.arrive $0xFFFF  }
0xaf: {  	p0 =	sne.s32 s0, $0x0;
	s0 =	rddreg [dreg:$0x3]  }
0xb0: {  	s0 =	sadd.s32 @!p0 $0x100000, s0  }
0xb1: {  	[sflag:s0] =	ssyncadd.tile.s32 @!p0 $0x1;
	_ =	shalt  }
.Lfunc_end2:
_tile_overlayer_lowered:
.L_overlay_start_2:
0xb2: {  	(tag) =	ssettag $0x2  }
0xb3: {  	s0 =	rddreg [dreg:$0x0];
	s2 =	stileid.u32  }
0xb4: {  	s1 =	rddreg [dreg:$0x1];
	p0 =	sne.s32 s2, $0x0  }
0xb5: {  	s3 =	rddreg [dreg:$0x2];
	[bflag:$0x3] =	sbarrier.arrive $0xFFFF;
	s2 =	simm.s32 @!p0 $0x1C02  }
0xb6: {  	[timem:s3], [sflag:s2] =	dma.local @!p0 [hbm:s0], s1  }
0xb7: {  	s0 =	simm.s32 @!p0 $0x2  }
0xb8: {  	_ =	swait.ge @!p0 [sflag:s0], s1  }
0xb9: {  	s1 =	ssub.s32 @!p0 $0x0, s1;
	[sflag:s0] =	ssyncset.done @!p0 $0x0  }
0xba: {  	[sflag:s0] =	ssyncadd.s32 @!p0 s1  }
0xbb: {  	[bflag:$0x3] =	sbarrier.arrive $0xFFFF  }
0xbc: {  	_ =	shalt  }

</sc_bundles>
